<compile_context>
chip_gen: v7x
topology: tpu7x:2x2x1
jax: 0.10.2.dev20260603
libtpu: 0.0.44.dev20260713+nightly
codegen_flags: <defaults>
</compile_context>

<pallas_src>
import functools

import jax
import jax.numpy as jnp
from jax import lax
from jax.experimental import pallas as pl
from jax.experimental.pallas import tpu as pltpu
from jax.experimental.pallas import tpu_sc as plsc

BATCH = 4096
SEQ_LEN = 200
EMBED_DIM = 128
VOCAB = 4097
TOTAL = BATCH * SEQ_LEN

NUM_CORES = 2
NUM_SUBCORES = 16
NUM_WORKERS = NUM_CORES * NUM_SUBCORES
PER_WORKER = TOTAL // NUM_WORKERS

CHUNK = 64
NBUF = 10
GAHEAD = 5
SWAIT = NBUF - GAHEAD
NUM_CHUNKS = PER_WORKER // CHUNK
NUM_GROUPS = NUM_CHUNKS // NBUF


def _embed_kernel(table_hbm, seq_hbm, out_hbm, table_sh, idx_v, rows_v,
                  isem, *sems):
    gsem = sems[:NBUF]
    ssem = sems[NBUF:2 * NBUF]
    stsem = sems[2 * NBUF]
    cid = lax.axis_index("c")
    sid = lax.axis_index("s")
    wid = sid * NUM_CORES + cid
    base = wid * PER_WORKER

    def icopy_desc(i, b):
        return pltpu.make_async_copy(
            seq_hbm.at[pl.ds(base + i * CHUNK, CHUNK)],
            idx_v.at[pl.ds(b * CHUNK, CHUNK)],
            isem,
        )

    def gather_desc(i, b):
        return pltpu.make_async_copy(
            table_sh.at[idx_v.at[pl.ds(b * CHUNK, CHUNK)]],
            rows_v.at[pl.ds(b * CHUNK, CHUNK)],
            gsem[b],
        )

    def gather_hbm_desc(i, b):
        return pltpu.make_async_copy(
            table_hbm.at[idx_v.at[pl.ds(b * CHUNK, CHUNK)]],
            rows_v.at[pl.ds(b * CHUNK, CHUNK)],
            gsem[b],
        )

    def store_desc(i, b):
        return pltpu.make_async_copy(
            rows_v.at[pl.ds(b * CHUNK, CHUNK)],
            out_hbm.at[pl.ds(base + i * CHUNK, CHUNK)],
            ssem[b],
        )

    for b in range(NBUF):
        icopy_desc(b, b).start()
    stage = pltpu.make_async_copy(table_hbm.at[pl.ds(sid * 256, 256)],
                                  table_sh.at[pl.ds(sid * 256, 256)],
                                  stsem)
    stage.start()

    @pl.when(sid == NUM_SUBCORES - 1)
    def _():
        pltpu.sync_copy(table_hbm.at[pl.ds(VOCAB - 1, 1)],
                        table_sh.at[pl.ds(VOCAB - 1, 1)])

    for j in range(GAHEAD):
        icopy_desc(j, j).wait()
        gather_hbm_desc(j, j).start()

    stage.wait()
    plsc.subcore_barrier()

    def step(i, b, has_swait=True, has_gahead=True, has_icopy=True):
        sg = (b + GAHEAD) % NBUF
        gather_desc(i, b).wait()
        store_desc(i, b).start()
        if has_swait:
            store_desc(i - SWAIT, sg).wait()
        if has_gahead:
            icopy_desc(i + GAHEAD, sg).wait()
            gather_desc(i + GAHEAD, sg).start()
        if has_icopy:
            icopy_desc(i + NBUF, b).start()

    for b in range(NBUF):
        step(b, b, has_swait=(b >= SWAIT))

    def group_body(g, carry):
        i0 = g * NBUF
        for b in range(NBUF):
            step(i0 + b, b)
        return carry

    lax.fori_loop(1, NUM_GROUPS - 1, group_body, 0)

    i0 = (NUM_GROUPS - 1) * NBUF
    for b in range(NBUF):
        step(i0 + b, b,
             has_gahead=(b + GAHEAD < NBUF),
             has_icopy=False)
    for j in range(NUM_CHUNKS - SWAIT, NUM_CHUNKS):
        store_desc(j, j % NBUF).wait()


@jax.jit
def _embed(sequences_flat, table):
    mesh = plsc.VectorSubcoreMesh(core_axis_name="c", subcore_axis_name="s")
    k = functools.partial(
        pl.kernel,
        mesh=mesh,
        out_type=jax.ShapeDtypeStruct((TOTAL, EMBED_DIM), jnp.float32),
        scratch_types=[
            pltpu.VMEM_SHARED((VOCAB, EMBED_DIM), jnp.float32),
            pltpu.VMEM((NBUF * CHUNK,), jnp.int32),
            pltpu.VMEM((NBUF * CHUNK, EMBED_DIM), jnp.float32),
        ] + [pltpu.SemaphoreType.DMA] * (2 + 2 * NBUF),
    )(_embed_kernel)
    return k(table, sequences_flat)


def kernel(sequences, table):
    flat = sequences.reshape(TOTAL).astype(jnp.int32)
    out = _embed(flat, table)
    return out.reshape(BATCH, SEQ_LEN, EMBED_DIM)

# --- scband reference (transcript-rebuilt; emitter-appended) ---
"""Pipeline reference for scband-dnaembedding-9732395892787 (READ-ONLY COPY).

The authoritative reference and input builder live on the scoring server;
editing this copy changes nothing except your own understanding.
"""

import jax, jax.numpy as jnp
import numpy as np

VOCAB_SIZE = 4097  # 4^6 kmers + 1 null token
EMBED_DIM = 128
BATCH = 4096
SEQ_LEN = 200
INIT_STD = 0.1


def setup_inputs(seed: int = 0) -> dict:
    key = jax.random.key(seed)
    k_idx, k_tab = jax.random.split(key)
    sequences = jax.random.randint(k_idx, (BATCH, SEQ_LEN), 0, VOCAB_SIZE, dtype=jnp.int64 if jax.config.jax_enable_x64 else jnp.int32)
    table = jax.random.normal(k_tab, (VOCAB_SIZE, EMBED_DIM), dtype=jnp.float32) * INIT_STD
    # padding_idx=0 row is zeroed at init (mirrors _init_weights)
    table = table.at[0].set(0.0)
    return {"sequences": sequences, "table": table}


def reference(sequences, table):
    # nn.Embedding lookup: gather rows of the table by token index
    embedded = jnp.take(table, sequences, axis=0)  # (B, L, D)
    return embedded

if __name__ == "__main__":
    import jax
    _d = setup_inputs()
    print(jax.jit(kernel)(*tuple(_d.values())))

</pallas_src>

<mosaic_0001>
#map = affine_map<(d0, d1) -> (0, 0)>
#map1 = affine_map<(d0, d1) -> (0)>
module attributes {stable_mosaic.version = 14 : i64} {
  func.func @_embed_kernel(%arg0: i32, %arg1: i32, %arg2: memref<4097x128xf32, #tpu.memory_space<hbm>>, %arg3: memref<819200xi32, #tpu.memory_space<hbm>>, %arg4: memref<819200x128xf32, #tpu.memory_space<hbm>>, %arg5: memref<4097x128xf32, #tpu.memory_space<vmem_shared>>, %arg6: memref<640xi32, #tpu.memory_space<vmem>>, %arg7: memref<640x128xf32, #tpu.memory_space<vmem>>, %arg8: memref<!tpu.dma_semaphore, #tpu.memory_space<semaphore_mem>>, %arg9: memref<!tpu.dma_semaphore, #tpu.memory_space<semaphore_mem>>, %arg10: memref<!tpu.dma_semaphore, #tpu.memory_space<semaphore_mem>>, %arg11: memref<!tpu.dma_semaphore, #tpu.memory_space<semaphore_mem>>, %arg12: memref<!tpu.dma_semaphore, #tpu.memory_space<semaphore_mem>>, %arg13: memref<!tpu.dma_semaphore, #tpu.memory_space<semaphore_mem>>, %arg14: memref<!tpu.dma_semaphore, #tpu.memory_space<semaphore_mem>>, %arg15: memref<!tpu.dma_semaphore, #tpu.memory_space<semaphore_mem>>, %arg16: memref<!tpu.dma_semaphore, #tpu.memory_space<semaphore_mem>>, %arg17: memref<!tpu.dma_semaphore, #tpu.memory_space<semaphore_mem>>, %arg18: memref<!tpu.dma_semaphore, #tpu.memory_space<semaphore_mem>>, %arg19: memref<!tpu.dma_semaphore, #tpu.memory_space<semaphore_mem>>, %arg20: memref<!tpu.dma_semaphore, #tpu.memory_space<semaphore_mem>>, %arg21: memref<!tpu.dma_semaphore, #tpu.memory_space<semaphore_mem>>, %arg22: memref<!tpu.dma_semaphore, #tpu.memory_space<semaphore_mem>>, %arg23: memref<!tpu.dma_semaphore, #tpu.memory_space<semaphore_mem>>, %arg24: memref<!tpu.dma_semaphore, #tpu.memory_space<semaphore_mem>>, %arg25: memref<!tpu.dma_semaphore, #tpu.memory_space<semaphore_mem>>, %arg26: memref<!tpu.dma_semaphore, #tpu.memory_space<semaphore_mem>>, %arg27: memref<!tpu.dma_semaphore, #tpu.memory_space<semaphore_mem>>, %arg28: memref<!tpu.dma_semaphore, #tpu.memory_space<semaphore_mem>>, %arg29: memref<!tpu.dma_semaphore, #tpu.memory_space<semaphore_mem>>) attributes {dimension_semantics = [#tpu.dimension_semantics<core_parallel>, #tpu.dimension_semantics<subcore_parallel>], iteration_bounds = array<i64: 2, 16>, scalar_prefetch = 0 : i64, scratch_operands = 25 : i64, tpu.core_type = #tpu.core_type<sc_vector_subcore>, window_params = [{transform_indices = #map}, {transform_indices = #map1}, {transform_indices = #map}]} {
    %mul3A = arith.constant 2 : i32
    %mul3A_0 = arith.muli %arg1, %mul3A : i32
    %add3A = arith.addi %mul3A_0, %arg0 : i32
    %mul3A_1 = arith.constant 25600 : i32
    %mul3A_2 = arith.muli %add3A, %mul3A_1 : i32
    %add3A_3 = arith.constant 0 : i32
    %add3A_4 = arith.addi %mul3A_2, %add3A_3 : i32
    %dma_start3A = arith.constant 0 : i32
    %dma_start3A_5 = tpu.memref_slice %arg6[%dma_start3A] : memref<640xi32, #tpu.memory_space<vmem>> -> memref<64xi32, #tpu.memory_space<vmem>>
    %dma_start3A_6 = tpu.memref_slice %arg3[%add3A_4] : memref<819200xi32, #tpu.memory_space<hbm>> -> memref<64xi32, #tpu.memory_space<hbm>>
    %dma_start3A_7 = arith.constant 0 : i32
    %dma_start3A_8 = tpu.memref_slice %arg6[%dma_start3A_7] : memref<640xi32, #tpu.memory_space<vmem>> -> memref<64xi32, #tpu.memory_space<vmem>>
    %dma_start3A_9 = tpu.memref_slice %arg3[%add3A_4] : memref<819200xi32, #tpu.memory_space<hbm>> -> memref<64xi32, #tpu.memory_space<hbm>>
    tpu.enqueue_dma source(%dma_start3A_9 : memref<64xi32, #tpu.memory_space<hbm>>) target(%dma_start3A_8 : memref<64xi32, #tpu.memory_space<vmem>>) target_semaphore(%arg8 : memref<!tpu.dma_semaphore, #tpu.memory_space<semaphore_mem>>)
    %add3A_10 = arith.constant 64 : i32
    %add3A_11 = arith.addi %mul3A_2, %add3A_10 : i32
    %dma_start3A_12 = arith.constant 64 : i32
    %dma_start3A_13 = tpu.memref_slice %arg6[%dma_start3A_12] : memref<640xi32, #tpu.memory_space<vmem>> -> memref<64xi32, #tpu.memory_space<vmem>>
    %dma_start3A_14 = tpu.memref_slice %arg3[%add3A_11] : memref<819200xi32, #tpu.memory_space<hbm>> -> memref<64xi32, #tpu.memory_space<hbm>>
    %dma_start3A_15 = arith.constant 64 : i32
    %dma_start3A_16 = tpu.memref_slice %arg6[%dma_start3A_15] : memref<640xi32, #tpu.memory_space<vmem>> -> memref<64xi32, #tpu.memory_space<vmem>>
    %dma_start3A_17 = tpu.memref_slice %arg3[%add3A_11] : memref<819200xi32, #tpu.memory_space<hbm>> -> memref<64xi32, #tpu.memory_space<hbm>>
    tpu.enqueue_dma source(%dma_start3A_17 : memref<64xi32, #tpu.memory_space<hbm>>) target(%dma_start3A_16 : memref<64xi32, #tpu.memory_space<vmem>>) target_semaphore(%arg8 : memref<!tpu.dma_semaphore, #tpu.memory_space<semaphore_mem>>)
    %add3A_18 = arith.constant 128 : i32
    %add3A_19 = arith.addi %mul3A_2, %add3A_18 : i32
    %dma_start3A_20 = arith.constant 128 : i32
    %dma_start3A_21 = tpu.memref_slice %arg6[%dma_start3A_20] : memref<640xi32, #tpu.memory_space<vmem>> -> memref<64xi32, #tpu.memory_space<vmem>>
    %dma_start3A_22 = tpu.memref_slice %arg3[%add3A_19] : memref<819200xi32, #tpu.memory_space<hbm>> -> memref<64xi32, #tpu.memory_space<hbm>>
    %dma_start3A_23 = arith.constant 128 : i32
    %dma_start3A_24 = tpu.memref_slice %arg6[%dma_start3A_23] : memref<640xi32, #tpu.memory_space<vmem>> -> memref<64xi32, #tpu.memory_space<vmem>>
    %dma_start3A_25 = tpu.memref_slice %arg3[%add3A_19] : memref<819200xi32, #tpu.memory_space<hbm>> -> memref<64xi32, #tpu.memory_space<hbm>>
    tpu.enqueue_dma source(%dma_start3A_25 : memref<64xi32, #tpu.memory_space<hbm>>) target(%dma_start3A_24 : memref<64xi32, #tpu.memory_space<vmem>>) target_semaphore(%arg8 : memref<!tpu.dma_semaphore, #tpu.memory_space<semaphore_mem>>)
    %add3A_26 = arith.constant 192 : i32
    %add3A_27 = arith.addi %mul3A_2, %add3A_26 : i32
    %dma_start3A_28 = arith.constant 192 : i32
    %dma_start3A_29 = tpu.memref_slice %arg6[%dma_start3A_28] : memref<640xi32, #tpu.memory_space<vmem>> -> memref<64xi32, #tpu.memory_space<vmem>>
    %dma_start3A_30 = tpu.memref_slice %arg3[%add3A_27] : memref<819200xi32, #tpu.memory_space<hbm>> -> memref<64xi32, #tpu.memory_space<hbm>>
    %dma_start3A_31 = arith.constant 192 : i32
    %dma_start3A_32 = tpu.memref_slice %arg6[%dma_start3A_31] : memref<640xi32, #tpu.memory_space<vmem>> -> memref<64xi32, #tpu.memory_space<vmem>>
    %dma_start3A_33 = tpu.memref_slice %arg3[%add3A_27] : memref<819200xi32, #tpu.memory_space<hbm>> -> memref<64xi32, #tpu.memory_space<hbm>>
    tpu.enqueue_dma source(%dma_start3A_33 : memref<64xi32, #tpu.memory_space<hbm>>) target(%dma_start3A_32 : memref<64xi32, #tpu.memory_space<vmem>>) target_semaphore(%arg8 : memref<!tpu.dma_semaphore, #tpu.memory_space<semaphore_mem>>)
    %add3A_34 = arith.constant 256 : i32
    %add3A_35 = arith.addi %mul3A_2, %add3A_34 : i32
    %dma_start3A_36 = arith.constant 256 : i32
    %dma_start3A_37 = tpu.memref_slice %arg6[%dma_start3A_36] : memref<640xi32, #tpu.memory_space<vmem>> -> memref<64xi32, #tpu.memory_space<vmem>>
    %dma_start3A_38 = tpu.memref_slice %arg3[%add3A_35] : memref<819200xi32, #tpu.memory_space<hbm>> -> memref<64xi32, #tpu.memory_space<hbm>>
    %dma_start3A_39 = arith.constant 256 : i32
    %dma_start3A_40 = tpu.memref_slice %arg6[%dma_start3A_39] : memref<640xi32, #tpu.memory_space<vmem>> -> memref<64xi32, #tpu.memory_space<vmem>>
    %dma_start3A_41 = tpu.memref_slice %arg3[%add3A_35] : memref<819200xi32, #tpu.memory_space<hbm>> -> memref<64xi32, #tpu.memory_space<hbm>>
    tpu.enqueue_dma source(%dma_start3A_41 : memref<64xi32, #tpu.memory_space<hbm>>) target(%dma_start3A_40 : memref<64xi32, #tpu.memory_space<vmem>>) target_semaphore(%arg8 : memref<!tpu.dma_semaphore, #tpu.memory_space<semaphore_mem>>)
    %add3A_42 = arith.constant 320 : i32
    %add3A_43 = arith.addi %mul3A_2, %add3A_42 : i32
    %dma_start3A_44 = arith.constant 320 : i32
    %dma_start3A_45 = tpu.memref_slice %arg6[%dma_start3A_44] : memref<640xi32, #tpu.memory_space<vmem>> -> memref<64xi32, #tpu.memory_space<vmem>>
    %dma_start3A_46 = tpu.memref_slice %arg3[%add3A_43] : memref<819200xi32, #tpu.memory_space<hbm>> -> memref<64xi32, #tpu.memory_space<hbm>>
    %dma_start3A_47 = arith.constant 320 : i32
    %dma_start3A_48 = tpu.memref_slice %arg6[%dma_start3A_47] : memref<640xi32, #tpu.memory_space<vmem>> -> memref<64xi32, #tpu.memory_space<vmem>>
    %dma_start3A_49 = tpu.memref_slice %arg3[%add3A_43] : memref<819200xi32, #tpu.memory_space<hbm>> -> memref<64xi32, #tpu.memory_space<hbm>>
    tpu.enqueue_dma source(%dma_start3A_49 : memref<64xi32, #tpu.memory_space<hbm>>) target(%dma_start3A_48 : memref<64xi32, #tpu.memory_space<vmem>>) target_semaphore(%arg8 : memref<!tpu.dma_semaphore, #tpu.memory_space<semaphore_mem>>)
    %add3A_50 = arith.constant 384 : i32
    %add3A_51 = arith.addi %mul3A_2, %add3A_50 : i32
    %dma_start3A_52 = arith.constant 384 : i32
    %dma_start3A_53 = tpu.memref_slice %arg6[%dma_start3A_52] : memref<640xi32, #tpu.memory_space<vmem>> -> memref<64xi32, #tpu.memory_space<vmem>>
    %dma_start3A_54 = tpu.memref_slice %arg3[%add3A_51] : memref<819200xi32, #tpu.memory_space<hbm>> -> memref<64xi32, #tpu.memory_space<hbm>>
    %dma_start3A_55 = arith.constant 384 : i32
    %dma_start3A_56 = tpu.memref_slice %arg6[%dma_start3A_55] : memref<640xi32, #tpu.memory_space<vmem>> -> memref<64xi32, #tpu.memory_space<vmem>>
    %dma_start3A_57 = tpu.memref_slice %arg3[%add3A_51] : memref<819200xi32, #tpu.memory_space<hbm>> -> memref<64xi32, #tpu.memory_space<hbm>>
    tpu.enqueue_dma source(%dma_start3A_57 : memref<64xi32, #tpu.memory_space<hbm>>) target(%dma_start3A_56 : memref<64xi32, #tpu.memory_space<vmem>>) target_semaphore(%arg8 : memref<!tpu.dma_semaphore, #tpu.memory_space<semaphore_mem>>)
    %add3A_58 = arith.constant 448 : i32
    %add3A_59 = arith.addi %mul3A_2, %add3A_58 : i32
    %dma_start3A_60 = arith.constant 448 : i32
    %dma_start3A_61 = tpu.memref_slice %arg6[%dma_start3A_60] : memref<640xi32, #tpu.memory_space<vmem>> -> memref<64xi32, #tpu.memory_space<vmem>>
    %dma_start3A_62 = tpu.memref_slice %arg3[%add3A_59] : memref<819200xi32, #tpu.memory_space<hbm>> -> memref<64xi32, #tpu.memory_space<hbm>>
    %dma_start3A_63 = arith.constant 448 : i32
    %dma_start3A_64 = tpu.memref_slice %arg6[%dma_start3A_63] : memref<640xi32, #tpu.memory_space<vmem>> -> memref<64xi32, #tpu.memory_space<vmem>>
    %dma_start3A_65 = tpu.memref_slice %arg3[%add3A_59] : memref<819200xi32, #tpu.memory_space<hbm>> -> memref<64xi32, #tpu.memory_space<hbm>>
    tpu.enqueue_dma source(%dma_start3A_65 : memref<64xi32, #tpu.memory_space<hbm>>) target(%dma_start3A_64 : memref<64xi32, #tpu.memory_space<vmem>>) target_semaphore(%arg8 : memref<!tpu.dma_semaphore, #tpu.memory_space<semaphore_mem>>)
    %add3A_66 = arith.constant 512 : i32
    %add3A_67 = arith.addi %mul3A_2, %add3A_66 : i32
    %dma_start3A_68 = arith.constant 512 : i32
    %dma_start3A_69 = tpu.memref_slice %arg6[%dma_start3A_68] : memref<640xi32, #tpu.memory_space<vmem>> -> memref<64xi32, #tpu.memory_space<vmem>>
    %dma_start3A_70 = tpu.memref_slice %arg3[%add3A_67] : memref<819200xi32, #tpu.memory_space<hbm>> -> memref<64xi32, #tpu.memory_space<hbm>>
    %dma_start3A_71 = arith.constant 512 : i32
    %dma_start3A_72 = tpu.memref_slice %arg6[%dma_start3A_71] : memref<640xi32, #tpu.memory_space<vmem>> -> memref<64xi32, #tpu.memory_space<vmem>>
    %dma_start3A_73 = tpu.memref_slice %arg3[%add3A_67] : memref<819200xi32, #tpu.memory_space<hbm>> -> memref<64xi32, #tpu.memory_space<hbm>>
    tpu.enqueue_dma source(%dma_start3A_73 : memref<64xi32, #tpu.memory_space<hbm>>) target(%dma_start3A_72 : memref<64xi32, #tpu.memory_space<vmem>>) target_semaphore(%arg8 : memref<!tpu.dma_semaphore, #tpu.memory_space<semaphore_mem>>)
    %add3A_74 = arith.constant 576 : i32
    %add3A_75 = arith.addi %mul3A_2, %add3A_74 : i32
    %dma_start3A_76 = arith.constant 576 : i32
    %dma_start3A_77 = tpu.memref_slice %arg6[%dma_start3A_76] : memref<640xi32, #tpu.memory_space<vmem>> -> memref<64xi32, #tpu.memory_space<vmem>>
    %dma_start3A_78 = tpu.memref_slice %arg3[%add3A_75] : memref<819200xi32, #tpu.memory_space<hbm>> -> memref<64xi32, #tpu.memory_space<hbm>>
    %dma_start3A_79 = arith.constant 576 : i32
    %dma_start3A_80 = tpu.memref_slice %arg6[%dma_start3A_79] : memref<640xi32, #tpu.memory_space<vmem>> -> memref<64xi32, #tpu.memory_space<vmem>>
    %dma_start3A_81 = tpu.memref_slice %arg3[%add3A_75] : memref<819200xi32, #tpu.memory_space<hbm>> -> memref<64xi32, #tpu.memory_space<hbm>>
    tpu.enqueue_dma source(%dma_start3A_81 : memref<64xi32, #tpu.memory_space<hbm>>) target(%dma_start3A_80 : memref<64xi32, #tpu.memory_space<vmem>>) target_semaphore(%arg8 : memref<!tpu.dma_semaphore, #tpu.memory_space<semaphore_mem>>)
    %mul3A_82 = arith.constant 256 : i32
    %mul3A_83 = arith.muli %arg1, %mul3A_82 : i32
    %mul3A_84 = arith.constant 256 : i32
    %mul3A_85 = arith.muli %arg1, %mul3A_84 : i32
    %dma_start3A_86 = arith.constant 0 : i32
    %dma_start3A_87 = tpu.memref_slice %arg5[%mul3A_85, %dma_start3A_86] : memref<4097x128xf32, #tpu.memory_space<vmem_shared>> -> memref<256x128xf32, #tpu.memory_space<vmem_shared>>
    %dma_start3A_88 = arith.constant 0 : i32
    %dma_start3A_89 = tpu.memref_slice %arg2[%mul3A_83, %dma_start3A_88] : memref<4097x128xf32, #tpu.memory_space<hbm>> -> memref<256x128xf32, #tpu.memory_space<hbm>>
    tpu.enqueue_dma source(%dma_start3A_89 : memref<256x128xf32, #tpu.memory_space<hbm>>) target(%dma_start3A_87 : memref<256x128xf32, #tpu.memory_space<vmem_shared>>) target_semaphore(%arg29 : memref<!tpu.dma_semaphore, #tpu.memory_space<semaphore_mem>>)
    %eq3A = arith.constant 15 : i32
    %eq3A_90 = arith.cmpi eq, %arg1, %eq3A : i32
    %convert_element_type3A = arith.extui %eq3A_90 : i1 to i32
    %cond3A = arith.constant 0 : i32
    %cond3A_91 = arith.cmpi ne, %convert_element_type3A, %cond3A : i32
    scf.if %cond3A_91 {
      "tpu.region"() ({
        %run_scoped3A = tpu.sem_alloc : memref<!tpu.dma_semaphore, #tpu.memory_space<semaphore_mem>>
        %dma_start3A_1140 = arith.constant 4096 : i32
        %dma_start3A_1141 = arith.constant 0 : i32
        %dma_start3A_1142 = tpu.memref_slice %arg5[%dma_start3A_1140, %dma_start3A_1141] : memref<4097x128xf32, #tpu.memory_space<vmem_shared>> -> memref<1x128xf32, #tpu.memory_space<vmem_shared>>
        %dma_start3A_1143 = arith.constant 4096 : i32
        %dma_start3A_1144 = arith.constant 0 : i32
        %dma_start3A_1145 = tpu.memref_slice %arg2[%dma_start3A_1143, %dma_start3A_1144] : memref<4097x128xf32, #tpu.memory_space<hbm>> -> memref<1x128xf32, #tpu.memory_space<hbm>>
        tpu.enqueue_dma source(%dma_start3A_1145 : memref<1x128xf32, #tpu.memory_space<hbm>>) target(%dma_start3A_1142 : memref<1x128xf32, #tpu.memory_space<vmem_shared>>) target_semaphore(%run_scoped3A : memref<!tpu.dma_semaphore, #tpu.memory_space<semaphore_mem>>)
        %dma_wait3A_1146 = arith.constant 4096 : i32
        %dma_wait3A_1147 = arith.constant 0 : i32
        %dma_wait3A_1148 = tpu.memref_slice %arg5[%dma_wait3A_1146, %dma_wait3A_1147] : memref<4097x128xf32, #tpu.memory_space<vmem_shared>> -> memref<1x128xf32, #tpu.memory_space<vmem_shared>>
        %dma_wait3A_1149 = arith.constant 4096 : i32
        %dma_wait3A_1150 = arith.constant 0 : i32
        %dma_wait3A_1151 = tpu.memref_slice %arg2[%dma_wait3A_1149, %dma_wait3A_1150] : memref<4097x128xf32, #tpu.memory_space<hbm>> -> memref<1x128xf32, #tpu.memory_space<hbm>>
        tpu.wait_dma2 semaphore(%run_scoped3A : memref<!tpu.dma_semaphore, #tpu.memory_space<semaphore_mem>>) src(%dma_wait3A_1151 : memref<1x128xf32, #tpu.memory_space<hbm>>) dst(%dma_wait3A_1148 : memref<1x128xf32, #tpu.memory_space<vmem_shared>>)
        tpu.yield
      }) : () -> ()
    } else {
    }
    %add3A_92 = arith.constant 0 : i32
    %add3A_93 = arith.addi %mul3A_2, %add3A_92 : i32
    %dma_wait3A = arith.constant 0 : i32
    %dma_wait3A_94 = tpu.memref_slice %arg6[%dma_wait3A] : memref<640xi32, #tpu.memory_space<vmem>> -> memref<64xi32, #tpu.memory_space<vmem>>
    %dma_wait3A_95 = tpu.memref_slice %arg3[%add3A_93] : memref<819200xi32, #tpu.memory_space<hbm>> -> memref<64xi32, #tpu.memory_space<hbm>>
    %dma_wait3A_96 = arith.constant 0 : i32
    %dma_wait3A_97 = tpu.memref_slice %arg6[%dma_wait3A_96] : memref<640xi32, #tpu.memory_space<vmem>> -> memref<64xi32, #tpu.memory_space<vmem>>
    %dma_wait3A_98 = tpu.memref_slice %arg3[%add3A_93] : memref<819200xi32, #tpu.memory_space<hbm>> -> memref<64xi32, #tpu.memory_space<hbm>>
    tpu.wait_dma2 semaphore(%arg8 : memref<!tpu.dma_semaphore, #tpu.memory_space<semaphore_mem>>) src(%dma_wait3A_98 : memref<64xi32, #tpu.memory_space<hbm>>) dst(%dma_wait3A_97 : memref<64xi32, #tpu.memory_space<vmem>>)
    %dma_start3A_99 = arith.constant 0 : i32
    %dma_start3A_100 = arith.constant 0 : i32
    %dma_start3A_101 = tpu.memref_slice %arg7[%dma_start3A_99, %dma_start3A_100] : memref<640x128xf32, #tpu.memory_space<vmem>> -> memref<64x128xf32, #tpu.memory_space<vmem>>
    %dma_start3A_102 = arith.constant 0 : i32
    %dma_start3A_103 = tpu.memref_slice %arg6[%dma_start3A_102] : memref<640xi32, #tpu.memory_space<vmem>> -> memref<64xi32, #tpu.memory_space<vmem>>
    %dma_start3A_104 = arith.constant 0 : i32
    %dma_start3A_105 = arith.constant 0 : i32
    %dma_start3A_106 = tpu.memref_slice %arg2[%dma_start3A_104, %dma_start3A_105] : memref<4097x128xf32, #tpu.memory_space<hbm>> -> memref<4097x128xf32, #tpu.memory_space<hbm>>
    tpu.enqueue_indirect_dma source(%dma_start3A_106 : memref<4097x128xf32, #tpu.memory_space<hbm>>) target(%dma_start3A_101 : memref<64x128xf32, #tpu.memory_space<vmem>>) offsets(%dma_start3A_103 : memref<64xi32, #tpu.memory_space<vmem>>) semaphore(%arg9 : memref<!tpu.dma_semaphore, #tpu.memory_space<semaphore_mem>>)
    %add3A_107 = arith.constant 64 : i32
    %add3A_108 = arith.addi %mul3A_2, %add3A_107 : i32
    %dma_wait3A_109 = arith.constant 64 : i32
    %dma_wait3A_110 = tpu.memref_slice %arg6[%dma_wait3A_109] : memref<640xi32, #tpu.memory_space<vmem>> -> memref<64xi32, #tpu.memory_space<vmem>>
    %dma_wait3A_111 = tpu.memref_slice %arg3[%add3A_108] : memref<819200xi32, #tpu.memory_space<hbm>> -> memref<64xi32, #tpu.memory_space<hbm>>
    %dma_wait3A_112 = arith.constant 64 : i32
    %dma_wait3A_113 = tpu.memref_slice %arg6[%dma_wait3A_112] : memref<640xi32, #tpu.memory_space<vmem>> -> memref<64xi32, #tpu.memory_space<vmem>>
    %dma_wait3A_114 = tpu.memref_slice %arg3[%add3A_108] : memref<819200xi32, #tpu.memory_space<hbm>> -> memref<64xi32, #tpu.memory_space<hbm>>
    tpu.wait_dma2 semaphore(%arg8 : memref<!tpu.dma_semaphore, #tpu.memory_space<semaphore_mem>>) src(%dma_wait3A_114 : memref<64xi32, #tpu.memory_space<hbm>>) dst(%dma_wait3A_113 : memref<64xi32, #tpu.memory_space<vmem>>)
    %dma_start3A_115 = arith.constant 64 : i32
    %dma_start3A_116 = arith.constant 0 : i32
    %dma_start3A_117 = tpu.memref_slice %arg7[%dma_start3A_115, %dma_start3A_116] : memref<640x128xf32, #tpu.memory_space<vmem>> -> memref<64x128xf32, #tpu.memory_space<vmem>>
    %dma_start3A_118 = arith.constant 64 : i32
    %dma_start3A_119 = tpu.memref_slice %arg6[%dma_start3A_118] : memref<640xi32, #tpu.memory_space<vmem>> -> memref<64xi32, #tpu.memory_space<vmem>>
    %dma_start3A_120 = arith.constant 0 : i32
    %dma_start3A_121 = arith.constant 0 : i32
    %dma_start3A_122 = tpu.memref_slice %arg2[%dma_start3A_120, %dma_start3A_121] : memref<4097x128xf32, #tpu.memory_space<hbm>> -> memref<4097x128xf32, #tpu.memory_space<hbm>>
    tpu.enqueue_indirect_dma source(%dma_start3A_122 : memref<4097x128xf32, #tpu.memory_space<hbm>>) target(%dma_start3A_117 : memref<64x128xf32, #tpu.memory_space<vmem>>) offsets(%dma_start3A_119 : memref<64xi32, #tpu.memory_space<vmem>>) semaphore(%arg10 : memref<!tpu.dma_semaphore, #tpu.memory_space<semaphore_mem>>)
    %add3A_123 = arith.constant 128 : i32
    %add3A_124 = arith.addi %mul3A_2, %add3A_123 : i32
    %dma_wait3A_125 = arith.constant 128 : i32
    %dma_wait3A_126 = tpu.memref_slice %arg6[%dma_wait3A_125] : memref<640xi32, #tpu.memory_space<vmem>> -> memref<64xi32, #tpu.memory_space<vmem>>
    %dma_wait3A_127 = tpu.memref_slice %arg3[%add3A_124] : memref<819200xi32, #tpu.memory_space<hbm>> -> memref<64xi32, #tpu.memory_space<hbm>>
    %dma_wait3A_128 = arith.constant 128 : i32
    %dma_wait3A_129 = tpu.memref_slice %arg6[%dma_wait3A_128] : memref<640xi32, #tpu.memory_space<vmem>> -> memref<64xi32, #tpu.memory_space<vmem>>
    %dma_wait3A_130 = tpu.memref_slice %arg3[%add3A_124] : memref<819200xi32, #tpu.memory_space<hbm>> -> memref<64xi32, #tpu.memory_space<hbm>>
    tpu.wait_dma2 semaphore(%arg8 : memref<!tpu.dma_semaphore, #tpu.memory_space<semaphore_mem>>) src(%dma_wait3A_130 : memref<64xi32, #tpu.memory_space<hbm>>) dst(%dma_wait3A_129 : memref<64xi32, #tpu.memory_space<vmem>>)
    %dma_start3A_131 = arith.constant 128 : i32
    %dma_start3A_132 = arith.constant 0 : i32
    %dma_start3A_133 = tpu.memref_slice %arg7[%dma_start3A_131, %dma_start3A_132] : memref<640x128xf32, #tpu.memory_space<vmem>> -> memref<64x128xf32, #tpu.memory_space<vmem>>
    %dma_start3A_134 = arith.constant 128 : i32
    %dma_start3A_135 = tpu.memref_slice %arg6[%dma_start3A_134] : memref<640xi32, #tpu.memory_space<vmem>> -> memref<64xi32, #tpu.memory_space<vmem>>
    %dma_start3A_136 = arith.constant 0 : i32
    %dma_start3A_137 = arith.constant 0 : i32
    %dma_start3A_138 = tpu.memref_slice %arg2[%dma_start3A_136, %dma_start3A_137] : memref<4097x128xf32, #tpu.memory_space<hbm>> -> memref<4097x128xf32, #tpu.memory_space<hbm>>
    tpu.enqueue_indirect_dma source(%dma_start3A_138 : memref<4097x128xf32, #tpu.memory_space<hbm>>) target(%dma_start3A_133 : memref<64x128xf32, #tpu.memory_space<vmem>>) offsets(%dma_start3A_135 : memref<64xi32, #tpu.memory_space<vmem>>) semaphore(%arg11 : memref<!tpu.dma_semaphore, #tpu.memory_space<semaphore_mem>>)
    %add3A_139 = arith.constant 192 : i32
    %add3A_140 = arith.addi %mul3A_2, %add3A_139 : i32
    %dma_wait3A_141 = arith.constant 192 : i32
    %dma_wait3A_142 = tpu.memref_slice %arg6[%dma_wait3A_141] : memref<640xi32, #tpu.memory_space<vmem>> -> memref<64xi32, #tpu.memory_space<vmem>>
    %dma_wait3A_143 = tpu.memref_slice %arg3[%add3A_140] : memref<819200xi32, #tpu.memory_space<hbm>> -> memref<64xi32, #tpu.memory_space<hbm>>
    %dma_wait3A_144 = arith.constant 192 : i32
    %dma_wait3A_145 = tpu.memref_slice %arg6[%dma_wait3A_144] : memref<640xi32, #tpu.memory_space<vmem>> -> memref<64xi32, #tpu.memory_space<vmem>>
    %dma_wait3A_146 = tpu.memref_slice %arg3[%add3A_140] : memref<819200xi32, #tpu.memory_space<hbm>> -> memref<64xi32, #tpu.memory_space<hbm>>
    tpu.wait_dma2 semaphore(%arg8 : memref<!tpu.dma_semaphore, #tpu.memory_space<semaphore_mem>>) src(%dma_wait3A_146 : memref<64xi32, #tpu.memory_space<hbm>>) dst(%dma_wait3A_145 : memref<64xi32, #tpu.memory_space<vmem>>)
    %dma_start3A_147 = arith.constant 192 : i32
    %dma_start3A_148 = arith.constant 0 : i32
    %dma_start3A_149 = tpu.memref_slice %arg7[%dma_start3A_147, %dma_start3A_148] : memref<640x128xf32, #tpu.memory_space<vmem>> -> memref<64x128xf32, #tpu.memory_space<vmem>>
    %dma_start3A_150 = arith.constant 192 : i32
    %dma_start3A_151 = tpu.memref_slice %arg6[%dma_start3A_150] : memref<640xi32, #tpu.memory_space<vmem>> -> memref<64xi32, #tpu.memory_space<vmem>>
    %dma_start3A_152 = arith.constant 0 : i32
    %dma_start3A_153 = arith.constant 0 : i32
    %dma_start3A_154 = tpu.memref_slice %arg2[%dma_start3A_152, %dma_start3A_153] : memref<4097x128xf32, #tpu.memory_space<hbm>> -> memref<4097x128xf32, #tpu.memory_space<hbm>>
    tpu.enqueue_indirect_dma source(%dma_start3A_154 : memref<4097x128xf32, #tpu.memory_space<hbm>>) target(%dma_start3A_149 : memref<64x128xf32, #tpu.memory_space<vmem>>) offsets(%dma_start3A_151 : memref<64xi32, #tpu.memory_space<vmem>>) semaphore(%arg12 : memref<!tpu.dma_semaphore, #tpu.memory_space<semaphore_mem>>)
    %add3A_155 = arith.constant 256 : i32
    %add3A_156 = arith.addi %mul3A_2, %add3A_155 : i32
    %dma_wait3A_157 = arith.constant 256 : i32
    %dma_wait3A_158 = tpu.memref_slice %arg6[%dma_wait3A_157] : memref<640xi32, #tpu.memory_space<vmem>> -> memref<64xi32, #tpu.memory_space<vmem>>
    %dma_wait3A_159 = tpu.memref_slice %arg3[%add3A_156] : memref<819200xi32, #tpu.memory_space<hbm>> -> memref<64xi32, #tpu.memory_space<hbm>>
    %dma_wait3A_160 = arith.constant 256 : i32
    %dma_wait3A_161 = tpu.memref_slice %arg6[%dma_wait3A_160] : memref<640xi32, #tpu.memory_space<vmem>> -> memref<64xi32, #tpu.memory_space<vmem>>
    %dma_wait3A_162 = tpu.memref_slice %arg3[%add3A_156] : memref<819200xi32, #tpu.memory_space<hbm>> -> memref<64xi32, #tpu.memory_space<hbm>>
    tpu.wait_dma2 semaphore(%arg8 : memref<!tpu.dma_semaphore, #tpu.memory_space<semaphore_mem>>) src(%dma_wait3A_162 : memref<64xi32, #tpu.memory_space<hbm>>) dst(%dma_wait3A_161 : memref<64xi32, #tpu.memory_space<vmem>>)
    %dma_start3A_163 = arith.constant 256 : i32
    %dma_start3A_164 = arith.constant 0 : i32
    %dma_start3A_165 = tpu.memref_slice %arg7[%dma_start3A_163, %dma_start3A_164] : memref<640x128xf32, #tpu.memory_space<vmem>> -> memref<64x128xf32, #tpu.memory_space<vmem>>
    %dma_start3A_166 = arith.constant 256 : i32
    %dma_start3A_167 = tpu.memref_slice %arg6[%dma_start3A_166] : memref<640xi32, #tpu.memory_space<vmem>> -> memref<64xi32, #tpu.memory_space<vmem>>
    %dma_start3A_168 = arith.constant 0 : i32
    %dma_start3A_169 = arith.constant 0 : i32
    %dma_start3A_170 = tpu.memref_slice %arg2[%dma_start3A_168, %dma_start3A_169] : memref<4097x128xf32, #tpu.memory_space<hbm>> -> memref<4097x128xf32, #tpu.memory_space<hbm>>
    tpu.enqueue_indirect_dma source(%dma_start3A_170 : memref<4097x128xf32, #tpu.memory_space<hbm>>) target(%dma_start3A_165 : memref<64x128xf32, #tpu.memory_space<vmem>>) offsets(%dma_start3A_167 : memref<64xi32, #tpu.memory_space<vmem>>) semaphore(%arg13 : memref<!tpu.dma_semaphore, #tpu.memory_space<semaphore_mem>>)
    %dma_wait3A_171 = arith.constant 0 : i32
    %dma_wait3A_172 = tpu.memref_slice %arg5[%mul3A_85, %dma_wait3A_171] : memref<4097x128xf32, #tpu.memory_space<vmem_shared>> -> memref<256x128xf32, #tpu.memory_space<vmem_shared>>
    %dma_wait3A_173 = arith.constant 0 : i32
    %dma_wait3A_174 = tpu.memref_slice %arg2[%mul3A_83, %dma_wait3A_173] : memref<4097x128xf32, #tpu.memory_space<hbm>> -> memref<256x128xf32, #tpu.memory_space<hbm>>
    tpu.wait_dma2 semaphore(%arg29 : memref<!tpu.dma_semaphore, #tpu.memory_space<semaphore_mem>>) src(%dma_wait3A_174 : memref<256x128xf32, #tpu.memory_space<hbm>>) dst(%dma_wait3A_172 : memref<256x128xf32, #tpu.memory_space<vmem_shared>>)
    %barrier3A = arith.constant 0 : index
    tpu.barrier barrier_id(%barrier3A)
    %dma_wait3A_175 = arith.constant 0 : i32
    %dma_wait3A_176 = arith.constant 0 : i32
    %dma_wait3A_177 = tpu.memref_slice %arg7[%dma_wait3A_175, %dma_wait3A_176] : memref<640x128xf32, #tpu.memory_space<vmem>> -> memref<64x128xf32, #tpu.memory_space<vmem>>
    %dma_wait3A_178 = arith.constant 0 : i32
    %dma_wait3A_179 = tpu.memref_slice %arg6[%dma_wait3A_178] : memref<640xi32, #tpu.memory_space<vmem>> -> memref<64xi32, #tpu.memory_space<vmem>>
    %dma_wait3A_180 = arith.constant 0 : i32
    %dma_wait3A_181 = arith.constant 0 : i32
    %dma_wait3A_182 = tpu.memref_slice %arg5[%dma_wait3A_180, %dma_wait3A_181] : memref<4097x128xf32, #tpu.memory_space<vmem_shared>> -> memref<4097x128xf32, #tpu.memory_space<vmem_shared>>
    tpu.wait_indirect_dma semaphore(%arg9 : memref<!tpu.dma_semaphore, #tpu.memory_space<semaphore_mem>>) src(%dma_wait3A_182 : memref<4097x128xf32, #tpu.memory_space<vmem_shared>>) dst(%dma_wait3A_177 : memref<64x128xf32, #tpu.memory_space<vmem>>)
    %add3A_183 = arith.constant 0 : i32
    %add3A_184 = arith.addi %mul3A_2, %add3A_183 : i32
    %dma_start3A_185 = arith.constant 0 : i32
    %dma_start3A_186 = arith.constant 0 : i32
    %dma_start3A_187 = tpu.memref_slice %arg7[%dma_start3A_185, %dma_start3A_186] : memref<640x128xf32, #tpu.memory_space<vmem>> -> memref<64x128xf32, #tpu.memory_space<vmem>>
    %dma_start3A_188 = arith.constant 0 : i32
    %dma_start3A_189 = tpu.memref_slice %arg4[%add3A_184, %dma_start3A_188] : memref<819200x128xf32, #tpu.memory_space<hbm>> -> memref<64x128xf32, #tpu.memory_space<hbm>>
    %dma_start3A_190 = arith.constant 0 : i32
    %dma_start3A_191 = tpu.memref_slice %arg4[%add3A_184, %dma_start3A_190] : memref<819200x128xf32, #tpu.memory_space<hbm>> -> memref<64x128xf32, #tpu.memory_space<hbm>>
    %dma_start3A_192 = arith.constant 0 : i32
    %dma_start3A_193 = arith.constant 0 : i32
    %dma_start3A_194 = tpu.memref_slice %arg7[%dma_start3A_192, %dma_start3A_193] : memref<640x128xf32, #tpu.memory_space<vmem>> -> memref<64x128xf32, #tpu.memory_space<vmem>>
    tpu.enqueue_dma source(%dma_start3A_194 : memref<64x128xf32, #tpu.memory_space<vmem>>) target(%dma_start3A_191 : memref<64x128xf32, #tpu.memory_space<hbm>>) target_semaphore(%arg19 : memref<!tpu.dma_semaphore, #tpu.memory_space<semaphore_mem>>)
    %add3A_195 = arith.constant 320 : i32
    %add3A_196 = arith.addi %mul3A_2, %add3A_195 : i32
    %dma_wait3A_197 = arith.constant 320 : i32
    %dma_wait3A_198 = tpu.memref_slice %arg6[%dma_wait3A_197] : memref<640xi32, #tpu.memory_space<vmem>> -> memref<64xi32, #tpu.memory_space<vmem>>
    %dma_wait3A_199 = tpu.memref_slice %arg3[%add3A_196] : memref<819200xi32, #tpu.memory_space<hbm>> -> memref<64xi32, #tpu.memory_space<hbm>>
    %dma_wait3A_200 = arith.constant 320 : i32
    %dma_wait3A_201 = tpu.memref_slice %arg6[%dma_wait3A_200] : memref<640xi32, #tpu.memory_space<vmem>> -> memref<64xi32, #tpu.memory_space<vmem>>
    %dma_wait3A_202 = tpu.memref_slice %arg3[%add3A_196] : memref<819200xi32, #tpu.memory_space<hbm>> -> memref<64xi32, #tpu.memory_space<hbm>>
    tpu.wait_dma2 semaphore(%arg8 : memref<!tpu.dma_semaphore, #tpu.memory_space<semaphore_mem>>) src(%dma_wait3A_202 : memref<64xi32, #tpu.memory_space<hbm>>) dst(%dma_wait3A_201 : memref<64xi32, #tpu.memory_space<vmem>>)
    %dma_start3A_203 = arith.constant 320 : i32
    %dma_start3A_204 = arith.constant 0 : i32
    %dma_start3A_205 = tpu.memref_slice %arg7[%dma_start3A_203, %dma_start3A_204] : memref<640x128xf32, #tpu.memory_space<vmem>> -> memref<64x128xf32, #tpu.memory_space<vmem>>
    %dma_start3A_206 = arith.constant 320 : i32
    %dma_start3A_207 = tpu.memref_slice %arg6[%dma_start3A_206] : memref<640xi32, #tpu.memory_space<vmem>> -> memref<64xi32, #tpu.memory_space<vmem>>
    %dma_start3A_208 = arith.constant 0 : i32
    %dma_start3A_209 = arith.constant 0 : i32
    %dma_start3A_210 = tpu.memref_slice %arg5[%dma_start3A_208, %dma_start3A_209] : memref<4097x128xf32, #tpu.memory_space<vmem_shared>> -> memref<4097x128xf32, #tpu.memory_space<vmem_shared>>
    tpu.enqueue_indirect_dma source(%dma_start3A_210 : memref<4097x128xf32, #tpu.memory_space<vmem_shared>>) target(%dma_start3A_205 : memref<64x128xf32, #tpu.memory_space<vmem>>) offsets(%dma_start3A_207 : memref<64xi32, #tpu.memory_space<vmem>>) semaphore(%arg14 : memref<!tpu.dma_semaphore, #tpu.memory_space<semaphore_mem>>)
    %add3A_211 = arith.constant 640 : i32
    %add3A_212 = arith.addi %mul3A_2, %add3A_211 : i32
    %dma_start3A_213 = arith.constant 0 : i32
    %dma_start3A_214 = tpu.memref_slice %arg6[%dma_start3A_213] : memref<640xi32, #tpu.memory_space<vmem>> -> memref<64xi32, #tpu.memory_space<vmem>>
    %dma_start3A_215 = tpu.memref_slice %arg3[%add3A_212] : memref<819200xi32, #tpu.memory_space<hbm>> -> memref<64xi32, #tpu.memory_space<hbm>>
    %dma_start3A_216 = arith.constant 0 : i32
    %dma_start3A_217 = tpu.memref_slice %arg6[%dma_start3A_216] : memref<640xi32, #tpu.memory_space<vmem>> -> memref<64xi32, #tpu.memory_space<vmem>>
    %dma_start3A_218 = tpu.memref_slice %arg3[%add3A_212] : memref<819200xi32, #tpu.memory_space<hbm>> -> memref<64xi32, #tpu.memory_space<hbm>>
    tpu.enqueue_dma source(%dma_start3A_218 : memref<64xi32, #tpu.memory_space<hbm>>) target(%dma_start3A_217 : memref<64xi32, #tpu.memory_space<vmem>>) target_semaphore(%arg8 : memref<!tpu.dma_semaphore, #tpu.memory_space<semaphore_mem>>)
    %dma_wait3A_219 = arith.constant 64 : i32
    %dma_wait3A_220 = arith.constant 0 : i32
    %dma_wait3A_221 = tpu.memref_slice %arg7[%dma_wait3A_219, %dma_wait3A_220] : memref<640x128xf32, #tpu.memory_space<vmem>> -> memref<64x128xf32, #tpu.memory_space<vmem>>
    %dma_wait3A_222 = arith.constant 64 : i32
    %dma_wait3A_223 = tpu.memref_slice %arg6[%dma_wait3A_222] : memref<640xi32, #tpu.memory_space<vmem>> -> memref<64xi32, #tpu.memory_space<vmem>>
    %dma_wait3A_224 = arith.constant 0 : i32
    %dma_wait3A_225 = arith.constant 0 : i32
    %dma_wait3A_226 = tpu.memref_slice %arg5[%dma_wait3A_224, %dma_wait3A_225] : memref<4097x128xf32, #tpu.memory_space<vmem_shared>> -> memref<4097x128xf32, #tpu.memory_space<vmem_shared>>
    tpu.wait_indirect_dma semaphore(%arg10 : memref<!tpu.dma_semaphore, #tpu.memory_space<semaphore_mem>>) src(%dma_wait3A_226 : memref<4097x128xf32, #tpu.memory_space<vmem_shared>>) dst(%dma_wait3A_221 : memref<64x128xf32, #tpu.memory_space<vmem>>)
    %add3A_227 = arith.constant 64 : i32
    %add3A_228 = arith.addi %mul3A_2, %add3A_227 : i32
    %dma_start3A_229 = arith.constant 64 : i32
    %dma_start3A_230 = arith.constant 0 : i32
    %dma_start3A_231 = tpu.memref_slice %arg7[%dma_start3A_229, %dma_start3A_230] : memref<640x128xf32, #tpu.memory_space<vmem>> -> memref<64x128xf32, #tpu.memory_space<vmem>>
    %dma_start3A_232 = arith.constant 0 : i32
    %dma_start3A_233 = tpu.memref_slice %arg4[%add3A_228, %dma_start3A_232] : memref<819200x128xf32, #tpu.memory_space<hbm>> -> memref<64x128xf32, #tpu.memory_space<hbm>>
    %dma_start3A_234 = arith.constant 0 : i32
    %dma_start3A_235 = tpu.memref_slice %arg4[%add3A_228, %dma_start3A_234] : memref<819200x128xf32, #tpu.memory_space<hbm>> -> memref<64x128xf32, #tpu.memory_space<hbm>>
    %dma_start3A_236 = arith.constant 64 : i32
    %dma_start3A_237 = arith.constant 0 : i32
    %dma_start3A_238 = tpu.memref_slice %arg7[%dma_start3A_236, %dma_start3A_237] : memref<640x128xf32, #tpu.memory_space<vmem>> -> memref<64x128xf32, #tpu.memory_space<vmem>>
    tpu.enqueue_dma source(%dma_start3A_238 : memref<64x128xf32, #tpu.memory_space<vmem>>) target(%dma_start3A_235 : memref<64x128xf32, #tpu.memory_space<hbm>>) target_semaphore(%arg20 : memref<!tpu.dma_semaphore, #tpu.memory_space<semaphore_mem>>)
    %add3A_239 = arith.constant 384 : i32
    %add3A_240 = arith.addi %mul3A_2, %add3A_239 : i32
    %dma_wait3A_241 = arith.constant 384 : i32
    %dma_wait3A_242 = tpu.memref_slice %arg6[%dma_wait3A_241] : memref<640xi32, #tpu.memory_space<vmem>> -> memref<64xi32, #tpu.memory_space<vmem>>
    %dma_wait3A_243 = tpu.memref_slice %arg3[%add3A_240] : memref<819200xi32, #tpu.memory_space<hbm>> -> memref<64xi32, #tpu.memory_space<hbm>>
    %dma_wait3A_244 = arith.constant 384 : i32
    %dma_wait3A_245 = tpu.memref_slice %arg6[%dma_wait3A_244] : memref<640xi32, #tpu.memory_space<vmem>> -> memref<64xi32, #tpu.memory_space<vmem>>
    %dma_wait3A_246 = tpu.memref_slice %arg3[%add3A_240] : memref<819200xi32, #tpu.memory_space<hbm>> -> memref<64xi32, #tpu.memory_space<hbm>>
    tpu.wait_dma2 semaphore(%arg8 : memref<!tpu.dma_semaphore, #tpu.memory_space<semaphore_mem>>) src(%dma_wait3A_246 : memref<64xi32, #tpu.memory_space<hbm>>) dst(%dma_wait3A_245 : memref<64xi32, #tpu.memory_space<vmem>>)
    %dma_start3A_247 = arith.constant 384 : i32
    %dma_start3A_248 = arith.constant 0 : i32
    %dma_start3A_249 = tpu.memref_slice %arg7[%dma_start3A_247, %dma_start3A_248] : memref<640x128xf32, #tpu.memory_space<vmem>> -> memref<64x128xf32, #tpu.memory_space<vmem>>
    %dma_start3A_250 = arith.constant 384 : i32
    %dma_start3A_251 = tpu.memref_slice %arg6[%dma_start3A_250] : memref<640xi32, #tpu.memory_space<vmem>> -> memref<64xi32, #tpu.memory_space<vmem>>
    %dma_start3A_252 = arith.constant 0 : i32
    %dma_start3A_253 = arith.constant 0 : i32
    %dma_start3A_254 = tpu.memref_slice %arg5[%dma_start3A_252, %dma_start3A_253] : memref<4097x128xf32, #tpu.memory_space<vmem_shared>> -> memref<4097x128xf32, #tpu.memory_space<vmem_shared>>
    tpu.enqueue_indirect_dma source(%dma_start3A_254 : memref<4097x128xf32, #tpu.memory_space<vmem_shared>>) target(%dma_start3A_249 : memref<64x128xf32, #tpu.memory_space<vmem>>) offsets(%dma_start3A_251 : memref<64xi32, #tpu.memory_space<vmem>>) semaphore(%arg15 : memref<!tpu.dma_semaphore, #tpu.memory_space<semaphore_mem>>)
    %add3A_255 = arith.constant 704 : i32
    %add3A_256 = arith.addi %mul3A_2, %add3A_255 : i32
    %dma_start3A_257 = arith.constant 64 : i32
    %dma_start3A_258 = tpu.memref_slice %arg6[%dma_start3A_257] : memref<640xi32, #tpu.memory_space<vmem>> -> memref<64xi32, #tpu.memory_space<vmem>>
    %dma_start3A_259 = tpu.memref_slice %arg3[%add3A_256] : memref<819200xi32, #tpu.memory_space<hbm>> -> memref<64xi32, #tpu.memory_space<hbm>>
    %dma_start3A_260 = arith.constant 64 : i32
    %dma_start3A_261 = tpu.memref_slice %arg6[%dma_start3A_260] : memref<640xi32, #tpu.memory_space<vmem>> -> memref<64xi32, #tpu.memory_space<vmem>>
    %dma_start3A_262 = tpu.memref_slice %arg3[%add3A_256] : memref<819200xi32, #tpu.memory_space<hbm>> -> memref<64xi32, #tpu.memory_space<hbm>>
    tpu.enqueue_dma source(%dma_start3A_262 : memref<64xi32, #tpu.memory_space<hbm>>) target(%dma_start3A_261 : memref<64xi32, #tpu.memory_space<vmem>>) target_semaphore(%arg8 : memref<!tpu.dma_semaphore, #tpu.memory_space<semaphore_mem>>)
    %dma_wait3A_263 = arith.constant 128 : i32
    %dma_wait3A_264 = arith.constant 0 : i32
    %dma_wait3A_265 = tpu.memref_slice %arg7[%dma_wait3A_263, %dma_wait3A_264] : memref<640x128xf32, #tpu.memory_space<vmem>> -> memref<64x128xf32, #tpu.memory_space<vmem>>
    %dma_wait3A_266 = arith.constant 128 : i32
    %dma_wait3A_267 = tpu.memref_slice %arg6[%dma_wait3A_266] : memref<640xi32, #tpu.memory_space<vmem>> -> memref<64xi32, #tpu.memory_space<vmem>>
    %dma_wait3A_268 = arith.constant 0 : i32
    %dma_wait3A_269 = arith.constant 0 : i32
    %dma_wait3A_270 = tpu.memref_slice %arg5[%dma_wait3A_268, %dma_wait3A_269] : memref<4097x128xf32, #tpu.memory_space<vmem_shared>> -> memref<4097x128xf32, #tpu.memory_space<vmem_shared>>
    tpu.wait_indirect_dma semaphore(%arg11 : memref<!tpu.dma_semaphore, #tpu.memory_space<semaphore_mem>>) src(%dma_wait3A_270 : memref<4097x128xf32, #tpu.memory_space<vmem_shared>>) dst(%dma_wait3A_265 : memref<64x128xf32, #tpu.memory_space<vmem>>)
    %add3A_271 = arith.constant 128 : i32
    %add3A_272 = arith.addi %mul3A_2, %add3A_271 : i32
    %dma_start3A_273 = arith.constant 128 : i32
    %dma_start3A_274 = arith.constant 0 : i32
    %dma_start3A_275 = tpu.memref_slice %arg7[%dma_start3A_273, %dma_start3A_274] : memref<640x128xf32, #tpu.memory_space<vmem>> -> memref<64x128xf32, #tpu.memory_space<vmem>>
    %dma_start3A_276 = arith.constant 0 : i32
    %dma_start3A_277 = tpu.memref_slice %arg4[%add3A_272, %dma_start3A_276] : memref<819200x128xf32, #tpu.memory_space<hbm>> -> memref<64x128xf32, #tpu.memory_space<hbm>>
    %dma_start3A_278 = arith.constant 0 : i32
    %dma_start3A_279 = tpu.memref_slice %arg4[%add3A_272, %dma_start3A_278] : memref<819200x128xf32, #tpu.memory_space<hbm>> -> memref<64x128xf32, #tpu.memory_space<hbm>>
    %dma_start3A_280 = arith.constant 128 : i32
    %dma_start3A_281 = arith.constant 0 : i32
    %dma_start3A_282 = tpu.memref_slice %arg7[%dma_start3A_280, %dma_start3A_281] : memref<640x128xf32, #tpu.memory_space<vmem>> -> memref<64x128xf32, #tpu.memory_space<vmem>>
    tpu.enqueue_dma source(%dma_start3A_282 : memref<64x128xf32, #tpu.memory_space<vmem>>) target(%dma_start3A_279 : memref<64x128xf32, #tpu.memory_space<hbm>>) target_semaphore(%arg21 : memref<!tpu.dma_semaphore, #tpu.memory_space<semaphore_mem>>)
    %add3A_283 = arith.constant 448 : i32
    %add3A_284 = arith.addi %mul3A_2, %add3A_283 : i32
    %dma_wait3A_285 = arith.constant 448 : i32
    %dma_wait3A_286 = tpu.memref_slice %arg6[%dma_wait3A_285] : memref<640xi32, #tpu.memory_space<vmem>> -> memref<64xi32, #tpu.memory_space<vmem>>
    %dma_wait3A_287 = tpu.memref_slice %arg3[%add3A_284] : memref<819200xi32, #tpu.memory_space<hbm>> -> memref<64xi32, #tpu.memory_space<hbm>>
    %dma_wait3A_288 = arith.constant 448 : i32
    %dma_wait3A_289 = tpu.memref_slice %arg6[%dma_wait3A_288] : memref<640xi32, #tpu.memory_space<vmem>> -> memref<64xi32, #tpu.memory_space<vmem>>
    %dma_wait3A_290 = tpu.memref_slice %arg3[%add3A_284] : memref<819200xi32, #tpu.memory_space<hbm>> -> memref<64xi32, #tpu.memory_space<hbm>>
    tpu.wait_dma2 semaphore(%arg8 : memref<!tpu.dma_semaphore, #tpu.memory_space<semaphore_mem>>) src(%dma_wait3A_290 : memref<64xi32, #tpu.memory_space<hbm>>) dst(%dma_wait3A_289 : memref<64xi32, #tpu.memory_space<vmem>>)
    %dma_start3A_291 = arith.constant 448 : i32
    %dma_start3A_292 = arith.constant 0 : i32
    %dma_start3A_293 = tpu.memref_slice %arg7[%dma_start3A_291, %dma_start3A_292] : memref<640x128xf32, #tpu.memory_space<vmem>> -> memref<64x128xf32, #tpu.memory_space<vmem>>
    %dma_start3A_294 = arith.constant 448 : i32
    %dma_start3A_295 = tpu.memref_slice %arg6[%dma_start3A_294] : memref<640xi32, #tpu.memory_space<vmem>> -> memref<64xi32, #tpu.memory_space<vmem>>
    %dma_start3A_296 = arith.constant 0 : i32
    %dma_start3A_297 = arith.constant 0 : i32
    %dma_start3A_298 = tpu.memref_slice %arg5[%dma_start3A_296, %dma_start3A_297] : memref<4097x128xf32, #tpu.memory_space<vmem_shared>> -> memref<4097x128xf32, #tpu.memory_space<vmem_shared>>
    tpu.enqueue_indirect_dma source(%dma_start3A_298 : memref<4097x128xf32, #tpu.memory_space<vmem_shared>>) target(%dma_start3A_293 : memref<64x128xf32, #tpu.memory_space<vmem>>) offsets(%dma_start3A_295 : memref<64xi32, #tpu.memory_space<vmem>>) semaphore(%arg16 : memref<!tpu.dma_semaphore, #tpu.memory_space<semaphore_mem>>)
    %add3A_299 = arith.constant 768 : i32
    %add3A_300 = arith.addi %mul3A_2, %add3A_299 : i32
    %dma_start3A_301 = arith.constant 128 : i32
    %dma_start3A_302 = tpu.memref_slice %arg6[%dma_start3A_301] : memref<640xi32, #tpu.memory_space<vmem>> -> memref<64xi32, #tpu.memory_space<vmem>>
    %dma_start3A_303 = tpu.memref_slice %arg3[%add3A_300] : memref<819200xi32, #tpu.memory_space<hbm>> -> memref<64xi32, #tpu.memory_space<hbm>>
    %dma_start3A_304 = arith.constant 128 : i32
    %dma_start3A_305 = tpu.memref_slice %arg6[%dma_start3A_304] : memref<640xi32, #tpu.memory_space<vmem>> -> memref<64xi32, #tpu.memory_space<vmem>>
    %dma_start3A_306 = tpu.memref_slice %arg3[%add3A_300] : memref<819200xi32, #tpu.memory_space<hbm>> -> memref<64xi32, #tpu.memory_space<hbm>>
    tpu.enqueue_dma source(%dma_start3A_306 : memref<64xi32, #tpu.memory_space<hbm>>) target(%dma_start3A_305 : memref<64xi32, #tpu.memory_space<vmem>>) target_semaphore(%arg8 : memref<!tpu.dma_semaphore, #tpu.memory_space<semaphore_mem>>)
    %dma_wait3A_307 = arith.constant 192 : i32
    %dma_wait3A_308 = arith.constant 0 : i32
    %dma_wait3A_309 = tpu.memref_slice %arg7[%dma_wait3A_307, %dma_wait3A_308] : memref<640x128xf32, #tpu.memory_space<vmem>> -> memref<64x128xf32, #tpu.memory_space<vmem>>
    %dma_wait3A_310 = arith.constant 192 : i32
    %dma_wait3A_311 = tpu.memref_slice %arg6[%dma_wait3A_310] : memref<640xi32, #tpu.memory_space<vmem>> -> memref<64xi32, #tpu.memory_space<vmem>>
    %dma_wait3A_312 = arith.constant 0 : i32
    %dma_wait3A_313 = arith.constant 0 : i32
    %dma_wait3A_314 = tpu.memref_slice %arg5[%dma_wait3A_312, %dma_wait3A_313] : memref<4097x128xf32, #tpu.memory_space<vmem_shared>> -> memref<4097x128xf32, #tpu.memory_space<vmem_shared>>
    tpu.wait_indirect_dma semaphore(%arg12 : memref<!tpu.dma_semaphore, #tpu.memory_space<semaphore_mem>>) src(%dma_wait3A_314 : memref<4097x128xf32, #tpu.memory_space<vmem_shared>>) dst(%dma_wait3A_309 : memref<64x128xf32, #tpu.memory_space<vmem>>)
    %add3A_315 = arith.constant 192 : i32
    %add3A_316 = arith.addi %mul3A_2, %add3A_315 : i32
    %dma_start3A_317 = arith.constant 192 : i32
    %dma_start3A_318 = arith.constant 0 : i32
    %dma_start3A_319 = tpu.memref_slice %arg7[%dma_start3A_317, %dma_start3A_318] : memref<640x128xf32, #tpu.memory_space<vmem>> -> memref<64x128xf32, #tpu.memory_space<vmem>>
    %dma_start3A_320 = arith.constant 0 : i32
    %dma_start3A_321 = tpu.memref_slice %arg4[%add3A_316, %dma_start3A_320] : memref<819200x128xf32, #tpu.memory_space<hbm>> -> memref<64x128xf32, #tpu.memory_space<hbm>>
    %dma_start3A_322 = arith.constant 0 : i32
    %dma_start3A_323 = tpu.memref_slice %arg4[%add3A_316, %dma_start3A_322] : memref<819200x128xf32, #tpu.memory_space<hbm>> -> memref<64x128xf32, #tpu.memory_space<hbm>>
    %dma_start3A_324 = arith.constant 192 : i32
    %dma_start3A_325 = arith.constant 0 : i32
    %dma_start3A_326 = tpu.memref_slice %arg7[%dma_start3A_324, %dma_start3A_325] : memref<640x128xf32, #tpu.memory_space<vmem>> -> memref<64x128xf32, #tpu.memory_space<vmem>>
    tpu.enqueue_dma source(%dma_start3A_326 : memref<64x128xf32, #tpu.memory_space<vmem>>) target(%dma_start3A_323 : memref<64x128xf32, #tpu.memory_space<hbm>>) target_semaphore(%arg22 : memref<!tpu.dma_semaphore, #tpu.memory_space<semaphore_mem>>)
    %add3A_327 = arith.constant 512 : i32
    %add3A_328 = arith.addi %mul3A_2, %add3A_327 : i32
    %dma_wait3A_329 = arith.constant 512 : i32
    %dma_wait3A_330 = tpu.memref_slice %arg6[%dma_wait3A_329] : memref<640xi32, #tpu.memory_space<vmem>> -> memref<64xi32, #tpu.memory_space<vmem>>
    %dma_wait3A_331 = tpu.memref_slice %arg3[%add3A_328] : memref<819200xi32, #tpu.memory_space<hbm>> -> memref<64xi32, #tpu.memory_space<hbm>>
    %dma_wait3A_332 = arith.constant 512 : i32
    %dma_wait3A_333 = tpu.memref_slice %arg6[%dma_wait3A_332] : memref<640xi32, #tpu.memory_space<vmem>> -> memref<64xi32, #tpu.memory_space<vmem>>
    %dma_wait3A_334 = tpu.memref_slice %arg3[%add3A_328] : memref<819200xi32, #tpu.memory_space<hbm>> -> memref<64xi32, #tpu.memory_space<hbm>>
    tpu.wait_dma2 semaphore(%arg8 : memref<!tpu.dma_semaphore, #tpu.memory_space<semaphore_mem>>) src(%dma_wait3A_334 : memref<64xi32, #tpu.memory_space<hbm>>) dst(%dma_wait3A_333 : memref<64xi32, #tpu.memory_space<vmem>>)
    %dma_start3A_335 = arith.constant 512 : i32
    %dma_start3A_336 = arith.constant 0 : i32
    %dma_start3A_337 = tpu.memref_slice %arg7[%dma_start3A_335, %dma_start3A_336] : memref<640x128xf32, #tpu.memory_space<vmem>> -> memref<64x128xf32, #tpu.memory_space<vmem>>
    %dma_start3A_338 = arith.constant 512 : i32
    %dma_start3A_339 = tpu.memref_slice %arg6[%dma_start3A_338] : memref<640xi32, #tpu.memory_space<vmem>> -> memref<64xi32, #tpu.memory_space<vmem>>
    %dma_start3A_340 = arith.constant 0 : i32
    %dma_start3A_341 = arith.constant 0 : i32
    %dma_start3A_342 = tpu.memref_slice %arg5[%dma_start3A_340, %dma_start3A_341] : memref<4097x128xf32, #tpu.memory_space<vmem_shared>> -> memref<4097x128xf32, #tpu.memory_space<vmem_shared>>
    tpu.enqueue_indirect_dma source(%dma_start3A_342 : memref<4097x128xf32, #tpu.memory_space<vmem_shared>>) target(%dma_start3A_337 : memref<64x128xf32, #tpu.memory_space<vmem>>) offsets(%dma_start3A_339 : memref<64xi32, #tpu.memory_space<vmem>>) semaphore(%arg17 : memref<!tpu.dma_semaphore, #tpu.memory_space<semaphore_mem>>)
    %add3A_343 = arith.constant 832 : i32
    %add3A_344 = arith.addi %mul3A_2, %add3A_343 : i32
    %dma_start3A_345 = arith.constant 192 : i32
    %dma_start3A_346 = tpu.memref_slice %arg6[%dma_start3A_345] : memref<640xi32, #tpu.memory_space<vmem>> -> memref<64xi32, #tpu.memory_space<vmem>>
    %dma_start3A_347 = tpu.memref_slice %arg3[%add3A_344] : memref<819200xi32, #tpu.memory_space<hbm>> -> memref<64xi32, #tpu.memory_space<hbm>>
    %dma_start3A_348 = arith.constant 192 : i32
    %dma_start3A_349 = tpu.memref_slice %arg6[%dma_start3A_348] : memref<640xi32, #tpu.memory_space<vmem>> -> memref<64xi32, #tpu.memory_space<vmem>>
    %dma_start3A_350 = tpu.memref_slice %arg3[%add3A_344] : memref<819200xi32, #tpu.memory_space<hbm>> -> memref<64xi32, #tpu.memory_space<hbm>>
    tpu.enqueue_dma source(%dma_start3A_350 : memref<64xi32, #tpu.memory_space<hbm>>) target(%dma_start3A_349 : memref<64xi32, #tpu.memory_space<vmem>>) target_semaphore(%arg8 : memref<!tpu.dma_semaphore, #tpu.memory_space<semaphore_mem>>)
    %dma_wait3A_351 = arith.constant 256 : i32
    %dma_wait3A_352 = arith.constant 0 : i32
    %dma_wait3A_353 = tpu.memref_slice %arg7[%dma_wait3A_351, %dma_wait3A_352] : memref<640x128xf32, #tpu.memory_space<vmem>> -> memref<64x128xf32, #tpu.memory_space<vmem>>
    %dma_wait3A_354 = arith.constant 256 : i32
    %dma_wait3A_355 = tpu.memref_slice %arg6[%dma_wait3A_354] : memref<640xi32, #tpu.memory_space<vmem>> -> memref<64xi32, #tpu.memory_space<vmem>>
    %dma_wait3A_356 = arith.constant 0 : i32
    %dma_wait3A_357 = arith.constant 0 : i32
    %dma_wait3A_358 = tpu.memref_slice %arg5[%dma_wait3A_356, %dma_wait3A_357] : memref<4097x128xf32, #tpu.memory_space<vmem_shared>> -> memref<4097x128xf32, #tpu.memory_space<vmem_shared>>
    tpu.wait_indirect_dma semaphore(%arg13 : memref<!tpu.dma_semaphore, #tpu.memory_space<semaphore_mem>>) src(%dma_wait3A_358 : memref<4097x128xf32, #tpu.memory_space<vmem_shared>>) dst(%dma_wait3A_353 : memref<64x128xf32, #tpu.memory_space<vmem>>)
    %add3A_359 = arith.constant 256 : i32
    %add3A_360 = arith.addi %mul3A_2, %add3A_359 : i32
    %dma_start3A_361 = arith.constant 256 : i32
    %dma_start3A_362 = arith.constant 0 : i32
    %dma_start3A_363 = tpu.memref_slice %arg7[%dma_start3A_361, %dma_start3A_362] : memref<640x128xf32, #tpu.memory_space<vmem>> -> memref<64x128xf32, #tpu.memory_space<vmem>>
    %dma_start3A_364 = arith.constant 0 : i32
    %dma_start3A_365 = tpu.memref_slice %arg4[%add3A_360, %dma_start3A_364] : memref<819200x128xf32, #tpu.memory_space<hbm>> -> memref<64x128xf32, #tpu.memory_space<hbm>>
    %dma_start3A_366 = arith.constant 0 : i32
    %dma_start3A_367 = tpu.memref_slice %arg4[%add3A_360, %dma_start3A_366] : memref<819200x128xf32, #tpu.memory_space<hbm>> -> memref<64x128xf32, #tpu.memory_space<hbm>>
    %dma_start3A_368 = arith.constant 256 : i32
    %dma_start3A_369 = arith.constant 0 : i32
    %dma_start3A_370 = tpu.memref_slice %arg7[%dma_start3A_368, %dma_start3A_369] : memref<640x128xf32, #tpu.memory_space<vmem>> -> memref<64x128xf32, #tpu.memory_space<vmem>>
    tpu.enqueue_dma source(%dma_start3A_370 : memref<64x128xf32, #tpu.memory_space<vmem>>) target(%dma_start3A_367 : memref<64x128xf32, #tpu.memory_space<hbm>>) target_semaphore(%arg23 : memref<!tpu.dma_semaphore, #tpu.memory_space<semaphore_mem>>)
    %add3A_371 = arith.constant 576 : i32
    %add3A_372 = arith.addi %mul3A_2, %add3A_371 : i32
    %dma_wait3A_373 = arith.constant 576 : i32
    %dma_wait3A_374 = tpu.memref_slice %arg6[%dma_wait3A_373] : memref<640xi32, #tpu.memory_space<vmem>> -> memref<64xi32, #tpu.memory_space<vmem>>
    %dma_wait3A_375 = tpu.memref_slice %arg3[%add3A_372] : memref<819200xi32, #tpu.memory_space<hbm>> -> memref<64xi32, #tpu.memory_space<hbm>>
    %dma_wait3A_376 = arith.constant 576 : i32
    %dma_wait3A_377 = tpu.memref_slice %arg6[%dma_wait3A_376] : memref<640xi32, #tpu.memory_space<vmem>> -> memref<64xi32, #tpu.memory_space<vmem>>
    %dma_wait3A_378 = tpu.memref_slice %arg3[%add3A_372] : memref<819200xi32, #tpu.memory_space<hbm>> -> memref<64xi32, #tpu.memory_space<hbm>>
    tpu.wait_dma2 semaphore(%arg8 : memref<!tpu.dma_semaphore, #tpu.memory_space<semaphore_mem>>) src(%dma_wait3A_378 : memref<64xi32, #tpu.memory_space<hbm>>) dst(%dma_wait3A_377 : memref<64xi32, #tpu.memory_space<vmem>>)
    %dma_start3A_379 = arith.constant 576 : i32
    %dma_start3A_380 = arith.constant 0 : i32
    %dma_start3A_381 = tpu.memref_slice %arg7[%dma_start3A_379, %dma_start3A_380] : memref<640x128xf32, #tpu.memory_space<vmem>> -> memref<64x128xf32, #tpu.memory_space<vmem>>
    %dma_start3A_382 = arith.constant 576 : i32
    %dma_start3A_383 = tpu.memref_slice %arg6[%dma_start3A_382] : memref<640xi32, #tpu.memory_space<vmem>> -> memref<64xi32, #tpu.memory_space<vmem>>
    %dma_start3A_384 = arith.constant 0 : i32
    %dma_start3A_385 = arith.constant 0 : i32
    %dma_start3A_386 = tpu.memref_slice %arg5[%dma_start3A_384, %dma_start3A_385] : memref<4097x128xf32, #tpu.memory_space<vmem_shared>> -> memref<4097x128xf32, #tpu.memory_space<vmem_shared>>
    tpu.enqueue_indirect_dma source(%dma_start3A_386 : memref<4097x128xf32, #tpu.memory_space<vmem_shared>>) target(%dma_start3A_381 : memref<64x128xf32, #tpu.memory_space<vmem>>) offsets(%dma_start3A_383 : memref<64xi32, #tpu.memory_space<vmem>>) semaphore(%arg18 : memref<!tpu.dma_semaphore, #tpu.memory_space<semaphore_mem>>)
    %add3A_387 = arith.constant 896 : i32
    %add3A_388 = arith.addi %mul3A_2, %add3A_387 : i32
    %dma_start3A_389 = arith.constant 256 : i32
    %dma_start3A_390 = tpu.memref_slice %arg6[%dma_start3A_389] : memref<640xi32, #tpu.memory_space<vmem>> -> memref<64xi32, #tpu.memory_space<vmem>>
    %dma_start3A_391 = tpu.memref_slice %arg3[%add3A_388] : memref<819200xi32, #tpu.memory_space<hbm>> -> memref<64xi32, #tpu.memory_space<hbm>>
    %dma_start3A_392 = arith.constant 256 : i32
    %dma_start3A_393 = tpu.memref_slice %arg6[%dma_start3A_392] : memref<640xi32, #tpu.memory_space<vmem>> -> memref<64xi32, #tpu.memory_space<vmem>>
    %dma_start3A_394 = tpu.memref_slice %arg3[%add3A_388] : memref<819200xi32, #tpu.memory_space<hbm>> -> memref<64xi32, #tpu.memory_space<hbm>>
    tpu.enqueue_dma source(%dma_start3A_394 : memref<64xi32, #tpu.memory_space<hbm>>) target(%dma_start3A_393 : memref<64xi32, #tpu.memory_space<vmem>>) target_semaphore(%arg8 : memref<!tpu.dma_semaphore, #tpu.memory_space<semaphore_mem>>)
    %dma_wait3A_395 = arith.constant 320 : i32
    %dma_wait3A_396 = arith.constant 0 : i32
    %dma_wait3A_397 = tpu.memref_slice %arg7[%dma_wait3A_395, %dma_wait3A_396] : memref<640x128xf32, #tpu.memory_space<vmem>> -> memref<64x128xf32, #tpu.memory_space<vmem>>
    %dma_wait3A_398 = arith.constant 320 : i32
    %dma_wait3A_399 = tpu.memref_slice %arg6[%dma_wait3A_398] : memref<640xi32, #tpu.memory_space<vmem>> -> memref<64xi32, #tpu.memory_space<vmem>>
    %dma_wait3A_400 = arith.constant 0 : i32
    %dma_wait3A_401 = arith.constant 0 : i32
    %dma_wait3A_402 = tpu.memref_slice %arg5[%dma_wait3A_400, %dma_wait3A_401] : memref<4097x128xf32, #tpu.memory_space<vmem_shared>> -> memref<4097x128xf32, #tpu.memory_space<vmem_shared>>
    tpu.wait_indirect_dma semaphore(%arg14 : memref<!tpu.dma_semaphore, #tpu.memory_space<semaphore_mem>>) src(%dma_wait3A_402 : memref<4097x128xf32, #tpu.memory_space<vmem_shared>>) dst(%dma_wait3A_397 : memref<64x128xf32, #tpu.memory_space<vmem>>)
    %add3A_403 = arith.constant 320 : i32
    %add3A_404 = arith.addi %mul3A_2, %add3A_403 : i32
    %dma_start3A_405 = arith.constant 320 : i32
    %dma_start3A_406 = arith.constant 0 : i32
    %dma_start3A_407 = tpu.memref_slice %arg7[%dma_start3A_405, %dma_start3A_406] : memref<640x128xf32, #tpu.memory_space<vmem>> -> memref<64x128xf32, #tpu.memory_space<vmem>>
    %dma_start3A_408 = arith.constant 0 : i32
    %dma_start3A_409 = tpu.memref_slice %arg4[%add3A_404, %dma_start3A_408] : memref<819200x128xf32, #tpu.memory_space<hbm>> -> memref<64x128xf32, #tpu.memory_space<hbm>>
    %dma_start3A_410 = arith.constant 0 : i32
    %dma_start3A_411 = tpu.memref_slice %arg4[%add3A_404, %dma_start3A_410] : memref<819200x128xf32, #tpu.memory_space<hbm>> -> memref<64x128xf32, #tpu.memory_space<hbm>>
    %dma_start3A_412 = arith.constant 320 : i32
    %dma_start3A_413 = arith.constant 0 : i32
    %dma_start3A_414 = tpu.memref_slice %arg7[%dma_start3A_412, %dma_start3A_413] : memref<640x128xf32, #tpu.memory_space<vmem>> -> memref<64x128xf32, #tpu.memory_space<vmem>>
    tpu.enqueue_dma source(%dma_start3A_414 : memref<64x128xf32, #tpu.memory_space<vmem>>) target(%dma_start3A_411 : memref<64x128xf32, #tpu.memory_space<hbm>>) target_semaphore(%arg24 : memref<!tpu.dma_semaphore, #tpu.memory_space<semaphore_mem>>)
    %add3A_415 = arith.constant 0 : i32
    %add3A_416 = arith.addi %mul3A_2, %add3A_415 : i32
    %dma_wait3A_417 = arith.constant 0 : i32
    %dma_wait3A_418 = arith.constant 0 : i32
    %dma_wait3A_419 = tpu.memref_slice %arg7[%dma_wait3A_417, %dma_wait3A_418] : memref<640x128xf32, #tpu.memory_space<vmem>> -> memref<64x128xf32, #tpu.memory_space<vmem>>
    %dma_wait3A_420 = arith.constant 0 : i32
    %dma_wait3A_421 = tpu.memref_slice %arg4[%add3A_416, %dma_wait3A_420] : memref<819200x128xf32, #tpu.memory_space<hbm>> -> memref<64x128xf32, #tpu.memory_space<hbm>>
    %dma_wait3A_422 = arith.constant 0 : i32
    %dma_wait3A_423 = tpu.memref_slice %arg4[%add3A_416, %dma_wait3A_422] : memref<819200x128xf32, #tpu.memory_space<hbm>> -> memref<64x128xf32, #tpu.memory_space<hbm>>
    %dma_wait3A_424 = arith.constant 0 : i32
    %dma_wait3A_425 = arith.constant 0 : i32
    %dma_wait3A_426 = tpu.memref_slice %arg7[%dma_wait3A_424, %dma_wait3A_425] : memref<640x128xf32, #tpu.memory_space<vmem>> -> memref<64x128xf32, #tpu.memory_space<vmem>>
    tpu.wait_dma2 semaphore(%arg19 : memref<!tpu.dma_semaphore, #tpu.memory_space<semaphore_mem>>) src(%dma_wait3A_426 : memref<64x128xf32, #tpu.memory_space<vmem>>) dst(%dma_wait3A_423 : memref<64x128xf32, #tpu.memory_space<hbm>>)
    %add3A_427 = arith.constant 640 : i32
    %add3A_428 = arith.addi %mul3A_2, %add3A_427 : i32
    %dma_wait3A_429 = arith.constant 0 : i32
    %dma_wait3A_430 = tpu.memref_slice %arg6[%dma_wait3A_429] : memref<640xi32, #tpu.memory_space<vmem>> -> memref<64xi32, #tpu.memory_space<vmem>>
    %dma_wait3A_431 = tpu.memref_slice %arg3[%add3A_428] : memref<819200xi32, #tpu.memory_space<hbm>> -> memref<64xi32, #tpu.memory_space<hbm>>
    %dma_wait3A_432 = arith.constant 0 : i32
    %dma_wait3A_433 = tpu.memref_slice %arg6[%dma_wait3A_432] : memref<640xi32, #tpu.memory_space<vmem>> -> memref<64xi32, #tpu.memory_space<vmem>>
    %dma_wait3A_434 = tpu.memref_slice %arg3[%add3A_428] : memref<819200xi32, #tpu.memory_space<hbm>> -> memref<64xi32, #tpu.memory_space<hbm>>
    tpu.wait_dma2 semaphore(%arg8 : memref<!tpu.dma_semaphore, #tpu.memory_space<semaphore_mem>>) src(%dma_wait3A_434 : memref<64xi32, #tpu.memory_space<hbm>>) dst(%dma_wait3A_433 : memref<64xi32, #tpu.memory_space<vmem>>)
    %dma_start3A_435 = arith.constant 0 : i32
    %dma_start3A_436 = arith.constant 0 : i32
    %dma_start3A_437 = tpu.memref_slice %arg7[%dma_start3A_435, %dma_start3A_436] : memref<640x128xf32, #tpu.memory_space<vmem>> -> memref<64x128xf32, #tpu.memory_space<vmem>>
    %dma_start3A_438 = arith.constant 0 : i32
    %dma_start3A_439 = tpu.memref_slice %arg6[%dma_start3A_438] : memref<640xi32, #tpu.memory_space<vmem>> -> memref<64xi32, #tpu.memory_space<vmem>>
    %dma_start3A_440 = arith.constant 0 : i32
    %dma_start3A_441 = arith.constant 0 : i32
    %dma_start3A_442 = tpu.memref_slice %arg5[%dma_start3A_440, %dma_start3A_441] : memref<4097x128xf32, #tpu.memory_space<vmem_shared>> -> memref<4097x128xf32, #tpu.memory_space<vmem_shared>>
    tpu.enqueue_indirect_dma source(%dma_start3A_442 : memref<4097x128xf32, #tpu.memory_space<vmem_shared>>) target(%dma_start3A_437 : memref<64x128xf32, #tpu.memory_space<vmem>>) offsets(%dma_start3A_439 : memref<64xi32, #tpu.memory_space<vmem>>) semaphore(%arg9 : memref<!tpu.dma_semaphore, #tpu.memory_space<semaphore_mem>>)
    %add3A_443 = arith.constant 960 : i32
    %add3A_444 = arith.addi %mul3A_2, %add3A_443 : i32
    %dma_start3A_445 = arith.constant 320 : i32
    %dma_start3A_446 = tpu.memref_slice %arg6[%dma_start3A_445] : memref<640xi32, #tpu.memory_space<vmem>> -> memref<64xi32, #tpu.memory_space<vmem>>
    %dma_start3A_447 = tpu.memref_slice %arg3[%add3A_444] : memref<819200xi32, #tpu.memory_space<hbm>> -> memref<64xi32, #tpu.memory_space<hbm>>
    %dma_start3A_448 = arith.constant 320 : i32
    %dma_start3A_449 = tpu.memref_slice %arg6[%dma_start3A_448] : memref<640xi32, #tpu.memory_space<vmem>> -> memref<64xi32, #tpu.memory_space<vmem>>
    %dma_start3A_450 = tpu.memref_slice %arg3[%add3A_444] : memref<819200xi32, #tpu.memory_space<hbm>> -> memref<64xi32, #tpu.memory_space<hbm>>
    tpu.enqueue_dma source(%dma_start3A_450 : memref<64xi32, #tpu.memory_space<hbm>>) target(%dma_start3A_449 : memref<64xi32, #tpu.memory_space<vmem>>) target_semaphore(%arg8 : memref<!tpu.dma_semaphore, #tpu.memory_space<semaphore_mem>>)
    %dma_wait3A_451 = arith.constant 384 : i32
    %dma_wait3A_452 = arith.constant 0 : i32
    %dma_wait3A_453 = tpu.memref_slice %arg7[%dma_wait3A_451, %dma_wait3A_452] : memref<640x128xf32, #tpu.memory_space<vmem>> -> memref<64x128xf32, #tpu.memory_space<vmem>>
    %dma_wait3A_454 = arith.constant 384 : i32
    %dma_wait3A_455 = tpu.memref_slice %arg6[%dma_wait3A_454] : memref<640xi32, #tpu.memory_space<vmem>> -> memref<64xi32, #tpu.memory_space<vmem>>
    %dma_wait3A_456 = arith.constant 0 : i32
    %dma_wait3A_457 = arith.constant 0 : i32
    %dma_wait3A_458 = tpu.memref_slice %arg5[%dma_wait3A_456, %dma_wait3A_457] : memref<4097x128xf32, #tpu.memory_space<vmem_shared>> -> memref<4097x128xf32, #tpu.memory_space<vmem_shared>>
    tpu.wait_indirect_dma semaphore(%arg15 : memref<!tpu.dma_semaphore, #tpu.memory_space<semaphore_mem>>) src(%dma_wait3A_458 : memref<4097x128xf32, #tpu.memory_space<vmem_shared>>) dst(%dma_wait3A_453 : memref<64x128xf32, #tpu.memory_space<vmem>>)
    %add3A_459 = arith.constant 384 : i32
    %add3A_460 = arith.addi %mul3A_2, %add3A_459 : i32
    %dma_start3A_461 = arith.constant 384 : i32
    %dma_start3A_462 = arith.constant 0 : i32
    %dma_start3A_463 = tpu.memref_slice %arg7[%dma_start3A_461, %dma_start3A_462] : memref<640x128xf32, #tpu.memory_space<vmem>> -> memref<64x128xf32, #tpu.memory_space<vmem>>
    %dma_start3A_464 = arith.constant 0 : i32
    %dma_start3A_465 = tpu.memref_slice %arg4[%add3A_460, %dma_start3A_464] : memref<819200x128xf32, #tpu.memory_space<hbm>> -> memref<64x128xf32, #tpu.memory_space<hbm>>
    %dma_start3A_466 = arith.constant 0 : i32
    %dma_start3A_467 = tpu.memref_slice %arg4[%add3A_460, %dma_start3A_466] : memref<819200x128xf32, #tpu.memory_space<hbm>> -> memref<64x128xf32, #tpu.memory_space<hbm>>
    %dma_start3A_468 = arith.constant 384 : i32
    %dma_start3A_469 = arith.constant 0 : i32
    %dma_start3A_470 = tpu.memref_slice %arg7[%dma_start3A_468, %dma_start3A_469] : memref<640x128xf32, #tpu.memory_space<vmem>> -> memref<64x128xf32, #tpu.memory_space<vmem>>
    tpu.enqueue_dma source(%dma_start3A_470 : memref<64x128xf32, #tpu.memory_space<vmem>>) target(%dma_start3A_467 : memref<64x128xf32, #tpu.memory_space<hbm>>) target_semaphore(%arg25 : memref<!tpu.dma_semaphore, #tpu.memory_space<semaphore_mem>>)
    %add3A_471 = arith.constant 64 : i32
    %add3A_472 = arith.addi %mul3A_2, %add3A_471 : i32
    %dma_wait3A_473 = arith.constant 64 : i32
    %dma_wait3A_474 = arith.constant 0 : i32
    %dma_wait3A_475 = tpu.memref_slice %arg7[%dma_wait3A_473, %dma_wait3A_474] : memref<640x128xf32, #tpu.memory_space<vmem>> -> memref<64x128xf32, #tpu.memory_space<vmem>>
    %dma_wait3A_476 = arith.constant 0 : i32
    %dma_wait3A_477 = tpu.memref_slice %arg4[%add3A_472, %dma_wait3A_476] : memref<819200x128xf32, #tpu.memory_space<hbm>> -> memref<64x128xf32, #tpu.memory_space<hbm>>
    %dma_wait3A_478 = arith.constant 0 : i32
    %dma_wait3A_479 = tpu.memref_slice %arg4[%add3A_472, %dma_wait3A_478] : memref<819200x128xf32, #tpu.memory_space<hbm>> -> memref<64x128xf32, #tpu.memory_space<hbm>>
    %dma_wait3A_480 = arith.constant 64 : i32
    %dma_wait3A_481 = arith.constant 0 : i32
    %dma_wait3A_482 = tpu.memref_slice %arg7[%dma_wait3A_480, %dma_wait3A_481] : memref<640x128xf32, #tpu.memory_space<vmem>> -> memref<64x128xf32, #tpu.memory_space<vmem>>
    tpu.wait_dma2 semaphore(%arg20 : memref<!tpu.dma_semaphore, #tpu.memory_space<semaphore_mem>>) src(%dma_wait3A_482 : memref<64x128xf32, #tpu.memory_space<vmem>>) dst(%dma_wait3A_479 : memref<64x128xf32, #tpu.memory_space<hbm>>)
    %add3A_483 = arith.constant 704 : i32
    %add3A_484 = arith.addi %mul3A_2, %add3A_483 : i32
    %dma_wait3A_485 = arith.constant 64 : i32
    %dma_wait3A_486 = tpu.memref_slice %arg6[%dma_wait3A_485] : memref<640xi32, #tpu.memory_space<vmem>> -> memref<64xi32, #tpu.memory_space<vmem>>
    %dma_wait3A_487 = tpu.memref_slice %arg3[%add3A_484] : memref<819200xi32, #tpu.memory_space<hbm>> -> memref<64xi32, #tpu.memory_space<hbm>>
    %dma_wait3A_488 = arith.constant 64 : i32
    %dma_wait3A_489 = tpu.memref_slice %arg6[%dma_wait3A_488] : memref<640xi32, #tpu.memory_space<vmem>> -> memref<64xi32, #tpu.memory_space<vmem>>
    %dma_wait3A_490 = tpu.memref_slice %arg3[%add3A_484] : memref<819200xi32, #tpu.memory_space<hbm>> -> memref<64xi32, #tpu.memory_space<hbm>>
    tpu.wait_dma2 semaphore(%arg8 : memref<!tpu.dma_semaphore, #tpu.memory_space<semaphore_mem>>) src(%dma_wait3A_490 : memref<64xi32, #tpu.memory_space<hbm>>) dst(%dma_wait3A_489 : memref<64xi32, #tpu.memory_space<vmem>>)
    %dma_start3A_491 = arith.constant 64 : i32
    %dma_start3A_492 = arith.constant 0 : i32
    %dma_start3A_493 = tpu.memref_slice %arg7[%dma_start3A_491, %dma_start3A_492] : memref<640x128xf32, #tpu.memory_space<vmem>> -> memref<64x128xf32, #tpu.memory_space<vmem>>
    %dma_start3A_494 = arith.constant 64 : i32
    %dma_start3A_495 = tpu.memref_slice %arg6[%dma_start3A_494] : memref<640xi32, #tpu.memory_space<vmem>> -> memref<64xi32, #tpu.memory_space<vmem>>
    %dma_start3A_496 = arith.constant 0 : i32
    %dma_start3A_497 = arith.constant 0 : i32
    %dma_start3A_498 = tpu.memref_slice %arg5[%dma_start3A_496, %dma_start3A_497] : memref<4097x128xf32, #tpu.memory_space<vmem_shared>> -> memref<4097x128xf32, #tpu.memory_space<vmem_shared>>
    tpu.enqueue_indirect_dma source(%dma_start3A_498 : memref<4097x128xf32, #tpu.memory_space<vmem_shared>>) target(%dma_start3A_493 : memref<64x128xf32, #tpu.memory_space<vmem>>) offsets(%dma_start3A_495 : memref<64xi32, #tpu.memory_space<vmem>>) semaphore(%arg10 : memref<!tpu.dma_semaphore, #tpu.memory_space<semaphore_mem>>)
    %add3A_499 = arith.constant 1024 : i32
    %add3A_500 = arith.addi %mul3A_2, %add3A_499 : i32
    %dma_start3A_501 = arith.constant 384 : i32
    %dma_start3A_502 = tpu.memref_slice %arg6[%dma_start3A_501] : memref<640xi32, #tpu.memory_space<vmem>> -> memref<64xi32, #tpu.memory_space<vmem>>
    %dma_start3A_503 = tpu.memref_slice %arg3[%add3A_500] : memref<819200xi32, #tpu.memory_space<hbm>> -> memref<64xi32, #tpu.memory_space<hbm>>
    %dma_start3A_504 = arith.constant 384 : i32
    %dma_start3A_505 = tpu.memref_slice %arg6[%dma_start3A_504] : memref<640xi32, #tpu.memory_space<vmem>> -> memref<64xi32, #tpu.memory_space<vmem>>
    %dma_start3A_506 = tpu.memref_slice %arg3[%add3A_500] : memref<819200xi32, #tpu.memory_space<hbm>> -> memref<64xi32, #tpu.memory_space<hbm>>
    tpu.enqueue_dma source(%dma_start3A_506 : memref<64xi32, #tpu.memory_space<hbm>>) target(%dma_start3A_505 : memref<64xi32, #tpu.memory_space<vmem>>) target_semaphore(%arg8 : memref<!tpu.dma_semaphore, #tpu.memory_space<semaphore_mem>>)
    %dma_wait3A_507 = arith.constant 448 : i32
    %dma_wait3A_508 = arith.constant 0 : i32
    %dma_wait3A_509 = tpu.memref_slice %arg7[%dma_wait3A_507, %dma_wait3A_508] : memref<640x128xf32, #tpu.memory_space<vmem>> -> memref<64x128xf32, #tpu.memory_space<vmem>>
    %dma_wait3A_510 = arith.constant 448 : i32
    %dma_wait3A_511 = tpu.memref_slice %arg6[%dma_wait3A_510] : memref<640xi32, #tpu.memory_space<vmem>> -> memref<64xi32, #tpu.memory_space<vmem>>
    %dma_wait3A_512 = arith.constant 0 : i32
    %dma_wait3A_513 = arith.constant 0 : i32
    %dma_wait3A_514 = tpu.memref_slice %arg5[%dma_wait3A_512, %dma_wait3A_513] : memref<4097x128xf32, #tpu.memory_space<vmem_shared>> -> memref<4097x128xf32, #tpu.memory_space<vmem_shared>>
    tpu.wait_indirect_dma semaphore(%arg16 : memref<!tpu.dma_semaphore, #tpu.memory_space<semaphore_mem>>) src(%dma_wait3A_514 : memref<4097x128xf32, #tpu.memory_space<vmem_shared>>) dst(%dma_wait3A_509 : memref<64x128xf32, #tpu.memory_space<vmem>>)
    %add3A_515 = arith.constant 448 : i32
    %add3A_516 = arith.addi %mul3A_2, %add3A_515 : i32
    %dma_start3A_517 = arith.constant 448 : i32
    %dma_start3A_518 = arith.constant 0 : i32
    %dma_start3A_519 = tpu.memref_slice %arg7[%dma_start3A_517, %dma_start3A_518] : memref<640x128xf32, #tpu.memory_space<vmem>> -> memref<64x128xf32, #tpu.memory_space<vmem>>
    %dma_start3A_520 = arith.constant 0 : i32
    %dma_start3A_521 = tpu.memref_slice %arg4[%add3A_516, %dma_start3A_520] : memref<819200x128xf32, #tpu.memory_space<hbm>> -> memref<64x128xf32, #tpu.memory_space<hbm>>
    %dma_start3A_522 = arith.constant 0 : i32
    %dma_start3A_523 = tpu.memref_slice %arg4[%add3A_516, %dma_start3A_522] : memref<819200x128xf32, #tpu.memory_space<hbm>> -> memref<64x128xf32, #tpu.memory_space<hbm>>
    %dma_start3A_524 = arith.constant 448 : i32
    %dma_start3A_525 = arith.constant 0 : i32
    %dma_start3A_526 = tpu.memref_slice %arg7[%dma_start3A_524, %dma_start3A_525] : memref<640x128xf32, #tpu.memory_space<vmem>> -> memref<64x128xf32, #tpu.memory_space<vmem>>
    tpu.enqueue_dma source(%dma_start3A_526 : memref<64x128xf32, #tpu.memory_space<vmem>>) target(%dma_start3A_523 : memref<64x128xf32, #tpu.memory_space<hbm>>) target_semaphore(%arg26 : memref<!tpu.dma_semaphore, #tpu.memory_space<semaphore_mem>>)
    %add3A_527 = arith.constant 128 : i32
    %add3A_528 = arith.addi %mul3A_2, %add3A_527 : i32
    %dma_wait3A_529 = arith.constant 128 : i32
    %dma_wait3A_530 = arith.constant 0 : i32
    %dma_wait3A_531 = tpu.memref_slice %arg7[%dma_wait3A_529, %dma_wait3A_530] : memref<640x128xf32, #tpu.memory_space<vmem>> -> memref<64x128xf32, #tpu.memory_space<vmem>>
    %dma_wait3A_532 = arith.constant 0 : i32
    %dma_wait3A_533 = tpu.memref_slice %arg4[%add3A_528, %dma_wait3A_532] : memref<819200x128xf32, #tpu.memory_space<hbm>> -> memref<64x128xf32, #tpu.memory_space<hbm>>
    %dma_wait3A_534 = arith.constant 0 : i32
    %dma_wait3A_535 = tpu.memref_slice %arg4[%add3A_528, %dma_wait3A_534] : memref<819200x128xf32, #tpu.memory_space<hbm>> -> memref<64x128xf32, #tpu.memory_space<hbm>>
    %dma_wait3A_536 = arith.constant 128 : i32
    %dma_wait3A_537 = arith.constant 0 : i32
    %dma_wait3A_538 = tpu.memref_slice %arg7[%dma_wait3A_536, %dma_wait3A_537] : memref<640x128xf32, #tpu.memory_space<vmem>> -> memref<64x128xf32, #tpu.memory_space<vmem>>
    tpu.wait_dma2 semaphore(%arg21 : memref<!tpu.dma_semaphore, #tpu.memory_space<semaphore_mem>>) src(%dma_wait3A_538 : memref<64x128xf32, #tpu.memory_space<vmem>>) dst(%dma_wait3A_535 : memref<64x128xf32, #tpu.memory_space<hbm>>)
    %add3A_539 = arith.constant 768 : i32
    %add3A_540 = arith.addi %mul3A_2, %add3A_539 : i32
    %dma_wait3A_541 = arith.constant 128 : i32
    %dma_wait3A_542 = tpu.memref_slice %arg6[%dma_wait3A_541] : memref<640xi32, #tpu.memory_space<vmem>> -> memref<64xi32, #tpu.memory_space<vmem>>
    %dma_wait3A_543 = tpu.memref_slice %arg3[%add3A_540] : memref<819200xi32, #tpu.memory_space<hbm>> -> memref<64xi32, #tpu.memory_space<hbm>>
    %dma_wait3A_544 = arith.constant 128 : i32
    %dma_wait3A_545 = tpu.memref_slice %arg6[%dma_wait3A_544] : memref<640xi32, #tpu.memory_space<vmem>> -> memref<64xi32, #tpu.memory_space<vmem>>
    %dma_wait3A_546 = tpu.memref_slice %arg3[%add3A_540] : memref<819200xi32, #tpu.memory_space<hbm>> -> memref<64xi32, #tpu.memory_space<hbm>>
    tpu.wait_dma2 semaphore(%arg8 : memref<!tpu.dma_semaphore, #tpu.memory_space<semaphore_mem>>) src(%dma_wait3A_546 : memref<64xi32, #tpu.memory_space<hbm>>) dst(%dma_wait3A_545 : memref<64xi32, #tpu.memory_space<vmem>>)
    %dma_start3A_547 = arith.constant 128 : i32
    %dma_start3A_548 = arith.constant 0 : i32
    %dma_start3A_549 = tpu.memref_slice %arg7[%dma_start3A_547, %dma_start3A_548] : memref<640x128xf32, #tpu.memory_space<vmem>> -> memref<64x128xf32, #tpu.memory_space<vmem>>
    %dma_start3A_550 = arith.constant 128 : i32
    %dma_start3A_551 = tpu.memref_slice %arg6[%dma_start3A_550] : memref<640xi32, #tpu.memory_space<vmem>> -> memref<64xi32, #tpu.memory_space<vmem>>
    %dma_start3A_552 = arith.constant 0 : i32
    %dma_start3A_553 = arith.constant 0 : i32
    %dma_start3A_554 = tpu.memref_slice %arg5[%dma_start3A_552, %dma_start3A_553] : memref<4097x128xf32, #tpu.memory_space<vmem_shared>> -> memref<4097x128xf32, #tpu.memory_space<vmem_shared>>
    tpu.enqueue_indirect_dma source(%dma_start3A_554 : memref<4097x128xf32, #tpu.memory_space<vmem_shared>>) target(%dma_start3A_549 : memref<64x128xf32, #tpu.memory_space<vmem>>) offsets(%dma_start3A_551 : memref<64xi32, #tpu.memory_space<vmem>>) semaphore(%arg11 : memref<!tpu.dma_semaphore, #tpu.memory_space<semaphore_mem>>)
    %add3A_555 = arith.constant 1088 : i32
    %add3A_556 = arith.addi %mul3A_2, %add3A_555 : i32
    %dma_start3A_557 = arith.constant 448 : i32
    %dma_start3A_558 = tpu.memref_slice %arg6[%dma_start3A_557] : memref<640xi32, #tpu.memory_space<vmem>> -> memref<64xi32, #tpu.memory_space<vmem>>
    %dma_start3A_559 = tpu.memref_slice %arg3[%add3A_556] : memref<819200xi32, #tpu.memory_space<hbm>> -> memref<64xi32, #tpu.memory_space<hbm>>
    %dma_start3A_560 = arith.constant 448 : i32
    %dma_start3A_561 = tpu.memref_slice %arg6[%dma_start3A_560] : memref<640xi32, #tpu.memory_space<vmem>> -> memref<64xi32, #tpu.memory_space<vmem>>
    %dma_start3A_562 = tpu.memref_slice %arg3[%add3A_556] : memref<819200xi32, #tpu.memory_space<hbm>> -> memref<64xi32, #tpu.memory_space<hbm>>
    tpu.enqueue_dma source(%dma_start3A_562 : memref<64xi32, #tpu.memory_space<hbm>>) target(%dma_start3A_561 : memref<64xi32, #tpu.memory_space<vmem>>) target_semaphore(%arg8 : memref<!tpu.dma_semaphore, #tpu.memory_space<semaphore_mem>>)
    %dma_wait3A_563 = arith.constant 512 : i32
    %dma_wait3A_564 = arith.constant 0 : i32
    %dma_wait3A_565 = tpu.memref_slice %arg7[%dma_wait3A_563, %dma_wait3A_564] : memref<640x128xf32, #tpu.memory_space<vmem>> -> memref<64x128xf32, #tpu.memory_space<vmem>>
    %dma_wait3A_566 = arith.constant 512 : i32
    %dma_wait3A_567 = tpu.memref_slice %arg6[%dma_wait3A_566] : memref<640xi32, #tpu.memory_space<vmem>> -> memref<64xi32, #tpu.memory_space<vmem>>
    %dma_wait3A_568 = arith.constant 0 : i32
    %dma_wait3A_569 = arith.constant 0 : i32
    %dma_wait3A_570 = tpu.memref_slice %arg5[%dma_wait3A_568, %dma_wait3A_569] : memref<4097x128xf32, #tpu.memory_space<vmem_shared>> -> memref<4097x128xf32, #tpu.memory_space<vmem_shared>>
    tpu.wait_indirect_dma semaphore(%arg17 : memref<!tpu.dma_semaphore, #tpu.memory_space<semaphore_mem>>) src(%dma_wait3A_570 : memref<4097x128xf32, #tpu.memory_space<vmem_shared>>) dst(%dma_wait3A_565 : memref<64x128xf32, #tpu.memory_space<vmem>>)
    %add3A_571 = arith.constant 512 : i32
    %add3A_572 = arith.addi %mul3A_2, %add3A_571 : i32
    %dma_start3A_573 = arith.constant 512 : i32
    %dma_start3A_574 = arith.constant 0 : i32
    %dma_start3A_575 = tpu.memref_slice %arg7[%dma_start3A_573, %dma_start3A_574] : memref<640x128xf32, #tpu.memory_space<vmem>> -> memref<64x128xf32, #tpu.memory_space<vmem>>
    %dma_start3A_576 = arith.constant 0 : i32
    %dma_start3A_577 = tpu.memref_slice %arg4[%add3A_572, %dma_start3A_576] : memref<819200x128xf32, #tpu.memory_space<hbm>> -> memref<64x128xf32, #tpu.memory_space<hbm>>
    %dma_start3A_578 = arith.constant 0 : i32
    %dma_start3A_579 = tpu.memref_slice %arg4[%add3A_572, %dma_start3A_578] : memref<819200x128xf32, #tpu.memory_space<hbm>> -> memref<64x128xf32, #tpu.memory_space<hbm>>
    %dma_start3A_580 = arith.constant 512 : i32
    %dma_start3A_581 = arith.constant 0 : i32
    %dma_start3A_582 = tpu.memref_slice %arg7[%dma_start3A_580, %dma_start3A_581] : memref<640x128xf32, #tpu.memory_space<vmem>> -> memref<64x128xf32, #tpu.memory_space<vmem>>
    tpu.enqueue_dma source(%dma_start3A_582 : memref<64x128xf32, #tpu.memory_space<vmem>>) target(%dma_start3A_579 : memref<64x128xf32, #tpu.memory_space<hbm>>) target_semaphore(%arg27 : memref<!tpu.dma_semaphore, #tpu.memory_space<semaphore_mem>>)
    %add3A_583 = arith.constant 192 : i32
    %add3A_584 = arith.addi %mul3A_2, %add3A_583 : i32
    %dma_wait3A_585 = arith.constant 192 : i32
    %dma_wait3A_586 = arith.constant 0 : i32
    %dma_wait3A_587 = tpu.memref_slice %arg7[%dma_wait3A_585, %dma_wait3A_586] : memref<640x128xf32, #tpu.memory_space<vmem>> -> memref<64x128xf32, #tpu.memory_space<vmem>>
    %dma_wait3A_588 = arith.constant 0 : i32
    %dma_wait3A_589 = tpu.memref_slice %arg4[%add3A_584, %dma_wait3A_588] : memref<819200x128xf32, #tpu.memory_space<hbm>> -> memref<64x128xf32, #tpu.memory_space<hbm>>
    %dma_wait3A_590 = arith.constant 0 : i32
    %dma_wait3A_591 = tpu.memref_slice %arg4[%add3A_584, %dma_wait3A_590] : memref<819200x128xf32, #tpu.memory_space<hbm>> -> memref<64x128xf32, #tpu.memory_space<hbm>>
    %dma_wait3A_592 = arith.constant 192 : i32
    %dma_wait3A_593 = arith.constant 0 : i32
    %dma_wait3A_594 = tpu.memref_slice %arg7[%dma_wait3A_592, %dma_wait3A_593] : memref<640x128xf32, #tpu.memory_space<vmem>> -> memref<64x128xf32, #tpu.memory_space<vmem>>
    tpu.wait_dma2 semaphore(%arg22 : memref<!tpu.dma_semaphore, #tpu.memory_space<semaphore_mem>>) src(%dma_wait3A_594 : memref<64x128xf32, #tpu.memory_space<vmem>>) dst(%dma_wait3A_591 : memref<64x128xf32, #tpu.memory_space<hbm>>)
    %add3A_595 = arith.constant 832 : i32
    %add3A_596 = arith.addi %mul3A_2, %add3A_595 : i32
    %dma_wait3A_597 = arith.constant 192 : i32
    %dma_wait3A_598 = tpu.memref_slice %arg6[%dma_wait3A_597] : memref<640xi32, #tpu.memory_space<vmem>> -> memref<64xi32, #tpu.memory_space<vmem>>
    %dma_wait3A_599 = tpu.memref_slice %arg3[%add3A_596] : memref<819200xi32, #tpu.memory_space<hbm>> -> memref<64xi32, #tpu.memory_space<hbm>>
    %dma_wait3A_600 = arith.constant 192 : i32
    %dma_wait3A_601 = tpu.memref_slice %arg6[%dma_wait3A_600] : memref<640xi32, #tpu.memory_space<vmem>> -> memref<64xi32, #tpu.memory_space<vmem>>
    %dma_wait3A_602 = tpu.memref_slice %arg3[%add3A_596] : memref<819200xi32, #tpu.memory_space<hbm>> -> memref<64xi32, #tpu.memory_space<hbm>>
    tpu.wait_dma2 semaphore(%arg8 : memref<!tpu.dma_semaphore, #tpu.memory_space<semaphore_mem>>) src(%dma_wait3A_602 : memref<64xi32, #tpu.memory_space<hbm>>) dst(%dma_wait3A_601 : memref<64xi32, #tpu.memory_space<vmem>>)
    %dma_start3A_603 = arith.constant 192 : i32
    %dma_start3A_604 = arith.constant 0 : i32
    %dma_start3A_605 = tpu.memref_slice %arg7[%dma_start3A_603, %dma_start3A_604] : memref<640x128xf32, #tpu.memory_space<vmem>> -> memref<64x128xf32, #tpu.memory_space<vmem>>
    %dma_start3A_606 = arith.constant 192 : i32
    %dma_start3A_607 = tpu.memref_slice %arg6[%dma_start3A_606] : memref<640xi32, #tpu.memory_space<vmem>> -> memref<64xi32, #tpu.memory_space<vmem>>
    %dma_start3A_608 = arith.constant 0 : i32
    %dma_start3A_609 = arith.constant 0 : i32
    %dma_start3A_610 = tpu.memref_slice %arg5[%dma_start3A_608, %dma_start3A_609] : memref<4097x128xf32, #tpu.memory_space<vmem_shared>> -> memref<4097x128xf32, #tpu.memory_space<vmem_shared>>
    tpu.enqueue_indirect_dma source(%dma_start3A_610 : memref<4097x128xf32, #tpu.memory_space<vmem_shared>>) target(%dma_start3A_605 : memref<64x128xf32, #tpu.memory_space<vmem>>) offsets(%dma_start3A_607 : memref<64xi32, #tpu.memory_space<vmem>>) semaphore(%arg12 : memref<!tpu.dma_semaphore, #tpu.memory_space<semaphore_mem>>)
    %add3A_611 = arith.constant 1152 : i32
    %add3A_612 = arith.addi %mul3A_2, %add3A_611 : i32
    %dma_start3A_613 = arith.constant 512 : i32
    %dma_start3A_614 = tpu.memref_slice %arg6[%dma_start3A_613] : memref<640xi32, #tpu.memory_space<vmem>> -> memref<64xi32, #tpu.memory_space<vmem>>
    %dma_start3A_615 = tpu.memref_slice %arg3[%add3A_612] : memref<819200xi32, #tpu.memory_space<hbm>> -> memref<64xi32, #tpu.memory_space<hbm>>
    %dma_start3A_616 = arith.constant 512 : i32
    %dma_start3A_617 = tpu.memref_slice %arg6[%dma_start3A_616] : memref<640xi32, #tpu.memory_space<vmem>> -> memref<64xi32, #tpu.memory_space<vmem>>
    %dma_start3A_618 = tpu.memref_slice %arg3[%add3A_612] : memref<819200xi32, #tpu.memory_space<hbm>> -> memref<64xi32, #tpu.memory_space<hbm>>
    tpu.enqueue_dma source(%dma_start3A_618 : memref<64xi32, #tpu.memory_space<hbm>>) target(%dma_start3A_617 : memref<64xi32, #tpu.memory_space<vmem>>) target_semaphore(%arg8 : memref<!tpu.dma_semaphore, #tpu.memory_space<semaphore_mem>>)
    %dma_wait3A_619 = arith.constant 576 : i32
    %dma_wait3A_620 = arith.constant 0 : i32
    %dma_wait3A_621 = tpu.memref_slice %arg7[%dma_wait3A_619, %dma_wait3A_620] : memref<640x128xf32, #tpu.memory_space<vmem>> -> memref<64x128xf32, #tpu.memory_space<vmem>>
    %dma_wait3A_622 = arith.constant 576 : i32
    %dma_wait3A_623 = tpu.memref_slice %arg6[%dma_wait3A_622] : memref<640xi32, #tpu.memory_space<vmem>> -> memref<64xi32, #tpu.memory_space<vmem>>
    %dma_wait3A_624 = arith.constant 0 : i32
    %dma_wait3A_625 = arith.constant 0 : i32
    %dma_wait3A_626 = tpu.memref_slice %arg5[%dma_wait3A_624, %dma_wait3A_625] : memref<4097x128xf32, #tpu.memory_space<vmem_shared>> -> memref<4097x128xf32, #tpu.memory_space<vmem_shared>>
    tpu.wait_indirect_dma semaphore(%arg18 : memref<!tpu.dma_semaphore, #tpu.memory_space<semaphore_mem>>) src(%dma_wait3A_626 : memref<4097x128xf32, #tpu.memory_space<vmem_shared>>) dst(%dma_wait3A_621 : memref<64x128xf32, #tpu.memory_space<vmem>>)
    %add3A_627 = arith.constant 576 : i32
    %add3A_628 = arith.addi %mul3A_2, %add3A_627 : i32
    %dma_start3A_629 = arith.constant 576 : i32
    %dma_start3A_630 = arith.constant 0 : i32
    %dma_start3A_631 = tpu.memref_slice %arg7[%dma_start3A_629, %dma_start3A_630] : memref<640x128xf32, #tpu.memory_space<vmem>> -> memref<64x128xf32, #tpu.memory_space<vmem>>
    %dma_start3A_632 = arith.constant 0 : i32
    %dma_start3A_633 = tpu.memref_slice %arg4[%add3A_628, %dma_start3A_632] : memref<819200x128xf32, #tpu.memory_space<hbm>> -> memref<64x128xf32, #tpu.memory_space<hbm>>
    %dma_start3A_634 = arith.constant 0 : i32
    %dma_start3A_635 = tpu.memref_slice %arg4[%add3A_628, %dma_start3A_634] : memref<819200x128xf32, #tpu.memory_space<hbm>> -> memref<64x128xf32, #tpu.memory_space<hbm>>
    %dma_start3A_636 = arith.constant 576 : i32
    %dma_start3A_637 = arith.constant 0 : i32
    %dma_start3A_638 = tpu.memref_slice %arg7[%dma_start3A_636, %dma_start3A_637] : memref<640x128xf32, #tpu.memory_space<vmem>> -> memref<64x128xf32, #tpu.memory_space<vmem>>
    tpu.enqueue_dma source(%dma_start3A_638 : memref<64x128xf32, #tpu.memory_space<vmem>>) target(%dma_start3A_635 : memref<64x128xf32, #tpu.memory_space<hbm>>) target_semaphore(%arg28 : memref<!tpu.dma_semaphore, #tpu.memory_space<semaphore_mem>>)
    %add3A_639 = arith.constant 256 : i32
    %add3A_640 = arith.addi %mul3A_2, %add3A_639 : i32
    %dma_wait3A_641 = arith.constant 256 : i32
    %dma_wait3A_642 = arith.constant 0 : i32
    %dma_wait3A_643 = tpu.memref_slice %arg7[%dma_wait3A_641, %dma_wait3A_642] : memref<640x128xf32, #tpu.memory_space<vmem>> -> memref<64x128xf32, #tpu.memory_space<vmem>>
    %dma_wait3A_644 = arith.constant 0 : i32
    %dma_wait3A_645 = tpu.memref_slice %arg4[%add3A_640, %dma_wait3A_644] : memref<819200x128xf32, #tpu.memory_space<hbm>> -> memref<64x128xf32, #tpu.memory_space<hbm>>
    %dma_wait3A_646 = arith.constant 0 : i32
    %dma_wait3A_647 = tpu.memref_slice %arg4[%add3A_640, %dma_wait3A_646] : memref<819200x128xf32, #tpu.memory_space<hbm>> -> memref<64x128xf32, #tpu.memory_space<hbm>>
    %dma_wait3A_648 = arith.constant 256 : i32
    %dma_wait3A_649 = arith.constant 0 : i32
    %dma_wait3A_650 = tpu.memref_slice %arg7[%dma_wait3A_648, %dma_wait3A_649] : memref<640x128xf32, #tpu.memory_space<vmem>> -> memref<64x128xf32, #tpu.memory_space<vmem>>
    tpu.wait_dma2 semaphore(%arg23 : memref<!tpu.dma_semaphore, #tpu.memory_space<semaphore_mem>>) src(%dma_wait3A_650 : memref<64x128xf32, #tpu.memory_space<vmem>>) dst(%dma_wait3A_647 : memref<64x128xf32, #tpu.memory_space<hbm>>)
    %add3A_651 = arith.constant 896 : i32
    %add3A_652 = arith.addi %mul3A_2, %add3A_651 : i32
    %dma_wait3A_653 = arith.constant 256 : i32
    %dma_wait3A_654 = tpu.memref_slice %arg6[%dma_wait3A_653] : memref<640xi32, #tpu.memory_space<vmem>> -> memref<64xi32, #tpu.memory_space<vmem>>
    %dma_wait3A_655 = tpu.memref_slice %arg3[%add3A_652] : memref<819200xi32, #tpu.memory_space<hbm>> -> memref<64xi32, #tpu.memory_space<hbm>>
    %dma_wait3A_656 = arith.constant 256 : i32
    %dma_wait3A_657 = tpu.memref_slice %arg6[%dma_wait3A_656] : memref<640xi32, #tpu.memory_space<vmem>> -> memref<64xi32, #tpu.memory_space<vmem>>
    %dma_wait3A_658 = tpu.memref_slice %arg3[%add3A_652] : memref<819200xi32, #tpu.memory_space<hbm>> -> memref<64xi32, #tpu.memory_space<hbm>>
    tpu.wait_dma2 semaphore(%arg8 : memref<!tpu.dma_semaphore, #tpu.memory_space<semaphore_mem>>) src(%dma_wait3A_658 : memref<64xi32, #tpu.memory_space<hbm>>) dst(%dma_wait3A_657 : memref<64xi32, #tpu.memory_space<vmem>>)
    %dma_start3A_659 = arith.constant 256 : i32
    %dma_start3A_660 = arith.constant 0 : i32
    %dma_start3A_661 = tpu.memref_slice %arg7[%dma_start3A_659, %dma_start3A_660] : memref<640x128xf32, #tpu.memory_space<vmem>> -> memref<64x128xf32, #tpu.memory_space<vmem>>
    %dma_start3A_662 = arith.constant 256 : i32
    %dma_start3A_663 = tpu.memref_slice %arg6[%dma_start3A_662] : memref<640xi32, #tpu.memory_space<vmem>> -> memref<64xi32, #tpu.memory_space<vmem>>
    %dma_start3A_664 = arith.constant 0 : i32
    %dma_start3A_665 = arith.constant 0 : i32
    %dma_start3A_666 = tpu.memref_slice %arg5[%dma_start3A_664, %dma_start3A_665] : memref<4097x128xf32, #tpu.memory_space<vmem_shared>> -> memref<4097x128xf32, #tpu.memory_space<vmem_shared>>
    tpu.enqueue_indirect_dma source(%dma_start3A_666 : memref<4097x128xf32, #tpu.memory_space<vmem_shared>>) target(%dma_start3A_661 : memref<64x128xf32, #tpu.memory_space<vmem>>) offsets(%dma_start3A_663 : memref<64xi32, #tpu.memory_space<vmem>>) semaphore(%arg13 : memref<!tpu.dma_semaphore, #tpu.memory_space<semaphore_mem>>)
    %add3A_667 = arith.constant 1216 : i32
    %add3A_668 = arith.addi %mul3A_2, %add3A_667 : i32
    %dma_start3A_669 = arith.constant 576 : i32
    %dma_start3A_670 = tpu.memref_slice %arg6[%dma_start3A_669] : memref<640xi32, #tpu.memory_space<vmem>> -> memref<64xi32, #tpu.memory_space<vmem>>
    %dma_start3A_671 = tpu.memref_slice %arg3[%add3A_668] : memref<819200xi32, #tpu.memory_space<hbm>> -> memref<64xi32, #tpu.memory_space<hbm>>
    %dma_start3A_672 = arith.constant 576 : i32
    %dma_start3A_673 = tpu.memref_slice %arg6[%dma_start3A_672] : memref<640xi32, #tpu.memory_space<vmem>> -> memref<64xi32, #tpu.memory_space<vmem>>
    %dma_start3A_674 = tpu.memref_slice %arg3[%add3A_668] : memref<819200xi32, #tpu.memory_space<hbm>> -> memref<64xi32, #tpu.memory_space<hbm>>
    tpu.enqueue_dma source(%dma_start3A_674 : memref<64xi32, #tpu.memory_space<hbm>>) target(%dma_start3A_673 : memref<64xi32, #tpu.memory_space<vmem>>) target_semaphore(%arg8 : memref<!tpu.dma_semaphore, #tpu.memory_space<semaphore_mem>>)
    %scan3A = arith.constant 0 : i32
    %scan3A_675 = arith.constant 1 : i32
    %scan3A_676 = arith.constant 38 : i32
    %scan3A_677 = arith.addi %scan3A_675, %scan3A_676 : i32
    %scan3A_678 = arith.constant 1 : i32
    scf.for %scan3A_1140 = %scan3A_675 to %scan3A_677 step %scan3A_678  : i32 {
      %mul3A_1141 = arith.constant 10 : i32
      %mul3A_1142 = arith.muli %scan3A_1140, %mul3A_1141 : i32
      %add3A_1143 = arith.constant 0 : i32
      %add3A_1144 = arith.addi %mul3A_1142, %add3A_1143 : i32
      %dma_wait3A_1145 = arith.constant 0 : i32
      %dma_wait3A_1146 = arith.constant 0 : i32
      %dma_wait3A_1147 = tpu.memref_slice %arg7[%dma_wait3A_1145, %dma_wait3A_1146] : memref<640x128xf32, #tpu.memory_space<vmem>> -> memref<64x128xf32, #tpu.memory_space<vmem>>
      %dma_wait3A_1148 = arith.constant 0 : i32
      %dma_wait3A_1149 = tpu.memref_slice %arg6[%dma_wait3A_1148] : memref<640xi32, #tpu.memory_space<vmem>> -> memref<64xi32, #tpu.memory_space<vmem>>
      %dma_wait3A_1150 = arith.constant 0 : i32
      %dma_wait3A_1151 = arith.constant 0 : i32
      %dma_wait3A_1152 = tpu.memref_slice %arg5[%dma_wait3A_1150, %dma_wait3A_1151] : memref<4097x128xf32, #tpu.memory_space<vmem_shared>> -> memref<4097x128xf32, #tpu.memory_space<vmem_shared>>
      tpu.wait_indirect_dma semaphore(%arg9 : memref<!tpu.dma_semaphore, #tpu.memory_space<semaphore_mem>>) src(%dma_wait3A_1152 : memref<4097x128xf32, #tpu.memory_space<vmem_shared>>) dst(%dma_wait3A_1147 : memref<64x128xf32, #tpu.memory_space<vmem>>)
      %mul3A_1153 = arith.constant 64 : i32
      %mul3A_1154 = arith.muli %add3A_1144, %mul3A_1153 : i32
      %add3A_1155 = arith.addi %mul3A_2, %mul3A_1154 : i32
      %dma_start3A_1156 = arith.constant 0 : i32
      %dma_start3A_1157 = arith.constant 0 : i32
      %dma_start3A_1158 = tpu.memref_slice %arg7[%dma_start3A_1156, %dma_start3A_1157] : memref<640x128xf32, #tpu.memory_space<vmem>> -> memref<64x128xf32, #tpu.memory_space<vmem>>
      %dma_start3A_1159 = arith.constant 0 : i32
      %dma_start3A_1160 = tpu.memref_slice %arg4[%add3A_1155, %dma_start3A_1159] : memref<819200x128xf32, #tpu.memory_space<hbm>> -> memref<64x128xf32, #tpu.memory_space<hbm>>
      %dma_start3A_1161 = arith.constant 0 : i32
      %dma_start3A_1162 = tpu.memref_slice %arg4[%add3A_1155, %dma_start3A_1161] : memref<819200x128xf32, #tpu.memory_space<hbm>> -> memref<64x128xf32, #tpu.memory_space<hbm>>
      %dma_start3A_1163 = arith.constant 0 : i32
      %dma_start3A_1164 = arith.constant 0 : i32
      %dma_start3A_1165 = tpu.memref_slice %arg7[%dma_start3A_1163, %dma_start3A_1164] : memref<640x128xf32, #tpu.memory_space<vmem>> -> memref<64x128xf32, #tpu.memory_space<vmem>>
      tpu.enqueue_dma source(%dma_start3A_1165 : memref<64x128xf32, #tpu.memory_space<vmem>>) target(%dma_start3A_1162 : memref<64x128xf32, #tpu.memory_space<hbm>>) target_semaphore(%arg19 : memref<!tpu.dma_semaphore, #tpu.memory_space<semaphore_mem>>)
      %sub3A = arith.constant 5 : i32
      %sub3A_1166 = arith.subi %add3A_1144, %sub3A : i32
      %mul3A_1167 = arith.constant 64 : i32
      %mul3A_1168 = arith.muli %sub3A_1166, %mul3A_1167 : i32
      %add3A_1169 = arith.addi %mul3A_2, %mul3A_1168 : i32
      %dma_wait3A_1170 = arith.constant 320 : i32
      %dma_wait3A_1171 = arith.constant 0 : i32
      %dma_wait3A_1172 = tpu.memref_slice %arg7[%dma_wait3A_1170, %dma_wait3A_1171] : memref<640x128xf32, #tpu.memory_space<vmem>> -> memref<64x128xf32, #tpu.memory_space<vmem>>
      %dma_wait3A_1173 = arith.constant 0 : i32
      %dma_wait3A_1174 = tpu.memref_slice %arg4[%add3A_1169, %dma_wait3A_1173] : memref<819200x128xf32, #tpu.memory_space<hbm>> -> memref<64x128xf32, #tpu.memory_space<hbm>>
      %dma_wait3A_1175 = arith.constant 0 : i32
      %dma_wait3A_1176 = tpu.memref_slice %arg4[%add3A_1169, %dma_wait3A_1175] : memref<819200x128xf32, #tpu.memory_space<hbm>> -> memref<64x128xf32, #tpu.memory_space<hbm>>
      %dma_wait3A_1177 = arith.constant 320 : i32
      %dma_wait3A_1178 = arith.constant 0 : i32
      %dma_wait3A_1179 = tpu.memref_slice %arg7[%dma_wait3A_1177, %dma_wait3A_1178] : memref<640x128xf32, #tpu.memory_space<vmem>> -> memref<64x128xf32, #tpu.memory_space<vmem>>
      tpu.wait_dma2 semaphore(%arg24 : memref<!tpu.dma_semaphore, #tpu.memory_space<semaphore_mem>>) src(%dma_wait3A_1179 : memref<64x128xf32, #tpu.memory_space<vmem>>) dst(%dma_wait3A_1176 : memref<64x128xf32, #tpu.memory_space<hbm>>)
      %add3A_1180 = arith.constant 5 : i32
      %add3A_1181 = arith.addi %add3A_1144, %add3A_1180 : i32
      %mul3A_1182 = arith.constant 64 : i32
      %mul3A_1183 = arith.muli %add3A_1181, %mul3A_1182 : i32
      %add3A_1184 = arith.addi %mul3A_2, %mul3A_1183 : i32
      %dma_wait3A_1185 = arith.constant 320 : i32
      %dma_wait3A_1186 = tpu.memref_slice %arg6[%dma_wait3A_1185] : memref<640xi32, #tpu.memory_space<vmem>> -> memref<64xi32, #tpu.memory_space<vmem>>
      %dma_wait3A_1187 = tpu.memref_slice %arg3[%add3A_1184] : memref<819200xi32, #tpu.memory_space<hbm>> -> memref<64xi32, #tpu.memory_space<hbm>>
      %dma_wait3A_1188 = arith.constant 320 : i32
      %dma_wait3A_1189 = tpu.memref_slice %arg6[%dma_wait3A_1188] : memref<640xi32, #tpu.memory_space<vmem>> -> memref<64xi32, #tpu.memory_space<vmem>>
      %dma_wait3A_1190 = tpu.memref_slice %arg3[%add3A_1184] : memref<819200xi32, #tpu.memory_space<hbm>> -> memref<64xi32, #tpu.memory_space<hbm>>
      tpu.wait_dma2 semaphore(%arg8 : memref<!tpu.dma_semaphore, #tpu.memory_space<semaphore_mem>>) src(%dma_wait3A_1190 : memref<64xi32, #tpu.memory_space<hbm>>) dst(%dma_wait3A_1189 : memref<64xi32, #tpu.memory_space<vmem>>)
      %add3A_1191 = arith.constant 5 : i32
      %add3A_1192 = arith.addi %add3A_1144, %add3A_1191 : i32
      %dma_start3A_1193 = arith.constant 320 : i32
      %dma_start3A_1194 = arith.constant 0 : i32
      %dma_start3A_1195 = tpu.memref_slice %arg7[%dma_start3A_1193, %dma_start3A_1194] : memref<640x128xf32, #tpu.memory_space<vmem>> -> memref<64x128xf32, #tpu.memory_space<vmem>>
      %dma_start3A_1196 = arith.constant 320 : i32
      %dma_start3A_1197 = tpu.memref_slice %arg6[%dma_start3A_1196] : memref<640xi32, #tpu.memory_space<vmem>> -> memref<64xi32, #tpu.memory_space<vmem>>
      %dma_start3A_1198 = arith.constant 0 : i32
      %dma_start3A_1199 = arith.constant 0 : i32
      %dma_start3A_1200 = tpu.memref_slice %arg5[%dma_start3A_1198, %dma_start3A_1199] : memref<4097x128xf32, #tpu.memory_space<vmem_shared>> -> memref<4097x128xf32, #tpu.memory_space<vmem_shared>>
      tpu.enqueue_indirect_dma source(%dma_start3A_1200 : memref<4097x128xf32, #tpu.memory_space<vmem_shared>>) target(%dma_start3A_1195 : memref<64x128xf32, #tpu.memory_space<vmem>>) offsets(%dma_start3A_1197 : memref<64xi32, #tpu.memory_space<vmem>>) semaphore(%arg14 : memref<!tpu.dma_semaphore, #tpu.memory_space<semaphore_mem>>)
      %add3A_1201 = arith.constant 10 : i32
      %add3A_1202 = arith.addi %add3A_1144, %add3A_1201 : i32
      %mul3A_1203 = arith.constant 64 : i32
      %mul3A_1204 = arith.muli %add3A_1202, %mul3A_1203 : i32
      %add3A_1205 = arith.addi %mul3A_2, %mul3A_1204 : i32
      %dma_start3A_1206 = arith.constant 0 : i32
      %dma_start3A_1207 = tpu.memref_slice %arg6[%dma_start3A_1206] : memref<640xi32, #tpu.memory_space<vmem>> -> memref<64xi32, #tpu.memory_space<vmem>>
      %dma_start3A_1208 = tpu.memref_slice %arg3[%add3A_1205] : memref<819200xi32, #tpu.memory_space<hbm>> -> memref<64xi32, #tpu.memory_space<hbm>>
      %dma_start3A_1209 = arith.constant 0 : i32
      %dma_start3A_1210 = tpu.memref_slice %arg6[%dma_start3A_1209] : memref<640xi32, #tpu.memory_space<vmem>> -> memref<64xi32, #tpu.memory_space<vmem>>
      %dma_start3A_1211 = tpu.memref_slice %arg3[%add3A_1205] : memref<819200xi32, #tpu.memory_space<hbm>> -> memref<64xi32, #tpu.memory_space<hbm>>
      tpu.enqueue_dma source(%dma_start3A_1211 : memref<64xi32, #tpu.memory_space<hbm>>) target(%dma_start3A_1210 : memref<64xi32, #tpu.memory_space<vmem>>) target_semaphore(%arg8 : memref<!tpu.dma_semaphore, #tpu.memory_space<semaphore_mem>>)
      %add3A_1212 = arith.constant 1 : i32
      %add3A_1213 = arith.addi %mul3A_1142, %add3A_1212 : i32
      %dma_wait3A_1214 = arith.constant 64 : i32
      %dma_wait3A_1215 = arith.constant 0 : i32
      %dma_wait3A_1216 = tpu.memref_slice %arg7[%dma_wait3A_1214, %dma_wait3A_1215] : memref<640x128xf32, #tpu.memory_space<vmem>> -> memref<64x128xf32, #tpu.memory_space<vmem>>
      %dma_wait3A_1217 = arith.constant 64 : i32
      %dma_wait3A_1218 = tpu.memref_slice %arg6[%dma_wait3A_1217] : memref<640xi32, #tpu.memory_space<vmem>> -> memref<64xi32, #tpu.memory_space<vmem>>
      %dma_wait3A_1219 = arith.constant 0 : i32
      %dma_wait3A_1220 = arith.constant 0 : i32
      %dma_wait3A_1221 = tpu.memref_slice %arg5[%dma_wait3A_1219, %dma_wait3A_1220] : memref<4097x128xf32, #tpu.memory_space<vmem_shared>> -> memref<4097x128xf32, #tpu.memory_space<vmem_shared>>
      tpu.wait_indirect_dma semaphore(%arg10 : memref<!tpu.dma_semaphore, #tpu.memory_space<semaphore_mem>>) src(%dma_wait3A_1221 : memref<4097x128xf32, #tpu.memory_space<vmem_shared>>) dst(%dma_wait3A_1216 : memref<64x128xf32, #tpu.memory_space<vmem>>)
      %mul3A_1222 = arith.constant 64 : i32
      %mul3A_1223 = arith.muli %add3A_1213, %mul3A_1222 : i32
      %add3A_1224 = arith.addi %mul3A_2, %mul3A_1223 : i32
      %dma_start3A_1225 = arith.constant 64 : i32
      %dma_start3A_1226 = arith.constant 0 : i32
      %dma_start3A_1227 = tpu.memref_slice %arg7[%dma_start3A_1225, %dma_start3A_1226] : memref<640x128xf32, #tpu.memory_space<vmem>> -> memref<64x128xf32, #tpu.memory_space<vmem>>
      %dma_start3A_1228 = arith.constant 0 : i32
      %dma_start3A_1229 = tpu.memref_slice %arg4[%add3A_1224, %dma_start3A_1228] : memref<819200x128xf32, #tpu.memory_space<hbm>> -> memref<64x128xf32, #tpu.memory_space<hbm>>
      %dma_start3A_1230 = arith.constant 0 : i32
      %dma_start3A_1231 = tpu.memref_slice %arg4[%add3A_1224, %dma_start3A_1230] : memref<819200x128xf32, #tpu.memory_space<hbm>> -> memref<64x128xf32, #tpu.memory_space<hbm>>
      %dma_start3A_1232 = arith.constant 64 : i32
      %dma_start3A_1233 = arith.constant 0 : i32
      %dma_start3A_1234 = tpu.memref_slice %arg7[%dma_start3A_1232, %dma_start3A_1233] : memref<640x128xf32, #tpu.memory_space<vmem>> -> memref<64x128xf32, #tpu.memory_space<vmem>>
      tpu.enqueue_dma source(%dma_start3A_1234 : memref<64x128xf32, #tpu.memory_space<vmem>>) target(%dma_start3A_1231 : memref<64x128xf32, #tpu.memory_space<hbm>>) target_semaphore(%arg20 : memref<!tpu.dma_semaphore, #tpu.memory_space<semaphore_mem>>)
      %sub3A_1235 = arith.constant 5 : i32
      %sub3A_1236 = arith.subi %add3A_1213, %sub3A_1235 : i32
      %mul3A_1237 = arith.constant 64 : i32
      %mul3A_1238 = arith.muli %sub3A_1236, %mul3A_1237 : i32
      %add3A_1239 = arith.addi %mul3A_2, %mul3A_1238 : i32
      %dma_wait3A_1240 = arith.constant 384 : i32
      %dma_wait3A_1241 = arith.constant 0 : i32
      %dma_wait3A_1242 = tpu.memref_slice %arg7[%dma_wait3A_1240, %dma_wait3A_1241] : memref<640x128xf32, #tpu.memory_space<vmem>> -> memref<64x128xf32, #tpu.memory_space<vmem>>
      %dma_wait3A_1243 = arith.constant 0 : i32
      %dma_wait3A_1244 = tpu.memref_slice %arg4[%add3A_1239, %dma_wait3A_1243] : memref<819200x128xf32, #tpu.memory_space<hbm>> -> memref<64x128xf32, #tpu.memory_space<hbm>>
      %dma_wait3A_1245 = arith.constant 0 : i32
      %dma_wait3A_1246 = tpu.memref_slice %arg4[%add3A_1239, %dma_wait3A_1245] : memref<819200x128xf32, #tpu.memory_space<hbm>> -> memref<64x128xf32, #tpu.memory_space<hbm>>
      %dma_wait3A_1247 = arith.constant 384 : i32
      %dma_wait3A_1248 = arith.constant 0 : i32
      %dma_wait3A_1249 = tpu.memref_slice %arg7[%dma_wait3A_1247, %dma_wait3A_1248] : memref<640x128xf32, #tpu.memory_space<vmem>> -> memref<64x128xf32, #tpu.memory_space<vmem>>
      tpu.wait_dma2 semaphore(%arg25 : memref<!tpu.dma_semaphore, #tpu.memory_space<semaphore_mem>>) src(%dma_wait3A_1249 : memref<64x128xf32, #tpu.memory_space<vmem>>) dst(%dma_wait3A_1246 : memref<64x128xf32, #tpu.memory_space<hbm>>)
      %add3A_1250 = arith.constant 5 : i32
      %add3A_1251 = arith.addi %add3A_1213, %add3A_1250 : i32
      %mul3A_1252 = arith.constant 64 : i32
      %mul3A_1253 = arith.muli %add3A_1251, %mul3A_1252 : i32
      %add3A_1254 = arith.addi %mul3A_2, %mul3A_1253 : i32
      %dma_wait3A_1255 = arith.constant 384 : i32
      %dma_wait3A_1256 = tpu.memref_slice %arg6[%dma_wait3A_1255] : memref<640xi32, #tpu.memory_space<vmem>> -> memref<64xi32, #tpu.memory_space<vmem>>
      %dma_wait3A_1257 = tpu.memref_slice %arg3[%add3A_1254] : memref<819200xi32, #tpu.memory_space<hbm>> -> memref<64xi32, #tpu.memory_space<hbm>>
      %dma_wait3A_1258 = arith.constant 384 : i32
      %dma_wait3A_1259 = tpu.memref_slice %arg6[%dma_wait3A_1258] : memref<640xi32, #tpu.memory_space<vmem>> -> memref<64xi32, #tpu.memory_space<vmem>>
      %dma_wait3A_1260 = tpu.memref_slice %arg3[%add3A_1254] : memref<819200xi32, #tpu.memory_space<hbm>> -> memref<64xi32, #tpu.memory_space<hbm>>
      tpu.wait_dma2 semaphore(%arg8 : memref<!tpu.dma_semaphore, #tpu.memory_space<semaphore_mem>>) src(%dma_wait3A_1260 : memref<64xi32, #tpu.memory_space<hbm>>) dst(%dma_wait3A_1259 : memref<64xi32, #tpu.memory_space<vmem>>)
      %add3A_1261 = arith.constant 5 : i32
      %add3A_1262 = arith.addi %add3A_1213, %add3A_1261 : i32
      %dma_start3A_1263 = arith.constant 384 : i32
      %dma_start3A_1264 = arith.constant 0 : i32
      %dma_start3A_1265 = tpu.memref_slice %arg7[%dma_start3A_1263, %dma_start3A_1264] : memref<640x128xf32, #tpu.memory_space<vmem>> -> memref<64x128xf32, #tpu.memory_space<vmem>>
      %dma_start3A_1266 = arith.constant 384 : i32
      %dma_start3A_1267 = tpu.memref_slice %arg6[%dma_start3A_1266] : memref<640xi32, #tpu.memory_space<vmem>> -> memref<64xi32, #tpu.memory_space<vmem>>
      %dma_start3A_1268 = arith.constant 0 : i32
      %dma_start3A_1269 = arith.constant 0 : i32
      %dma_start3A_1270 = tpu.memref_slice %arg5[%dma_start3A_1268, %dma_start3A_1269] : memref<4097x128xf32, #tpu.memory_space<vmem_shared>> -> memref<4097x128xf32, #tpu.memory_space<vmem_shared>>
      tpu.enqueue_indirect_dma source(%dma_start3A_1270 : memref<4097x128xf32, #tpu.memory_space<vmem_shared>>) target(%dma_start3A_1265 : memref<64x128xf32, #tpu.memory_space<vmem>>) offsets(%dma_start3A_1267 : memref<64xi32, #tpu.memory_space<vmem>>) semaphore(%arg15 : memref<!tpu.dma_semaphore, #tpu.memory_space<semaphore_mem>>)
      %add3A_1271 = arith.constant 10 : i32
      %add3A_1272 = arith.addi %add3A_1213, %add3A_1271 : i32
      %mul3A_1273 = arith.constant 64 : i32
      %mul3A_1274 = arith.muli %add3A_1272, %mul3A_1273 : i32
      %add3A_1275 = arith.addi %mul3A_2, %mul3A_1274 : i32
      %dma_start3A_1276 = arith.constant 64 : i32
      %dma_start3A_1277 = tpu.memref_slice %arg6[%dma_start3A_1276] : memref<640xi32, #tpu.memory_space<vmem>> -> memref<64xi32, #tpu.memory_space<vmem>>
      %dma_start3A_1278 = tpu.memref_slice %arg3[%add3A_1275] : memref<819200xi32, #tpu.memory_space<hbm>> -> memref<64xi32, #tpu.memory_space<hbm>>
      %dma_start3A_1279 = arith.constant 64 : i32
      %dma_start3A_1280 = tpu.memref_slice %arg6[%dma_start3A_1279] : memref<640xi32, #tpu.memory_space<vmem>> -> memref<64xi32, #tpu.memory_space<vmem>>
      %dma_start3A_1281 = tpu.memref_slice %arg3[%add3A_1275] : memref<819200xi32, #tpu.memory_space<hbm>> -> memref<64xi32, #tpu.memory_space<hbm>>
      tpu.enqueue_dma source(%dma_start3A_1281 : memref<64xi32, #tpu.memory_space<hbm>>) target(%dma_start3A_1280 : memref<64xi32, #tpu.memory_space<vmem>>) target_semaphore(%arg8 : memref<!tpu.dma_semaphore, #tpu.memory_space<semaphore_mem>>)
      %add3A_1282 = arith.constant 2 : i32
      %add3A_1283 = arith.addi %mul3A_1142, %add3A_1282 : i32
      %dma_wait3A_1284 = arith.constant 128 : i32
      %dma_wait3A_1285 = arith.constant 0 : i32
      %dma_wait3A_1286 = tpu.memref_slice %arg7[%dma_wait3A_1284, %dma_wait3A_1285] : memref<640x128xf32, #tpu.memory_space<vmem>> -> memref<64x128xf32, #tpu.memory_space<vmem>>
      %dma_wait3A_1287 = arith.constant 128 : i32
      %dma_wait3A_1288 = tpu.memref_slice %arg6[%dma_wait3A_1287] : memref<640xi32, #tpu.memory_space<vmem>> -> memref<64xi32, #tpu.memory_space<vmem>>
      %dma_wait3A_1289 = arith.constant 0 : i32
      %dma_wait3A_1290 = arith.constant 0 : i32
      %dma_wait3A_1291 = tpu.memref_slice %arg5[%dma_wait3A_1289, %dma_wait3A_1290] : memref<4097x128xf32, #tpu.memory_space<vmem_shared>> -> memref<4097x128xf32, #tpu.memory_space<vmem_shared>>
      tpu.wait_indirect_dma semaphore(%arg11 : memref<!tpu.dma_semaphore, #tpu.memory_space<semaphore_mem>>) src(%dma_wait3A_1291 : memref<4097x128xf32, #tpu.memory_space<vmem_shared>>) dst(%dma_wait3A_1286 : memref<64x128xf32, #tpu.memory_space<vmem>>)
      %mul3A_1292 = arith.constant 64 : i32
      %mul3A_1293 = arith.muli %add3A_1283, %mul3A_1292 : i32
      %add3A_1294 = arith.addi %mul3A_2, %mul3A_1293 : i32
      %dma_start3A_1295 = arith.constant 128 : i32
      %dma_start3A_1296 = arith.constant 0 : i32
      %dma_start3A_1297 = tpu.memref_slice %arg7[%dma_start3A_1295, %dma_start3A_1296] : memref<640x128xf32, #tpu.memory_space<vmem>> -> memref<64x128xf32, #tpu.memory_space<vmem>>
      %dma_start3A_1298 = arith.constant 0 : i32
      %dma_start3A_1299 = tpu.memref_slice %arg4[%add3A_1294, %dma_start3A_1298] : memref<819200x128xf32, #tpu.memory_space<hbm>> -> memref<64x128xf32, #tpu.memory_space<hbm>>
      %dma_start3A_1300 = arith.constant 0 : i32
      %dma_start3A_1301 = tpu.memref_slice %arg4[%add3A_1294, %dma_start3A_1300] : memref<819200x128xf32, #tpu.memory_space<hbm>> -> memref<64x128xf32, #tpu.memory_space<hbm>>
      %dma_start3A_1302 = arith.constant 128 : i32
      %dma_start3A_1303 = arith.constant 0 : i32
      %dma_start3A_1304 = tpu.memref_slice %arg7[%dma_start3A_1302, %dma_start3A_1303] : memref<640x128xf32, #tpu.memory_space<vmem>> -> memref<64x128xf32, #tpu.memory_space<vmem>>
      tpu.enqueue_dma source(%dma_start3A_1304 : memref<64x128xf32, #tpu.memory_space<vmem>>) target(%dma_start3A_1301 : memref<64x128xf32, #tpu.memory_space<hbm>>) target_semaphore(%arg21 : memref<!tpu.dma_semaphore, #tpu.memory_space<semaphore_mem>>)
      %sub3A_1305 = arith.constant 5 : i32
      %sub3A_1306 = arith.subi %add3A_1283, %sub3A_1305 : i32
      %mul3A_1307 = arith.constant 64 : i32
      %mul3A_1308 = arith.muli %sub3A_1306, %mul3A_1307 : i32
      %add3A_1309 = arith.addi %mul3A_2, %mul3A_1308 : i32
      %dma_wait3A_1310 = arith.constant 448 : i32
      %dma_wait3A_1311 = arith.constant 0 : i32
      %dma_wait3A_1312 = tpu.memref_slice %arg7[%dma_wait3A_1310, %dma_wait3A_1311] : memref<640x128xf32, #tpu.memory_space<vmem>> -> memref<64x128xf32, #tpu.memory_space<vmem>>
      %dma_wait3A_1313 = arith.constant 0 : i32
      %dma_wait3A_1314 = tpu.memref_slice %arg4[%add3A_1309, %dma_wait3A_1313] : memref<819200x128xf32, #tpu.memory_space<hbm>> -> memref<64x128xf32, #tpu.memory_space<hbm>>
      %dma_wait3A_1315 = arith.constant 0 : i32
      %dma_wait3A_1316 = tpu.memref_slice %arg4[%add3A_1309, %dma_wait3A_1315] : memref<819200x128xf32, #tpu.memory_space<hbm>> -> memref<64x128xf32, #tpu.memory_space<hbm>>
      %dma_wait3A_1317 = arith.constant 448 : i32
      %dma_wait3A_1318 = arith.constant 0 : i32
      %dma_wait3A_1319 = tpu.memref_slice %arg7[%dma_wait3A_1317, %dma_wait3A_1318] : memref<640x128xf32, #tpu.memory_space<vmem>> -> memref<64x128xf32, #tpu.memory_space<vmem>>
      tpu.wait_dma2 semaphore(%arg26 : memref<!tpu.dma_semaphore, #tpu.memory_space<semaphore_mem>>) src(%dma_wait3A_1319 : memref<64x128xf32, #tpu.memory_space<vmem>>) dst(%dma_wait3A_1316 : memref<64x128xf32, #tpu.memory_space<hbm>>)
      %add3A_1320 = arith.constant 5 : i32
      %add3A_1321 = arith.addi %add3A_1283, %add3A_1320 : i32
      %mul3A_1322 = arith.constant 64 : i32
      %mul3A_1323 = arith.muli %add3A_1321, %mul3A_1322 : i32
      %add3A_1324 = arith.addi %mul3A_2, %mul3A_1323 : i32
      %dma_wait3A_1325 = arith.constant 448 : i32
      %dma_wait3A_1326 = tpu.memref_slice %arg6[%dma_wait3A_1325] : memref<640xi32, #tpu.memory_space<vmem>> -> memref<64xi32, #tpu.memory_space<vmem>>
      %dma_wait3A_1327 = tpu.memref_slice %arg3[%add3A_1324] : memref<819200xi32, #tpu.memory_space<hbm>> -> memref<64xi32, #tpu.memory_space<hbm>>
      %dma_wait3A_1328 = arith.constant 448 : i32
      %dma_wait3A_1329 = tpu.memref_slice %arg6[%dma_wait3A_1328] : memref<640xi32, #tpu.memory_space<vmem>> -> memref<64xi32, #tpu.memory_space<vmem>>
      %dma_wait3A_1330 = tpu.memref_slice %arg3[%add3A_1324] : memref<819200xi32, #tpu.memory_space<hbm>> -> memref<64xi32, #tpu.memory_space<hbm>>
      tpu.wait_dma2 semaphore(%arg8 : memref<!tpu.dma_semaphore, #tpu.memory_space<semaphore_mem>>) src(%dma_wait3A_1330 : memref<64xi32, #tpu.memory_space<hbm>>) dst(%dma_wait3A_1329 : memref<64xi32, #tpu.memory_space<vmem>>)
      %add3A_1331 = arith.constant 5 : i32
      %add3A_1332 = arith.addi %add3A_1283, %add3A_1331 : i32
      %dma_start3A_1333 = arith.constant 448 : i32
      %dma_start3A_1334 = arith.constant 0 : i32
      %dma_start3A_1335 = tpu.memref_slice %arg7[%dma_start3A_1333, %dma_start3A_1334] : memref<640x128xf32, #tpu.memory_space<vmem>> -> memref<64x128xf32, #tpu.memory_space<vmem>>
      %dma_start3A_1336 = arith.constant 448 : i32
      %dma_start3A_1337 = tpu.memref_slice %arg6[%dma_start3A_1336] : memref<640xi32, #tpu.memory_space<vmem>> -> memref<64xi32, #tpu.memory_space<vmem>>
      %dma_start3A_1338 = arith.constant 0 : i32
      %dma_start3A_1339 = arith.constant 0 : i32
      %dma_start3A_1340 = tpu.memref_slice %arg5[%dma_start3A_1338, %dma_start3A_1339] : memref<4097x128xf32, #tpu.memory_space<vmem_shared>> -> memref<4097x128xf32, #tpu.memory_space<vmem_shared>>
      tpu.enqueue_indirect_dma source(%dma_start3A_1340 : memref<4097x128xf32, #tpu.memory_space<vmem_shared>>) target(%dma_start3A_1335 : memref<64x128xf32, #tpu.memory_space<vmem>>) offsets(%dma_start3A_1337 : memref<64xi32, #tpu.memory_space<vmem>>) semaphore(%arg16 : memref<!tpu.dma_semaphore, #tpu.memory_space<semaphore_mem>>)
      %add3A_1341 = arith.constant 10 : i32
      %add3A_1342 = arith.addi %add3A_1283, %add3A_1341 : i32
      %mul3A_1343 = arith.constant 64 : i32
      %mul3A_1344 = arith.muli %add3A_1342, %mul3A_1343 : i32
      %add3A_1345 = arith.addi %mul3A_2, %mul3A_1344 : i32
      %dma_start3A_1346 = arith.constant 128 : i32
      %dma_start3A_1347 = tpu.memref_slice %arg6[%dma_start3A_1346] : memref<640xi32, #tpu.memory_space<vmem>> -> memref<64xi32, #tpu.memory_space<vmem>>
      %dma_start3A_1348 = tpu.memref_slice %arg3[%add3A_1345] : memref<819200xi32, #tpu.memory_space<hbm>> -> memref<64xi32, #tpu.memory_space<hbm>>
      %dma_start3A_1349 = arith.constant 128 : i32
      %dma_start3A_1350 = tpu.memref_slice %arg6[%dma_start3A_1349] : memref<640xi32, #tpu.memory_space<vmem>> -> memref<64xi32, #tpu.memory_space<vmem>>
      %dma_start3A_1351 = tpu.memref_slice %arg3[%add3A_1345] : memref<819200xi32, #tpu.memory_space<hbm>> -> memref<64xi32, #tpu.memory_space<hbm>>
      tpu.enqueue_dma source(%dma_start3A_1351 : memref<64xi32, #tpu.memory_space<hbm>>) target(%dma_start3A_1350 : memref<64xi32, #tpu.memory_space<vmem>>) target_semaphore(%arg8 : memref<!tpu.dma_semaphore, #tpu.memory_space<semaphore_mem>>)
      %add3A_1352 = arith.constant 3 : i32
      %add3A_1353 = arith.addi %mul3A_1142, %add3A_1352 : i32
      %dma_wait3A_1354 = arith.constant 192 : i32
      %dma_wait3A_1355 = arith.constant 0 : i32
      %dma_wait3A_1356 = tpu.memref_slice %arg7[%dma_wait3A_1354, %dma_wait3A_1355] : memref<640x128xf32, #tpu.memory_space<vmem>> -> memref<64x128xf32, #tpu.memory_space<vmem>>
      %dma_wait3A_1357 = arith.constant 192 : i32
      %dma_wait3A_1358 = tpu.memref_slice %arg6[%dma_wait3A_1357] : memref<640xi32, #tpu.memory_space<vmem>> -> memref<64xi32, #tpu.memory_space<vmem>>
      %dma_wait3A_1359 = arith.constant 0 : i32
      %dma_wait3A_1360 = arith.constant 0 : i32
      %dma_wait3A_1361 = tpu.memref_slice %arg5[%dma_wait3A_1359, %dma_wait3A_1360] : memref<4097x128xf32, #tpu.memory_space<vmem_shared>> -> memref<4097x128xf32, #tpu.memory_space<vmem_shared>>
      tpu.wait_indirect_dma semaphore(%arg12 : memref<!tpu.dma_semaphore, #tpu.memory_space<semaphore_mem>>) src(%dma_wait3A_1361 : memref<4097x128xf32, #tpu.memory_space<vmem_shared>>) dst(%dma_wait3A_1356 : memref<64x128xf32, #tpu.memory_space<vmem>>)
      %mul3A_1362 = arith.constant 64 : i32
      %mul3A_1363 = arith.muli %add3A_1353, %mul3A_1362 : i32
      %add3A_1364 = arith.addi %mul3A_2, %mul3A_1363 : i32
      %dma_start3A_1365 = arith.constant 192 : i32
      %dma_start3A_1366 = arith.constant 0 : i32
      %dma_start3A_1367 = tpu.memref_slice %arg7[%dma_start3A_1365, %dma_start3A_1366] : memref<640x128xf32, #tpu.memory_space<vmem>> -> memref<64x128xf32, #tpu.memory_space<vmem>>
      %dma_start3A_1368 = arith.constant 0 : i32
      %dma_start3A_1369 = tpu.memref_slice %arg4[%add3A_1364, %dma_start3A_1368] : memref<819200x128xf32, #tpu.memory_space<hbm>> -> memref<64x128xf32, #tpu.memory_space<hbm>>
      %dma_start3A_1370 = arith.constant 0 : i32
      %dma_start3A_1371 = tpu.memref_slice %arg4[%add3A_1364, %dma_start3A_1370] : memref<819200x128xf32, #tpu.memory_space<hbm>> -> memref<64x128xf32, #tpu.memory_space<hbm>>
      %dma_start3A_1372 = arith.constant 192 : i32
      %dma_start3A_1373 = arith.constant 0 : i32
      %dma_start3A_1374 = tpu.memref_slice %arg7[%dma_start3A_1372, %dma_start3A_1373] : memref<640x128xf32, #tpu.memory_space<vmem>> -> memref<64x128xf32, #tpu.memory_space<vmem>>
      tpu.enqueue_dma source(%dma_start3A_1374 : memref<64x128xf32, #tpu.memory_space<vmem>>) target(%dma_start3A_1371 : memref<64x128xf32, #tpu.memory_space<hbm>>) target_semaphore(%arg22 : memref<!tpu.dma_semaphore, #tpu.memory_space<semaphore_mem>>)
      %sub3A_1375 = arith.constant 5 : i32
      %sub3A_1376 = arith.subi %add3A_1353, %sub3A_1375 : i32
      %mul3A_1377 = arith.constant 64 : i32
      %mul3A_1378 = arith.muli %sub3A_1376, %mul3A_1377 : i32
      %add3A_1379 = arith.addi %mul3A_2, %mul3A_1378 : i32
      %dma_wait3A_1380 = arith.constant 512 : i32
      %dma_wait3A_1381 = arith.constant 0 : i32
      %dma_wait3A_1382 = tpu.memref_slice %arg7[%dma_wait3A_1380, %dma_wait3A_1381] : memref<640x128xf32, #tpu.memory_space<vmem>> -> memref<64x128xf32, #tpu.memory_space<vmem>>
      %dma_wait3A_1383 = arith.constant 0 : i32
      %dma_wait3A_1384 = tpu.memref_slice %arg4[%add3A_1379, %dma_wait3A_1383] : memref<819200x128xf32, #tpu.memory_space<hbm>> -> memref<64x128xf32, #tpu.memory_space<hbm>>
      %dma_wait3A_1385 = arith.constant 0 : i32
      %dma_wait3A_1386 = tpu.memref_slice %arg4[%add3A_1379, %dma_wait3A_1385] : memref<819200x128xf32, #tpu.memory_space<hbm>> -> memref<64x128xf32, #tpu.memory_space<hbm>>
      %dma_wait3A_1387 = arith.constant 512 : i32
      %dma_wait3A_1388 = arith.constant 0 : i32
      %dma_wait3A_1389 = tpu.memref_slice %arg7[%dma_wait3A_1387, %dma_wait3A_1388] : memref<640x128xf32, #tpu.memory_space<vmem>> -> memref<64x128xf32, #tpu.memory_space<vmem>>
      tpu.wait_dma2 semaphore(%arg27 : memref<!tpu.dma_semaphore, #tpu.memory_space<semaphore_mem>>) src(%dma_wait3A_1389 : memref<64x128xf32, #tpu.memory_space<vmem>>) dst(%dma_wait3A_1386 : memref<64x128xf32, #tpu.memory_space<hbm>>)
      %add3A_1390 = arith.constant 5 : i32
      %add3A_1391 = arith.addi %add3A_1353, %add3A_1390 : i32
      %mul3A_1392 = arith.constant 64 : i32
      %mul3A_1393 = arith.muli %add3A_1391, %mul3A_1392 : i32
      %add3A_1394 = arith.addi %mul3A_2, %mul3A_1393 : i32
      %dma_wait3A_1395 = arith.constant 512 : i32
      %dma_wait3A_1396 = tpu.memref_slice %arg6[%dma_wait3A_1395] : memref<640xi32, #tpu.memory_space<vmem>> -> memref<64xi32, #tpu.memory_space<vmem>>
      %dma_wait3A_1397 = tpu.memref_slice %arg3[%add3A_1394] : memref<819200xi32, #tpu.memory_space<hbm>> -> memref<64xi32, #tpu.memory_space<hbm>>
      %dma_wait3A_1398 = arith.constant 512 : i32
      %dma_wait3A_1399 = tpu.memref_slice %arg6[%dma_wait3A_1398] : memref<640xi32, #tpu.memory_space<vmem>> -> memref<64xi32, #tpu.memory_space<vmem>>
      %dma_wait3A_1400 = tpu.memref_slice %arg3[%add3A_1394] : memref<819200xi32, #tpu.memory_space<hbm>> -> memref<64xi32, #tpu.memory_space<hbm>>
      tpu.wait_dma2 semaphore(%arg8 : memref<!tpu.dma_semaphore, #tpu.memory_space<semaphore_mem>>) src(%dma_wait3A_1400 : memref<64xi32, #tpu.memory_space<hbm>>) dst(%dma_wait3A_1399 : memref<64xi32, #tpu.memory_space<vmem>>)
      %add3A_1401 = arith.constant 5 : i32
      %add3A_1402 = arith.addi %add3A_1353, %add3A_1401 : i32
      %dma_start3A_1403 = arith.constant 512 : i32
      %dma_start3A_1404 = arith.constant 0 : i32
      %dma_start3A_1405 = tpu.memref_slice %arg7[%dma_start3A_1403, %dma_start3A_1404] : memref<640x128xf32, #tpu.memory_space<vmem>> -> memref<64x128xf32, #tpu.memory_space<vmem>>
      %dma_start3A_1406 = arith.constant 512 : i32
      %dma_start3A_1407 = tpu.memref_slice %arg6[%dma_start3A_1406] : memref<640xi32, #tpu.memory_space<vmem>> -> memref<64xi32, #tpu.memory_space<vmem>>
      %dma_start3A_1408 = arith.constant 0 : i32
      %dma_start3A_1409 = arith.constant 0 : i32
      %dma_start3A_1410 = tpu.memref_slice %arg5[%dma_start3A_1408, %dma_start3A_1409] : memref<4097x128xf32, #tpu.memory_space<vmem_shared>> -> memref<4097x128xf32, #tpu.memory_space<vmem_shared>>
      tpu.enqueue_indirect_dma source(%dma_start3A_1410 : memref<4097x128xf32, #tpu.memory_space<vmem_shared>>) target(%dma_start3A_1405 : memref<64x128xf32, #tpu.memory_space<vmem>>) offsets(%dma_start3A_1407 : memref<64xi32, #tpu.memory_space<vmem>>) semaphore(%arg17 : memref<!tpu.dma_semaphore, #tpu.memory_space<semaphore_mem>>)
      %add3A_1411 = arith.constant 10 : i32
      %add3A_1412 = arith.addi %add3A_1353, %add3A_1411 : i32
      %mul3A_1413 = arith.constant 64 : i32
      %mul3A_1414 = arith.muli %add3A_1412, %mul3A_1413 : i32
      %add3A_1415 = arith.addi %mul3A_2, %mul3A_1414 : i32
      %dma_start3A_1416 = arith.constant 192 : i32
      %dma_start3A_1417 = tpu.memref_slice %arg6[%dma_start3A_1416] : memref<640xi32, #tpu.memory_space<vmem>> -> memref<64xi32, #tpu.memory_space<vmem>>
      %dma_start3A_1418 = tpu.memref_slice %arg3[%add3A_1415] : memref<819200xi32, #tpu.memory_space<hbm>> -> memref<64xi32, #tpu.memory_space<hbm>>
      %dma_start3A_1419 = arith.constant 192 : i32
      %dma_start3A_1420 = tpu.memref_slice %arg6[%dma_start3A_1419] : memref<640xi32, #tpu.memory_space<vmem>> -> memref<64xi32, #tpu.memory_space<vmem>>
      %dma_start3A_1421 = tpu.memref_slice %arg3[%add3A_1415] : memref<819200xi32, #tpu.memory_space<hbm>> -> memref<64xi32, #tpu.memory_space<hbm>>
      tpu.enqueue_dma source(%dma_start3A_1421 : memref<64xi32, #tpu.memory_space<hbm>>) target(%dma_start3A_1420 : memref<64xi32, #tpu.memory_space<vmem>>) target_semaphore(%arg8 : memref<!tpu.dma_semaphore, #tpu.memory_space<semaphore_mem>>)
      %add3A_1422 = arith.constant 4 : i32
      %add3A_1423 = arith.addi %mul3A_1142, %add3A_1422 : i32
      %dma_wait3A_1424 = arith.constant 256 : i32
      %dma_wait3A_1425 = arith.constant 0 : i32
      %dma_wait3A_1426 = tpu.memref_slice %arg7[%dma_wait3A_1424, %dma_wait3A_1425] : memref<640x128xf32, #tpu.memory_space<vmem>> -> memref<64x128xf32, #tpu.memory_space<vmem>>
      %dma_wait3A_1427 = arith.constant 256 : i32
      %dma_wait3A_1428 = tpu.memref_slice %arg6[%dma_wait3A_1427] : memref<640xi32, #tpu.memory_space<vmem>> -> memref<64xi32, #tpu.memory_space<vmem>>
      %dma_wait3A_1429 = arith.constant 0 : i32
      %dma_wait3A_1430 = arith.constant 0 : i32
      %dma_wait3A_1431 = tpu.memref_slice %arg5[%dma_wait3A_1429, %dma_wait3A_1430] : memref<4097x128xf32, #tpu.memory_space<vmem_shared>> -> memref<4097x128xf32, #tpu.memory_space<vmem_shared>>
      tpu.wait_indirect_dma semaphore(%arg13 : memref<!tpu.dma_semaphore, #tpu.memory_space<semaphore_mem>>) src(%dma_wait3A_1431 : memref<4097x128xf32, #tpu.memory_space<vmem_shared>>) dst(%dma_wait3A_1426 : memref<64x128xf32, #tpu.memory_space<vmem>>)
      %mul3A_1432 = arith.constant 64 : i32
      %mul3A_1433 = arith.muli %add3A_1423, %mul3A_1432 : i32
      %add3A_1434 = arith.addi %mul3A_2, %mul3A_1433 : i32
      %dma_start3A_1435 = arith.constant 256 : i32
      %dma_start3A_1436 = arith.constant 0 : i32
      %dma_start3A_1437 = tpu.memref_slice %arg7[%dma_start3A_1435, %dma_start3A_1436] : memref<640x128xf32, #tpu.memory_space<vmem>> -> memref<64x128xf32, #tpu.memory_space<vmem>>
      %dma_start3A_1438 = arith.constant 0 : i32
      %dma_start3A_1439 = tpu.memref_slice %arg4[%add3A_1434, %dma_start3A_1438] : memref<819200x128xf32, #tpu.memory_space<hbm>> -> memref<64x128xf32, #tpu.memory_space<hbm>>
      %dma_start3A_1440 = arith.constant 0 : i32
      %dma_start3A_1441 = tpu.memref_slice %arg4[%add3A_1434, %dma_start3A_1440] : memref<819200x128xf32, #tpu.memory_space<hbm>> -> memref<64x128xf32, #tpu.memory_space<hbm>>
      %dma_start3A_1442 = arith.constant 256 : i32
      %dma_start3A_1443 = arith.constant 0 : i32
      %dma_start3A_1444 = tpu.memref_slice %arg7[%dma_start3A_1442, %dma_start3A_1443] : memref<640x128xf32, #tpu.memory_space<vmem>> -> memref<64x128xf32, #tpu.memory_space<vmem>>
      tpu.enqueue_dma source(%dma_start3A_1444 : memref<64x128xf32, #tpu.memory_space<vmem>>) target(%dma_start3A_1441 : memref<64x128xf32, #tpu.memory_space<hbm>>) target_semaphore(%arg23 : memref<!tpu.dma_semaphore, #tpu.memory_space<semaphore_mem>>)
      %sub3A_1445 = arith.constant 5 : i32
      %sub3A_1446 = arith.subi %add3A_1423, %sub3A_1445 : i32
      %mul3A_1447 = arith.constant 64 : i32
      %mul3A_1448 = arith.muli %sub3A_1446, %mul3A_1447 : i32
      %add3A_1449 = arith.addi %mul3A_2, %mul3A_1448 : i32
      %dma_wait3A_1450 = arith.constant 576 : i32
      %dma_wait3A_1451 = arith.constant 0 : i32
      %dma_wait3A_1452 = tpu.memref_slice %arg7[%dma_wait3A_1450, %dma_wait3A_1451] : memref<640x128xf32, #tpu.memory_space<vmem>> -> memref<64x128xf32, #tpu.memory_space<vmem>>
      %dma_wait3A_1453 = arith.constant 0 : i32
      %dma_wait3A_1454 = tpu.memref_slice %arg4[%add3A_1449, %dma_wait3A_1453] : memref<819200x128xf32, #tpu.memory_space<hbm>> -> memref<64x128xf32, #tpu.memory_space<hbm>>
      %dma_wait3A_1455 = arith.constant 0 : i32
      %dma_wait3A_1456 = tpu.memref_slice %arg4[%add3A_1449, %dma_wait3A_1455] : memref<819200x128xf32, #tpu.memory_space<hbm>> -> memref<64x128xf32, #tpu.memory_space<hbm>>
      %dma_wait3A_1457 = arith.constant 576 : i32
      %dma_wait3A_1458 = arith.constant 0 : i32
      %dma_wait3A_1459 = tpu.memref_slice %arg7[%dma_wait3A_1457, %dma_wait3A_1458] : memref<640x128xf32, #tpu.memory_space<vmem>> -> memref<64x128xf32, #tpu.memory_space<vmem>>
      tpu.wait_dma2 semaphore(%arg28 : memref<!tpu.dma_semaphore, #tpu.memory_space<semaphore_mem>>) src(%dma_wait3A_1459 : memref<64x128xf32, #tpu.memory_space<vmem>>) dst(%dma_wait3A_1456 : memref<64x128xf32, #tpu.memory_space<hbm>>)
      %add3A_1460 = arith.constant 5 : i32
      %add3A_1461 = arith.addi %add3A_1423, %add3A_1460 : i32
      %mul3A_1462 = arith.constant 64 : i32
      %mul3A_1463 = arith.muli %add3A_1461, %mul3A_1462 : i32
      %add3A_1464 = arith.addi %mul3A_2, %mul3A_1463 : i32
      %dma_wait3A_1465 = arith.constant 576 : i32
      %dma_wait3A_1466 = tpu.memref_slice %arg6[%dma_wait3A_1465] : memref<640xi32, #tpu.memory_space<vmem>> -> memref<64xi32, #tpu.memory_space<vmem>>
      %dma_wait3A_1467 = tpu.memref_slice %arg3[%add3A_1464] : memref<819200xi32, #tpu.memory_space<hbm>> -> memref<64xi32, #tpu.memory_space<hbm>>
      %dma_wait3A_1468 = arith.constant 576 : i32
      %dma_wait3A_1469 = tpu.memref_slice %arg6[%dma_wait3A_1468] : memref<640xi32, #tpu.memory_space<vmem>> -> memref<64xi32, #tpu.memory_space<vmem>>
      %dma_wait3A_1470 = tpu.memref_slice %arg3[%add3A_1464] : memref<819200xi32, #tpu.memory_space<hbm>> -> memref<64xi32, #tpu.memory_space<hbm>>
      tpu.wait_dma2 semaphore(%arg8 : memref<!tpu.dma_semaphore, #tpu.memory_space<semaphore_mem>>) src(%dma_wait3A_1470 : memref<64xi32, #tpu.memory_space<hbm>>) dst(%dma_wait3A_1469 : memref<64xi32, #tpu.memory_space<vmem>>)
      %add3A_1471 = arith.constant 5 : i32
      %add3A_1472 = arith.addi %add3A_1423, %add3A_1471 : i32
      %dma_start3A_1473 = arith.constant 576 : i32
      %dma_start3A_1474 = arith.constant 0 : i32
      %dma_start3A_1475 = tpu.memref_slice %arg7[%dma_start3A_1473, %dma_start3A_1474] : memref<640x128xf32, #tpu.memory_space<vmem>> -> memref<64x128xf32, #tpu.memory_space<vmem>>
      %dma_start3A_1476 = arith.constant 576 : i32
      %dma_start3A_1477 = tpu.memref_slice %arg6[%dma_start3A_1476] : memref<640xi32, #tpu.memory_space<vmem>> -> memref<64xi32, #tpu.memory_space<vmem>>
      %dma_start3A_1478 = arith.constant 0 : i32
      %dma_start3A_1479 = arith.constant 0 : i32
      %dma_start3A_1480 = tpu.memref_slice %arg5[%dma_start3A_1478, %dma_start3A_1479] : memref<4097x128xf32, #tpu.memory_space<vmem_shared>> -> memref<4097x128xf32, #tpu.memory_space<vmem_shared>>
      tpu.enqueue_indirect_dma source(%dma_start3A_1480 : memref<4097x128xf32, #tpu.memory_space<vmem_shared>>) target(%dma_start3A_1475 : memref<64x128xf32, #tpu.memory_space<vmem>>) offsets(%dma_start3A_1477 : memref<64xi32, #tpu.memory_space<vmem>>) semaphore(%arg18 : memref<!tpu.dma_semaphore, #tpu.memory_space<semaphore_mem>>)
      %add3A_1481 = arith.constant 10 : i32
      %add3A_1482 = arith.addi %add3A_1423, %add3A_1481 : i32
      %mul3A_1483 = arith.constant 64 : i32
      %mul3A_1484 = arith.muli %add3A_1482, %mul3A_1483 : i32
      %add3A_1485 = arith.addi %mul3A_2, %mul3A_1484 : i32
      %dma_start3A_1486 = arith.constant 256 : i32
      %dma_start3A_1487 = tpu.memref_slice %arg6[%dma_start3A_1486] : memref<640xi32, #tpu.memory_space<vmem>> -> memref<64xi32, #tpu.memory_space<vmem>>
      %dma_start3A_1488 = tpu.memref_slice %arg3[%add3A_1485] : memref<819200xi32, #tpu.memory_space<hbm>> -> memref<64xi32, #tpu.memory_space<hbm>>
      %dma_start3A_1489 = arith.constant 256 : i32
      %dma_start3A_1490 = tpu.memref_slice %arg6[%dma_start3A_1489] : memref<640xi32, #tpu.memory_space<vmem>> -> memref<64xi32, #tpu.memory_space<vmem>>
      %dma_start3A_1491 = tpu.memref_slice %arg3[%add3A_1485] : memref<819200xi32, #tpu.memory_space<hbm>> -> memref<64xi32, #tpu.memory_space<hbm>>
      tpu.enqueue_dma source(%dma_start3A_1491 : memref<64xi32, #tpu.memory_space<hbm>>) target(%dma_start3A_1490 : memref<64xi32, #tpu.memory_space<vmem>>) target_semaphore(%arg8 : memref<!tpu.dma_semaphore, #tpu.memory_space<semaphore_mem>>)
      %add3A_1492 = arith.constant 5 : i32
      %add3A_1493 = arith.addi %mul3A_1142, %add3A_1492 : i32
      %dma_wait3A_1494 = arith.constant 320 : i32
      %dma_wait3A_1495 = arith.constant 0 : i32
      %dma_wait3A_1496 = tpu.memref_slice %arg7[%dma_wait3A_1494, %dma_wait3A_1495] : memref<640x128xf32, #tpu.memory_space<vmem>> -> memref<64x128xf32, #tpu.memory_space<vmem>>
      %dma_wait3A_1497 = arith.constant 320 : i32
      %dma_wait3A_1498 = tpu.memref_slice %arg6[%dma_wait3A_1497] : memref<640xi32, #tpu.memory_space<vmem>> -> memref<64xi32, #tpu.memory_space<vmem>>
      %dma_wait3A_1499 = arith.constant 0 : i32
      %dma_wait3A_1500 = arith.constant 0 : i32
      %dma_wait3A_1501 = tpu.memref_slice %arg5[%dma_wait3A_1499, %dma_wait3A_1500] : memref<4097x128xf32, #tpu.memory_space<vmem_shared>> -> memref<4097x128xf32, #tpu.memory_space<vmem_shared>>
      tpu.wait_indirect_dma semaphore(%arg14 : memref<!tpu.dma_semaphore, #tpu.memory_space<semaphore_mem>>) src(%dma_wait3A_1501 : memref<4097x128xf32, #tpu.memory_space<vmem_shared>>) dst(%dma_wait3A_1496 : memref<64x128xf32, #tpu.memory_space<vmem>>)
      %mul3A_1502 = arith.constant 64 : i32
      %mul3A_1503 = arith.muli %add3A_1493, %mul3A_1502 : i32
      %add3A_1504 = arith.addi %mul3A_2, %mul3A_1503 : i32
      %dma_start3A_1505 = arith.constant 320 : i32
      %dma_start3A_1506 = arith.constant 0 : i32
      %dma_start3A_1507 = tpu.memref_slice %arg7[%dma_start3A_1505, %dma_start3A_1506] : memref<640x128xf32, #tpu.memory_space<vmem>> -> memref<64x128xf32, #tpu.memory_space<vmem>>
      %dma_start3A_1508 = arith.constant 0 : i32
      %dma_start3A_1509 = tpu.memref_slice %arg4[%add3A_1504, %dma_start3A_1508] : memref<819200x128xf32, #tpu.memory_space<hbm>> -> memref<64x128xf32, #tpu.memory_space<hbm>>
      %dma_start3A_1510 = arith.constant 0 : i32
      %dma_start3A_1511 = tpu.memref_slice %arg4[%add3A_1504, %dma_start3A_1510] : memref<819200x128xf32, #tpu.memory_space<hbm>> -> memref<64x128xf32, #tpu.memory_space<hbm>>
      %dma_start3A_1512 = arith.constant 320 : i32
      %dma_start3A_1513 = arith.constant 0 : i32
      %dma_start3A_1514 = tpu.memref_slice %arg7[%dma_start3A_1512, %dma_start3A_1513] : memref<640x128xf32, #tpu.memory_space<vmem>> -> memref<64x128xf32, #tpu.memory_space<vmem>>
      tpu.enqueue_dma source(%dma_start3A_1514 : memref<64x128xf32, #tpu.memory_space<vmem>>) target(%dma_start3A_1511 : memref<64x128xf32, #tpu.memory_space<hbm>>) target_semaphore(%arg24 : memref<!tpu.dma_semaphore, #tpu.memory_space<semaphore_mem>>)
      %sub3A_1515 = arith.constant 5 : i32
      %sub3A_1516 = arith.subi %add3A_1493, %sub3A_1515 : i32
      %mul3A_1517 = arith.constant 64 : i32
      %mul3A_1518 = arith.muli %sub3A_1516, %mul3A_1517 : i32
      %add3A_1519 = arith.addi %mul3A_2, %mul3A_1518 : i32
      %dma_wait3A_1520 = arith.constant 0 : i32
      %dma_wait3A_1521 = arith.constant 0 : i32
      %dma_wait3A_1522 = tpu.memref_slice %arg7[%dma_wait3A_1520, %dma_wait3A_1521] : memref<640x128xf32, #tpu.memory_space<vmem>> -> memref<64x128xf32, #tpu.memory_space<vmem>>
      %dma_wait3A_1523 = arith.constant 0 : i32
      %dma_wait3A_1524 = tpu.memref_slice %arg4[%add3A_1519, %dma_wait3A_1523] : memref<819200x128xf32, #tpu.memory_space<hbm>> -> memref<64x128xf32, #tpu.memory_space<hbm>>
      %dma_wait3A_1525 = arith.constant 0 : i32
      %dma_wait3A_1526 = tpu.memref_slice %arg4[%add3A_1519, %dma_wait3A_1525] : memref<819200x128xf32, #tpu.memory_space<hbm>> -> memref<64x128xf32, #tpu.memory_space<hbm>>
      %dma_wait3A_1527 = arith.constant 0 : i32
      %dma_wait3A_1528 = arith.constant 0 : i32
      %dma_wait3A_1529 = tpu.memref_slice %arg7[%dma_wait3A_1527, %dma_wait3A_1528] : memref<640x128xf32, #tpu.memory_space<vmem>> -> memref<64x128xf32, #tpu.memory_space<vmem>>
      tpu.wait_dma2 semaphore(%arg19 : memref<!tpu.dma_semaphore, #tpu.memory_space<semaphore_mem>>) src(%dma_wait3A_1529 : memref<64x128xf32, #tpu.memory_space<vmem>>) dst(%dma_wait3A_1526 : memref<64x128xf32, #tpu.memory_space<hbm>>)
      %add3A_1530 = arith.constant 5 : i32
      %add3A_1531 = arith.addi %add3A_1493, %add3A_1530 : i32
      %mul3A_1532 = arith.constant 64 : i32
      %mul3A_1533 = arith.muli %add3A_1531, %mul3A_1532 : i32
      %add3A_1534 = arith.addi %mul3A_2, %mul3A_1533 : i32
      %dma_wait3A_1535 = arith.constant 0 : i32
      %dma_wait3A_1536 = tpu.memref_slice %arg6[%dma_wait3A_1535] : memref<640xi32, #tpu.memory_space<vmem>> -> memref<64xi32, #tpu.memory_space<vmem>>
      %dma_wait3A_1537 = tpu.memref_slice %arg3[%add3A_1534] : memref<819200xi32, #tpu.memory_space<hbm>> -> memref<64xi32, #tpu.memory_space<hbm>>
      %dma_wait3A_1538 = arith.constant 0 : i32
      %dma_wait3A_1539 = tpu.memref_slice %arg6[%dma_wait3A_1538] : memref<640xi32, #tpu.memory_space<vmem>> -> memref<64xi32, #tpu.memory_space<vmem>>
      %dma_wait3A_1540 = tpu.memref_slice %arg3[%add3A_1534] : memref<819200xi32, #tpu.memory_space<hbm>> -> memref<64xi32, #tpu.memory_space<hbm>>
      tpu.wait_dma2 semaphore(%arg8 : memref<!tpu.dma_semaphore, #tpu.memory_space<semaphore_mem>>) src(%dma_wait3A_1540 : memref<64xi32, #tpu.memory_space<hbm>>) dst(%dma_wait3A_1539 : memref<64xi32, #tpu.memory_space<vmem>>)
      %add3A_1541 = arith.constant 5 : i32
      %add3A_1542 = arith.addi %add3A_1493, %add3A_1541 : i32
      %dma_start3A_1543 = arith.constant 0 : i32
      %dma_start3A_1544 = arith.constant 0 : i32
      %dma_start3A_1545 = tpu.memref_slice %arg7[%dma_start3A_1543, %dma_start3A_1544] : memref<640x128xf32, #tpu.memory_space<vmem>> -> memref<64x128xf32, #tpu.memory_space<vmem>>
      %dma_start3A_1546 = arith.constant 0 : i32
      %dma_start3A_1547 = tpu.memref_slice %arg6[%dma_start3A_1546] : memref<640xi32, #tpu.memory_space<vmem>> -> memref<64xi32, #tpu.memory_space<vmem>>
      %dma_start3A_1548 = arith.constant 0 : i32
      %dma_start3A_1549 = arith.constant 0 : i32
      %dma_start3A_1550 = tpu.memref_slice %arg5[%dma_start3A_1548, %dma_start3A_1549] : memref<4097x128xf32, #tpu.memory_space<vmem_shared>> -> memref<4097x128xf32, #tpu.memory_space<vmem_shared>>
      tpu.enqueue_indirect_dma source(%dma_start3A_1550 : memref<4097x128xf32, #tpu.memory_space<vmem_shared>>) target(%dma_start3A_1545 : memref<64x128xf32, #tpu.memory_space<vmem>>) offsets(%dma_start3A_1547 : memref<64xi32, #tpu.memory_space<vmem>>) semaphore(%arg9 : memref<!tpu.dma_semaphore, #tpu.memory_space<semaphore_mem>>)
      %add3A_1551 = arith.constant 10 : i32
      %add3A_1552 = arith.addi %add3A_1493, %add3A_1551 : i32
      %mul3A_1553 = arith.constant 64 : i32
      %mul3A_1554 = arith.muli %add3A_1552, %mul3A_1553 : i32
      %add3A_1555 = arith.addi %mul3A_2, %mul3A_1554 : i32
      %dma_start3A_1556 = arith.constant 320 : i32
      %dma_start3A_1557 = tpu.memref_slice %arg6[%dma_start3A_1556] : memref<640xi32, #tpu.memory_space<vmem>> -> memref<64xi32, #tpu.memory_space<vmem>>
      %dma_start3A_1558 = tpu.memref_slice %arg3[%add3A_1555] : memref<819200xi32, #tpu.memory_space<hbm>> -> memref<64xi32, #tpu.memory_space<hbm>>
      %dma_start3A_1559 = arith.constant 320 : i32
      %dma_start3A_1560 = tpu.memref_slice %arg6[%dma_start3A_1559] : memref<640xi32, #tpu.memory_space<vmem>> -> memref<64xi32, #tpu.memory_space<vmem>>
      %dma_start3A_1561 = tpu.memref_slice %arg3[%add3A_1555] : memref<819200xi32, #tpu.memory_space<hbm>> -> memref<64xi32, #tpu.memory_space<hbm>>
      tpu.enqueue_dma source(%dma_start3A_1561 : memref<64xi32, #tpu.memory_space<hbm>>) target(%dma_start3A_1560 : memref<64xi32, #tpu.memory_space<vmem>>) target_semaphore(%arg8 : memref<!tpu.dma_semaphore, #tpu.memory_space<semaphore_mem>>)
      %add3A_1562 = arith.constant 6 : i32
      %add3A_1563 = arith.addi %mul3A_1142, %add3A_1562 : i32
      %dma_wait3A_1564 = arith.constant 384 : i32
      %dma_wait3A_1565 = arith.constant 0 : i32
      %dma_wait3A_1566 = tpu.memref_slice %arg7[%dma_wait3A_1564, %dma_wait3A_1565] : memref<640x128xf32, #tpu.memory_space<vmem>> -> memref<64x128xf32, #tpu.memory_space<vmem>>
      %dma_wait3A_1567 = arith.constant 384 : i32
      %dma_wait3A_1568 = tpu.memref_slice %arg6[%dma_wait3A_1567] : memref<640xi32, #tpu.memory_space<vmem>> -> memref<64xi32, #tpu.memory_space<vmem>>
      %dma_wait3A_1569 = arith.constant 0 : i32
      %dma_wait3A_1570 = arith.constant 0 : i32
      %dma_wait3A_1571 = tpu.memref_slice %arg5[%dma_wait3A_1569, %dma_wait3A_1570] : memref<4097x128xf32, #tpu.memory_space<vmem_shared>> -> memref<4097x128xf32, #tpu.memory_space<vmem_shared>>
      tpu.wait_indirect_dma semaphore(%arg15 : memref<!tpu.dma_semaphore, #tpu.memory_space<semaphore_mem>>) src(%dma_wait3A_1571 : memref<4097x128xf32, #tpu.memory_space<vmem_shared>>) dst(%dma_wait3A_1566 : memref<64x128xf32, #tpu.memory_space<vmem>>)
      %mul3A_1572 = arith.constant 64 : i32
      %mul3A_1573 = arith.muli %add3A_1563, %mul3A_1572 : i32
      %add3A_1574 = arith.addi %mul3A_2, %mul3A_1573 : i32
      %dma_start3A_1575 = arith.constant 384 : i32
      %dma_start3A_1576 = arith.constant 0 : i32
      %dma_start3A_1577 = tpu.memref_slice %arg7[%dma_start3A_1575, %dma_start3A_1576] : memref<640x128xf32, #tpu.memory_space<vmem>> -> memref<64x128xf32, #tpu.memory_space<vmem>>
      %dma_start3A_1578 = arith.constant 0 : i32
      %dma_start3A_1579 = tpu.memref_slice %arg4[%add3A_1574, %dma_start3A_1578] : memref<819200x128xf32, #tpu.memory_space<hbm>> -> memref<64x128xf32, #tpu.memory_space<hbm>>
      %dma_start3A_1580 = arith.constant 0 : i32
      %dma_start3A_1581 = tpu.memref_slice %arg4[%add3A_1574, %dma_start3A_1580] : memref<819200x128xf32, #tpu.memory_space<hbm>> -> memref<64x128xf32, #tpu.memory_space<hbm>>
      %dma_start3A_1582 = arith.constant 384 : i32
      %dma_start3A_1583 = arith.constant 0 : i32
      %dma_start3A_1584 = tpu.memref_slice %arg7[%dma_start3A_1582, %dma_start3A_1583] : memref<640x128xf32, #tpu.memory_space<vmem>> -> memref<64x128xf32, #tpu.memory_space<vmem>>
      tpu.enqueue_dma source(%dma_start3A_1584 : memref<64x128xf32, #tpu.memory_space<vmem>>) target(%dma_start3A_1581 : memref<64x128xf32, #tpu.memory_space<hbm>>) target_semaphore(%arg25 : memref<!tpu.dma_semaphore, #tpu.memory_space<semaphore_mem>>)
      %sub3A_1585 = arith.constant 5 : i32
      %sub3A_1586 = arith.subi %add3A_1563, %sub3A_1585 : i32
      %mul3A_1587 = arith.constant 64 : i32
      %mul3A_1588 = arith.muli %sub3A_1586, %mul3A_1587 : i32
      %add3A_1589 = arith.addi %mul3A_2, %mul3A_1588 : i32
      %dma_wait3A_1590 = arith.constant 64 : i32
      %dma_wait3A_1591 = arith.constant 0 : i32
      %dma_wait3A_1592 = tpu.memref_slice %arg7[%dma_wait3A_1590, %dma_wait3A_1591] : memref<640x128xf32, #tpu.memory_space<vmem>> -> memref<64x128xf32, #tpu.memory_space<vmem>>
      %dma_wait3A_1593 = arith.constant 0 : i32
      %dma_wait3A_1594 = tpu.memref_slice %arg4[%add3A_1589, %dma_wait3A_1593] : memref<819200x128xf32, #tpu.memory_space<hbm>> -> memref<64x128xf32, #tpu.memory_space<hbm>>
      %dma_wait3A_1595 = arith.constant 0 : i32
      %dma_wait3A_1596 = tpu.memref_slice %arg4[%add3A_1589, %dma_wait3A_1595] : memref<819200x128xf32, #tpu.memory_space<hbm>> -> memref<64x128xf32, #tpu.memory_space<hbm>>
      %dma_wait3A_1597 = arith.constant 64 : i32
      %dma_wait3A_1598 = arith.constant 0 : i32
      %dma_wait3A_1599 = tpu.memref_slice %arg7[%dma_wait3A_1597, %dma_wait3A_1598] : memref<640x128xf32, #tpu.memory_space<vmem>> -> memref<64x128xf32, #tpu.memory_space<vmem>>
      tpu.wait_dma2 semaphore(%arg20 : memref<!tpu.dma_semaphore, #tpu.memory_space<semaphore_mem>>) src(%dma_wait3A_1599 : memref<64x128xf32, #tpu.memory_space<vmem>>) dst(%dma_wait3A_1596 : memref<64x128xf32, #tpu.memory_space<hbm>>)
      %add3A_1600 = arith.constant 5 : i32
      %add3A_1601 = arith.addi %add3A_1563, %add3A_1600 : i32
      %mul3A_1602 = arith.constant 64 : i32
      %mul3A_1603 = arith.muli %add3A_1601, %mul3A_1602 : i32
      %add3A_1604 = arith.addi %mul3A_2, %mul3A_1603 : i32
      %dma_wait3A_1605 = arith.constant 64 : i32
      %dma_wait3A_1606 = tpu.memref_slice %arg6[%dma_wait3A_1605] : memref<640xi32, #tpu.memory_space<vmem>> -> memref<64xi32, #tpu.memory_space<vmem>>
      %dma_wait3A_1607 = tpu.memref_slice %arg3[%add3A_1604] : memref<819200xi32, #tpu.memory_space<hbm>> -> memref<64xi32, #tpu.memory_space<hbm>>
      %dma_wait3A_1608 = arith.constant 64 : i32
      %dma_wait3A_1609 = tpu.memref_slice %arg6[%dma_wait3A_1608] : memref<640xi32, #tpu.memory_space<vmem>> -> memref<64xi32, #tpu.memory_space<vmem>>
      %dma_wait3A_1610 = tpu.memref_slice %arg3[%add3A_1604] : memref<819200xi32, #tpu.memory_space<hbm>> -> memref<64xi32, #tpu.memory_space<hbm>>
      tpu.wait_dma2 semaphore(%arg8 : memref<!tpu.dma_semaphore, #tpu.memory_space<semaphore_mem>>) src(%dma_wait3A_1610 : memref<64xi32, #tpu.memory_space<hbm>>) dst(%dma_wait3A_1609 : memref<64xi32, #tpu.memory_space<vmem>>)
      %add3A_1611 = arith.constant 5 : i32
      %add3A_1612 = arith.addi %add3A_1563, %add3A_1611 : i32
      %dma_start3A_1613 = arith.constant 64 : i32
      %dma_start3A_1614 = arith.constant 0 : i32
      %dma_start3A_1615 = tpu.memref_slice %arg7[%dma_start3A_1613, %dma_start3A_1614] : memref<640x128xf32, #tpu.memory_space<vmem>> -> memref<64x128xf32, #tpu.memory_space<vmem>>
      %dma_start3A_1616 = arith.constant 64 : i32
      %dma_start3A_1617 = tpu.memref_slice %arg6[%dma_start3A_1616] : memref<640xi32, #tpu.memory_space<vmem>> -> memref<64xi32, #tpu.memory_space<vmem>>
      %dma_start3A_1618 = arith.constant 0 : i32
      %dma_start3A_1619 = arith.constant 0 : i32
      %dma_start3A_1620 = tpu.memref_slice %arg5[%dma_start3A_1618, %dma_start3A_1619] : memref<4097x128xf32, #tpu.memory_space<vmem_shared>> -> memref<4097x128xf32, #tpu.memory_space<vmem_shared>>
      tpu.enqueue_indirect_dma source(%dma_start3A_1620 : memref<4097x128xf32, #tpu.memory_space<vmem_shared>>) target(%dma_start3A_1615 : memref<64x128xf32, #tpu.memory_space<vmem>>) offsets(%dma_start3A_1617 : memref<64xi32, #tpu.memory_space<vmem>>) semaphore(%arg10 : memref<!tpu.dma_semaphore, #tpu.memory_space<semaphore_mem>>)
      %add3A_1621 = arith.constant 10 : i32
      %add3A_1622 = arith.addi %add3A_1563, %add3A_1621 : i32
      %mul3A_1623 = arith.constant 64 : i32
      %mul3A_1624 = arith.muli %add3A_1622, %mul3A_1623 : i32
      %add3A_1625 = arith.addi %mul3A_2, %mul3A_1624 : i32
      %dma_start3A_1626 = arith.constant 384 : i32
      %dma_start3A_1627 = tpu.memref_slice %arg6[%dma_start3A_1626] : memref<640xi32, #tpu.memory_space<vmem>> -> memref<64xi32, #tpu.memory_space<vmem>>
      %dma_start3A_1628 = tpu.memref_slice %arg3[%add3A_1625] : memref<819200xi32, #tpu.memory_space<hbm>> -> memref<64xi32, #tpu.memory_space<hbm>>
      %dma_start3A_1629 = arith.constant 384 : i32
      %dma_start3A_1630 = tpu.memref_slice %arg6[%dma_start3A_1629] : memref<640xi32, #tpu.memory_space<vmem>> -> memref<64xi32, #tpu.memory_space<vmem>>
      %dma_start3A_1631 = tpu.memref_slice %arg3[%add3A_1625] : memref<819200xi32, #tpu.memory_space<hbm>> -> memref<64xi32, #tpu.memory_space<hbm>>
      tpu.enqueue_dma source(%dma_start3A_1631 : memref<64xi32, #tpu.memory_space<hbm>>) target(%dma_start3A_1630 : memref<64xi32, #tpu.memory_space<vmem>>) target_semaphore(%arg8 : memref<!tpu.dma_semaphore, #tpu.memory_space<semaphore_mem>>)
      %add3A_1632 = arith.constant 7 : i32
      %add3A_1633 = arith.addi %mul3A_1142, %add3A_1632 : i32
      %dma_wait3A_1634 = arith.constant 448 : i32
      %dma_wait3A_1635 = arith.constant 0 : i32
      %dma_wait3A_1636 = tpu.memref_slice %arg7[%dma_wait3A_1634, %dma_wait3A_1635] : memref<640x128xf32, #tpu.memory_space<vmem>> -> memref<64x128xf32, #tpu.memory_space<vmem>>
      %dma_wait3A_1637 = arith.constant 448 : i32
      %dma_wait3A_1638 = tpu.memref_slice %arg6[%dma_wait3A_1637] : memref<640xi32, #tpu.memory_space<vmem>> -> memref<64xi32, #tpu.memory_space<vmem>>
      %dma_wait3A_1639 = arith.constant 0 : i32
      %dma_wait3A_1640 = arith.constant 0 : i32
      %dma_wait3A_1641 = tpu.memref_slice %arg5[%dma_wait3A_1639, %dma_wait3A_1640] : memref<4097x128xf32, #tpu.memory_space<vmem_shared>> -> memref<4097x128xf32, #tpu.memory_space<vmem_shared>>
      tpu.wait_indirect_dma semaphore(%arg16 : memref<!tpu.dma_semaphore, #tpu.memory_space<semaphore_mem>>) src(%dma_wait3A_1641 : memref<4097x128xf32, #tpu.memory_space<vmem_shared>>) dst(%dma_wait3A_1636 : memref<64x128xf32, #tpu.memory_space<vmem>>)
      %mul3A_1642 = arith.constant 64 : i32
      %mul3A_1643 = arith.muli %add3A_1633, %mul3A_1642 : i32
      %add3A_1644 = arith.addi %mul3A_2, %mul3A_1643 : i32
      %dma_start3A_1645 = arith.constant 448 : i32
      %dma_start3A_1646 = arith.constant 0 : i32
      %dma_start3A_1647 = tpu.memref_slice %arg7[%dma_start3A_1645, %dma_start3A_1646] : memref<640x128xf32, #tpu.memory_space<vmem>> -> memref<64x128xf32, #tpu.memory_space<vmem>>
      %dma_start3A_1648 = arith.constant 0 : i32
      %dma_start3A_1649 = tpu.memref_slice %arg4[%add3A_1644, %dma_start3A_1648] : memref<819200x128xf32, #tpu.memory_space<hbm>> -> memref<64x128xf32, #tpu.memory_space<hbm>>
      %dma_start3A_1650 = arith.constant 0 : i32
      %dma_start3A_1651 = tpu.memref_slice %arg4[%add3A_1644, %dma_start3A_1650] : memref<819200x128xf32, #tpu.memory_space<hbm>> -> memref<64x128xf32, #tpu.memory_space<hbm>>
      %dma_start3A_1652 = arith.constant 448 : i32
      %dma_start3A_1653 = arith.constant 0 : i32
      %dma_start3A_1654 = tpu.memref_slice %arg7[%dma_start3A_1652, %dma_start3A_1653] : memref<640x128xf32, #tpu.memory_space<vmem>> -> memref<64x128xf32, #tpu.memory_space<vmem>>
      tpu.enqueue_dma source(%dma_start3A_1654 : memref<64x128xf32, #tpu.memory_space<vmem>>) target(%dma_start3A_1651 : memref<64x128xf32, #tpu.memory_space<hbm>>) target_semaphore(%arg26 : memref<!tpu.dma_semaphore, #tpu.memory_space<semaphore_mem>>)
      %sub3A_1655 = arith.constant 5 : i32
      %sub3A_1656 = arith.subi %add3A_1633, %sub3A_1655 : i32
      %mul3A_1657 = arith.constant 64 : i32
      %mul3A_1658 = arith.muli %sub3A_1656, %mul3A_1657 : i32
      %add3A_1659 = arith.addi %mul3A_2, %mul3A_1658 : i32
      %dma_wait3A_1660 = arith.constant 128 : i32
      %dma_wait3A_1661 = arith.constant 0 : i32
      %dma_wait3A_1662 = tpu.memref_slice %arg7[%dma_wait3A_1660, %dma_wait3A_1661] : memref<640x128xf32, #tpu.memory_space<vmem>> -> memref<64x128xf32, #tpu.memory_space<vmem>>
      %dma_wait3A_1663 = arith.constant 0 : i32
      %dma_wait3A_1664 = tpu.memref_slice %arg4[%add3A_1659, %dma_wait3A_1663] : memref<819200x128xf32, #tpu.memory_space<hbm>> -> memref<64x128xf32, #tpu.memory_space<hbm>>
      %dma_wait3A_1665 = arith.constant 0 : i32
      %dma_wait3A_1666 = tpu.memref_slice %arg4[%add3A_1659, %dma_wait3A_1665] : memref<819200x128xf32, #tpu.memory_space<hbm>> -> memref<64x128xf32, #tpu.memory_space<hbm>>
      %dma_wait3A_1667 = arith.constant 128 : i32
      %dma_wait3A_1668 = arith.constant 0 : i32
      %dma_wait3A_1669 = tpu.memref_slice %arg7[%dma_wait3A_1667, %dma_wait3A_1668] : memref<640x128xf32, #tpu.memory_space<vmem>> -> memref<64x128xf32, #tpu.memory_space<vmem>>
      tpu.wait_dma2 semaphore(%arg21 : memref<!tpu.dma_semaphore, #tpu.memory_space<semaphore_mem>>) src(%dma_wait3A_1669 : memref<64x128xf32, #tpu.memory_space<vmem>>) dst(%dma_wait3A_1666 : memref<64x128xf32, #tpu.memory_space<hbm>>)
      %add3A_1670 = arith.constant 5 : i32
      %add3A_1671 = arith.addi %add3A_1633, %add3A_1670 : i32
      %mul3A_1672 = arith.constant 64 : i32
      %mul3A_1673 = arith.muli %add3A_1671, %mul3A_1672 : i32
      %add3A_1674 = arith.addi %mul3A_2, %mul3A_1673 : i32
      %dma_wait3A_1675 = arith.constant 128 : i32
      %dma_wait3A_1676 = tpu.memref_slice %arg6[%dma_wait3A_1675] : memref<640xi32, #tpu.memory_space<vmem>> -> memref<64xi32, #tpu.memory_space<vmem>>
      %dma_wait3A_1677 = tpu.memref_slice %arg3[%add3A_1674] : memref<819200xi32, #tpu.memory_space<hbm>> -> memref<64xi32, #tpu.memory_space<hbm>>
      %dma_wait3A_1678 = arith.constant 128 : i32
      %dma_wait3A_1679 = tpu.memref_slice %arg6[%dma_wait3A_1678] : memref<640xi32, #tpu.memory_space<vmem>> -> memref<64xi32, #tpu.memory_space<vmem>>
      %dma_wait3A_1680 = tpu.memref_slice %arg3[%add3A_1674] : memref<819200xi32, #tpu.memory_space<hbm>> -> memref<64xi32, #tpu.memory_space<hbm>>
      tpu.wait_dma2 semaphore(%arg8 : memref<!tpu.dma_semaphore, #tpu.memory_space<semaphore_mem>>) src(%dma_wait3A_1680 : memref<64xi32, #tpu.memory_space<hbm>>) dst(%dma_wait3A_1679 : memref<64xi32, #tpu.memory_space<vmem>>)
      %add3A_1681 = arith.constant 5 : i32
      %add3A_1682 = arith.addi %add3A_1633, %add3A_1681 : i32
      %dma_start3A_1683 = arith.constant 128 : i32
      %dma_start3A_1684 = arith.constant 0 : i32
      %dma_start3A_1685 = tpu.memref_slice %arg7[%dma_start3A_1683, %dma_start3A_1684] : memref<640x128xf32, #tpu.memory_space<vmem>> -> memref<64x128xf32, #tpu.memory_space<vmem>>
      %dma_start3A_1686 = arith.constant 128 : i32
      %dma_start3A_1687 = tpu.memref_slice %arg6[%dma_start3A_1686] : memref<640xi32, #tpu.memory_space<vmem>> -> memref<64xi32, #tpu.memory_space<vmem>>
      %dma_start3A_1688 = arith.constant 0 : i32
      %dma_start3A_1689 = arith.constant 0 : i32
      %dma_start3A_1690 = tpu.memref_slice %arg5[%dma_start3A_1688, %dma_start3A_1689] : memref<4097x128xf32, #tpu.memory_space<vmem_shared>> -> memref<4097x128xf32, #tpu.memory_space<vmem_shared>>
      tpu.enqueue_indirect_dma source(%dma_start3A_1690 : memref<4097x128xf32, #tpu.memory_space<vmem_shared>>) target(%dma_start3A_1685 : memref<64x128xf32, #tpu.memory_space<vmem>>) offsets(%dma_start3A_1687 : memref<64xi32, #tpu.memory_space<vmem>>) semaphore(%arg11 : memref<!tpu.dma_semaphore, #tpu.memory_space<semaphore_mem>>)
      %add3A_1691 = arith.constant 10 : i32
      %add3A_1692 = arith.addi %add3A_1633, %add3A_1691 : i32
      %mul3A_1693 = arith.constant 64 : i32
      %mul3A_1694 = arith.muli %add3A_1692, %mul3A_1693 : i32
      %add3A_1695 = arith.addi %mul3A_2, %mul3A_1694 : i32
      %dma_start3A_1696 = arith.constant 448 : i32
      %dma_start3A_1697 = tpu.memref_slice %arg6[%dma_start3A_1696] : memref<640xi32, #tpu.memory_space<vmem>> -> memref<64xi32, #tpu.memory_space<vmem>>
      %dma_start3A_1698 = tpu.memref_slice %arg3[%add3A_1695] : memref<819200xi32, #tpu.memory_space<hbm>> -> memref<64xi32, #tpu.memory_space<hbm>>
      %dma_start3A_1699 = arith.constant 448 : i32
      %dma_start3A_1700 = tpu.memref_slice %arg6[%dma_start3A_1699] : memref<640xi32, #tpu.memory_space<vmem>> -> memref<64xi32, #tpu.memory_space<vmem>>
      %dma_start3A_1701 = tpu.memref_slice %arg3[%add3A_1695] : memref<819200xi32, #tpu.memory_space<hbm>> -> memref<64xi32, #tpu.memory_space<hbm>>
      tpu.enqueue_dma source(%dma_start3A_1701 : memref<64xi32, #tpu.memory_space<hbm>>) target(%dma_start3A_1700 : memref<64xi32, #tpu.memory_space<vmem>>) target_semaphore(%arg8 : memref<!tpu.dma_semaphore, #tpu.memory_space<semaphore_mem>>)
      %add3A_1702 = arith.constant 8 : i32
      %add3A_1703 = arith.addi %mul3A_1142, %add3A_1702 : i32
      %dma_wait3A_1704 = arith.constant 512 : i32
      %dma_wait3A_1705 = arith.constant 0 : i32
      %dma_wait3A_1706 = tpu.memref_slice %arg7[%dma_wait3A_1704, %dma_wait3A_1705] : memref<640x128xf32, #tpu.memory_space<vmem>> -> memref<64x128xf32, #tpu.memory_space<vmem>>
      %dma_wait3A_1707 = arith.constant 512 : i32
      %dma_wait3A_1708 = tpu.memref_slice %arg6[%dma_wait3A_1707] : memref<640xi32, #tpu.memory_space<vmem>> -> memref<64xi32, #tpu.memory_space<vmem>>
      %dma_wait3A_1709 = arith.constant 0 : i32
      %dma_wait3A_1710 = arith.constant 0 : i32
      %dma_wait3A_1711 = tpu.memref_slice %arg5[%dma_wait3A_1709, %dma_wait3A_1710] : memref<4097x128xf32, #tpu.memory_space<vmem_shared>> -> memref<4097x128xf32, #tpu.memory_space<vmem_shared>>
      tpu.wait_indirect_dma semaphore(%arg17 : memref<!tpu.dma_semaphore, #tpu.memory_space<semaphore_mem>>) src(%dma_wait3A_1711 : memref<4097x128xf32, #tpu.memory_space<vmem_shared>>) dst(%dma_wait3A_1706 : memref<64x128xf32, #tpu.memory_space<vmem>>)
      %mul3A_1712 = arith.constant 64 : i32
      %mul3A_1713 = arith.muli %add3A_1703, %mul3A_1712 : i32
      %add3A_1714 = arith.addi %mul3A_2, %mul3A_1713 : i32
      %dma_start3A_1715 = arith.constant 512 : i32
      %dma_start3A_1716 = arith.constant 0 : i32
      %dma_start3A_1717 = tpu.memref_slice %arg7[%dma_start3A_1715, %dma_start3A_1716] : memref<640x128xf32, #tpu.memory_space<vmem>> -> memref<64x128xf32, #tpu.memory_space<vmem>>
      %dma_start3A_1718 = arith.constant 0 : i32
      %dma_start3A_1719 = tpu.memref_slice %arg4[%add3A_1714, %dma_start3A_1718] : memref<819200x128xf32, #tpu.memory_space<hbm>> -> memref<64x128xf32, #tpu.memory_space<hbm>>
      %dma_start3A_1720 = arith.constant 0 : i32
      %dma_start3A_1721 = tpu.memref_slice %arg4[%add3A_1714, %dma_start3A_1720] : memref<819200x128xf32, #tpu.memory_space<hbm>> -> memref<64x128xf32, #tpu.memory_space<hbm>>
      %dma_start3A_1722 = arith.constant 512 : i32
      %dma_start3A_1723 = arith.constant 0 : i32
      %dma_start3A_1724 = tpu.memref_slice %arg7[%dma_start3A_1722, %dma_start3A_1723] : memref<640x128xf32, #tpu.memory_space<vmem>> -> memref<64x128xf32, #tpu.memory_space<vmem>>
      tpu.enqueue_dma source(%dma_start3A_1724 : memref<64x128xf32, #tpu.memory_space<vmem>>) target(%dma_start3A_1721 : memref<64x128xf32, #tpu.memory_space<hbm>>) target_semaphore(%arg27 : memref<!tpu.dma_semaphore, #tpu.memory_space<semaphore_mem>>)
      %sub3A_1725 = arith.constant 5 : i32
      %sub3A_1726 = arith.subi %add3A_1703, %sub3A_1725 : i32
      %mul3A_1727 = arith.constant 64 : i32
      %mul3A_1728 = arith.muli %sub3A_1726, %mul3A_1727 : i32
      %add3A_1729 = arith.addi %mul3A_2, %mul3A_1728 : i32
      %dma_wait3A_1730 = arith.constant 192 : i32
      %dma_wait3A_1731 = arith.constant 0 : i32
      %dma_wait3A_1732 = tpu.memref_slice %arg7[%dma_wait3A_1730, %dma_wait3A_1731] : memref<640x128xf32, #tpu.memory_space<vmem>> -> memref<64x128xf32, #tpu.memory_space<vmem>>
      %dma_wait3A_1733 = arith.constant 0 : i32
      %dma_wait3A_1734 = tpu.memref_slice %arg4[%add3A_1729, %dma_wait3A_1733] : memref<819200x128xf32, #tpu.memory_space<hbm>> -> memref<64x128xf32, #tpu.memory_space<hbm>>
      %dma_wait3A_1735 = arith.constant 0 : i32
      %dma_wait3A_1736 = tpu.memref_slice %arg4[%add3A_1729, %dma_wait3A_1735] : memref<819200x128xf32, #tpu.memory_space<hbm>> -> memref<64x128xf32, #tpu.memory_space<hbm>>
      %dma_wait3A_1737 = arith.constant 192 : i32
      %dma_wait3A_1738 = arith.constant 0 : i32
      %dma_wait3A_1739 = tpu.memref_slice %arg7[%dma_wait3A_1737, %dma_wait3A_1738] : memref<640x128xf32, #tpu.memory_space<vmem>> -> memref<64x128xf32, #tpu.memory_space<vmem>>
      tpu.wait_dma2 semaphore(%arg22 : memref<!tpu.dma_semaphore, #tpu.memory_space<semaphore_mem>>) src(%dma_wait3A_1739 : memref<64x128xf32, #tpu.memory_space<vmem>>) dst(%dma_wait3A_1736 : memref<64x128xf32, #tpu.memory_space<hbm>>)
      %add3A_1740 = arith.constant 5 : i32
      %add3A_1741 = arith.addi %add3A_1703, %add3A_1740 : i32
      %mul3A_1742 = arith.constant 64 : i32
      %mul3A_1743 = arith.muli %add3A_1741, %mul3A_1742 : i32
      %add3A_1744 = arith.addi %mul3A_2, %mul3A_1743 : i32
      %dma_wait3A_1745 = arith.constant 192 : i32
      %dma_wait3A_1746 = tpu.memref_slice %arg6[%dma_wait3A_1745] : memref<640xi32, #tpu.memory_space<vmem>> -> memref<64xi32, #tpu.memory_space<vmem>>
      %dma_wait3A_1747 = tpu.memref_slice %arg3[%add3A_1744] : memref<819200xi32, #tpu.memory_space<hbm>> -> memref<64xi32, #tpu.memory_space<hbm>>
      %dma_wait3A_1748 = arith.constant 192 : i32
      %dma_wait3A_1749 = tpu.memref_slice %arg6[%dma_wait3A_1748] : memref<640xi32, #tpu.memory_space<vmem>> -> memref<64xi32, #tpu.memory_space<vmem>>
      %dma_wait3A_1750 = tpu.memref_slice %arg3[%add3A_1744] : memref<819200xi32, #tpu.memory_space<hbm>> -> memref<64xi32, #tpu.memory_space<hbm>>
      tpu.wait_dma2 semaphore(%arg8 : memref<!tpu.dma_semaphore, #tpu.memory_space<semaphore_mem>>) src(%dma_wait3A_1750 : memref<64xi32, #tpu.memory_space<hbm>>) dst(%dma_wait3A_1749 : memref<64xi32, #tpu.memory_space<vmem>>)
      %add3A_1751 = arith.constant 5 : i32
      %add3A_1752 = arith.addi %add3A_1703, %add3A_1751 : i32
      %dma_start3A_1753 = arith.constant 192 : i32
      %dma_start3A_1754 = arith.constant 0 : i32
      %dma_start3A_1755 = tpu.memref_slice %arg7[%dma_start3A_1753, %dma_start3A_1754] : memref<640x128xf32, #tpu.memory_space<vmem>> -> memref<64x128xf32, #tpu.memory_space<vmem>>
      %dma_start3A_1756 = arith.constant 192 : i32
      %dma_start3A_1757 = tpu.memref_slice %arg6[%dma_start3A_1756] : memref<640xi32, #tpu.memory_space<vmem>> -> memref<64xi32, #tpu.memory_space<vmem>>
      %dma_start3A_1758 = arith.constant 0 : i32
      %dma_start3A_1759 = arith.constant 0 : i32
      %dma_start3A_1760 = tpu.memref_slice %arg5[%dma_start3A_1758, %dma_start3A_1759] : memref<4097x128xf32, #tpu.memory_space<vmem_shared>> -> memref<4097x128xf32, #tpu.memory_space<vmem_shared>>
      tpu.enqueue_indirect_dma source(%dma_start3A_1760 : memref<4097x128xf32, #tpu.memory_space<vmem_shared>>) target(%dma_start3A_1755 : memref<64x128xf32, #tpu.memory_space<vmem>>) offsets(%dma_start3A_1757 : memref<64xi32, #tpu.memory_space<vmem>>) semaphore(%arg12 : memref<!tpu.dma_semaphore, #tpu.memory_space<semaphore_mem>>)
      %add3A_1761 = arith.constant 10 : i32
      %add3A_1762 = arith.addi %add3A_1703, %add3A_1761 : i32
      %mul3A_1763 = arith.constant 64 : i32
      %mul3A_1764 = arith.muli %add3A_1762, %mul3A_1763 : i32
      %add3A_1765 = arith.addi %mul3A_2, %mul3A_1764 : i32
      %dma_start3A_1766 = arith.constant 512 : i32
      %dma_start3A_1767 = tpu.memref_slice %arg6[%dma_start3A_1766] : memref<640xi32, #tpu.memory_space<vmem>> -> memref<64xi32, #tpu.memory_space<vmem>>
      %dma_start3A_1768 = tpu.memref_slice %arg3[%add3A_1765] : memref<819200xi32, #tpu.memory_space<hbm>> -> memref<64xi32, #tpu.memory_space<hbm>>
      %dma_start3A_1769 = arith.constant 512 : i32
      %dma_start3A_1770 = tpu.memref_slice %arg6[%dma_start3A_1769] : memref<640xi32, #tpu.memory_space<vmem>> -> memref<64xi32, #tpu.memory_space<vmem>>
      %dma_start3A_1771 = tpu.memref_slice %arg3[%add3A_1765] : memref<819200xi32, #tpu.memory_space<hbm>> -> memref<64xi32, #tpu.memory_space<hbm>>
      tpu.enqueue_dma source(%dma_start3A_1771 : memref<64xi32, #tpu.memory_space<hbm>>) target(%dma_start3A_1770 : memref<64xi32, #tpu.memory_space<vmem>>) target_semaphore(%arg8 : memref<!tpu.dma_semaphore, #tpu.memory_space<semaphore_mem>>)
      %add3A_1772 = arith.constant 9 : i32
      %add3A_1773 = arith.addi %mul3A_1142, %add3A_1772 : i32
      %dma_wait3A_1774 = arith.constant 576 : i32
      %dma_wait3A_1775 = arith.constant 0 : i32
      %dma_wait3A_1776 = tpu.memref_slice %arg7[%dma_wait3A_1774, %dma_wait3A_1775] : memref<640x128xf32, #tpu.memory_space<vmem>> -> memref<64x128xf32, #tpu.memory_space<vmem>>
      %dma_wait3A_1777 = arith.constant 576 : i32
      %dma_wait3A_1778 = tpu.memref_slice %arg6[%dma_wait3A_1777] : memref<640xi32, #tpu.memory_space<vmem>> -> memref<64xi32, #tpu.memory_space<vmem>>
      %dma_wait3A_1779 = arith.constant 0 : i32
      %dma_wait3A_1780 = arith.constant 0 : i32
      %dma_wait3A_1781 = tpu.memref_slice %arg5[%dma_wait3A_1779, %dma_wait3A_1780] : memref<4097x128xf32, #tpu.memory_space<vmem_shared>> -> memref<4097x128xf32, #tpu.memory_space<vmem_shared>>
      tpu.wait_indirect_dma semaphore(%arg18 : memref<!tpu.dma_semaphore, #tpu.memory_space<semaphore_mem>>) src(%dma_wait3A_1781 : memref<4097x128xf32, #tpu.memory_space<vmem_shared>>) dst(%dma_wait3A_1776 : memref<64x128xf32, #tpu.memory_space<vmem>>)
      %mul3A_1782 = arith.constant 64 : i32
      %mul3A_1783 = arith.muli %add3A_1773, %mul3A_1782 : i32
      %add3A_1784 = arith.addi %mul3A_2, %mul3A_1783 : i32
      %dma_start3A_1785 = arith.constant 576 : i32
      %dma_start3A_1786 = arith.constant 0 : i32
      %dma_start3A_1787 = tpu.memref_slice %arg7[%dma_start3A_1785, %dma_start3A_1786] : memref<640x128xf32, #tpu.memory_space<vmem>> -> memref<64x128xf32, #tpu.memory_space<vmem>>
      %dma_start3A_1788 = arith.constant 0 : i32
      %dma_start3A_1789 = tpu.memref_slice %arg4[%add3A_1784, %dma_start3A_1788] : memref<819200x128xf32, #tpu.memory_space<hbm>> -> memref<64x128xf32, #tpu.memory_space<hbm>>
      %dma_start3A_1790 = arith.constant 0 : i32
      %dma_start3A_1791 = tpu.memref_slice %arg4[%add3A_1784, %dma_start3A_1790] : memref<819200x128xf32, #tpu.memory_space<hbm>> -> memref<64x128xf32, #tpu.memory_space<hbm>>
      %dma_start3A_1792 = arith.constant 576 : i32
      %dma_start3A_1793 = arith.constant 0 : i32
      %dma_start3A_1794 = tpu.memref_slice %arg7[%dma_start3A_1792, %dma_start3A_1793] : memref<640x128xf32, #tpu.memory_space<vmem>> -> memref<64x128xf32, #tpu.memory_space<vmem>>
      tpu.enqueue_dma source(%dma_start3A_1794 : memref<64x128xf32, #tpu.memory_space<vmem>>) target(%dma_start3A_1791 : memref<64x128xf32, #tpu.memory_space<hbm>>) target_semaphore(%arg28 : memref<!tpu.dma_semaphore, #tpu.memory_space<semaphore_mem>>)
      %sub3A_1795 = arith.constant 5 : i32
      %sub3A_1796 = arith.subi %add3A_1773, %sub3A_1795 : i32
      %mul3A_1797 = arith.constant 64 : i32
      %mul3A_1798 = arith.muli %sub3A_1796, %mul3A_1797 : i32
      %add3A_1799 = arith.addi %mul3A_2, %mul3A_1798 : i32
      %dma_wait3A_1800 = arith.constant 256 : i32
      %dma_wait3A_1801 = arith.constant 0 : i32
      %dma_wait3A_1802 = tpu.memref_slice %arg7[%dma_wait3A_1800, %dma_wait3A_1801] : memref<640x128xf32, #tpu.memory_space<vmem>> -> memref<64x128xf32, #tpu.memory_space<vmem>>
      %dma_wait3A_1803 = arith.constant 0 : i32
      %dma_wait3A_1804 = tpu.memref_slice %arg4[%add3A_1799, %dma_wait3A_1803] : memref<819200x128xf32, #tpu.memory_space<hbm>> -> memref<64x128xf32, #tpu.memory_space<hbm>>
      %dma_wait3A_1805 = arith.constant 0 : i32
      %dma_wait3A_1806 = tpu.memref_slice %arg4[%add3A_1799, %dma_wait3A_1805] : memref<819200x128xf32, #tpu.memory_space<hbm>> -> memref<64x128xf32, #tpu.memory_space<hbm>>
      %dma_wait3A_1807 = arith.constant 256 : i32
      %dma_wait3A_1808 = arith.constant 0 : i32
      %dma_wait3A_1809 = tpu.memref_slice %arg7[%dma_wait3A_1807, %dma_wait3A_1808] : memref<640x128xf32, #tpu.memory_space<vmem>> -> memref<64x128xf32, #tpu.memory_space<vmem>>
      tpu.wait_dma2 semaphore(%arg23 : memref<!tpu.dma_semaphore, #tpu.memory_space<semaphore_mem>>) src(%dma_wait3A_1809 : memref<64x128xf32, #tpu.memory_space<vmem>>) dst(%dma_wait3A_1806 : memref<64x128xf32, #tpu.memory_space<hbm>>)
      %add3A_1810 = arith.constant 5 : i32
      %add3A_1811 = arith.addi %add3A_1773, %add3A_1810 : i32
      %mul3A_1812 = arith.constant 64 : i32
      %mul3A_1813 = arith.muli %add3A_1811, %mul3A_1812 : i32
      %add3A_1814 = arith.addi %mul3A_2, %mul3A_1813 : i32
      %dma_wait3A_1815 = arith.constant 256 : i32
      %dma_wait3A_1816 = tpu.memref_slice %arg6[%dma_wait3A_1815] : memref<640xi32, #tpu.memory_space<vmem>> -> memref<64xi32, #tpu.memory_space<vmem>>
      %dma_wait3A_1817 = tpu.memref_slice %arg3[%add3A_1814] : memref<819200xi32, #tpu.memory_space<hbm>> -> memref<64xi32, #tpu.memory_space<hbm>>
      %dma_wait3A_1818 = arith.constant 256 : i32
      %dma_wait3A_1819 = tpu.memref_slice %arg6[%dma_wait3A_1818] : memref<640xi32, #tpu.memory_space<vmem>> -> memref<64xi32, #tpu.memory_space<vmem>>
      %dma_wait3A_1820 = tpu.memref_slice %arg3[%add3A_1814] : memref<819200xi32, #tpu.memory_space<hbm>> -> memref<64xi32, #tpu.memory_space<hbm>>
      tpu.wait_dma2 semaphore(%arg8 : memref<!tpu.dma_semaphore, #tpu.memory_space<semaphore_mem>>) src(%dma_wait3A_1820 : memref<64xi32, #tpu.memory_space<hbm>>) dst(%dma_wait3A_1819 : memref<64xi32, #tpu.memory_space<vmem>>)
      %add3A_1821 = arith.constant 5 : i32
      %add3A_1822 = arith.addi %add3A_1773, %add3A_1821 : i32
      %dma_start3A_1823 = arith.constant 256 : i32
      %dma_start3A_1824 = arith.constant 0 : i32
      %dma_start3A_1825 = tpu.memref_slice %arg7[%dma_start3A_1823, %dma_start3A_1824] : memref<640x128xf32, #tpu.memory_space<vmem>> -> memref<64x128xf32, #tpu.memory_space<vmem>>
      %dma_start3A_1826 = arith.constant 256 : i32
      %dma_start3A_1827 = tpu.memref_slice %arg6[%dma_start3A_1826] : memref<640xi32, #tpu.memory_space<vmem>> -> memref<64xi32, #tpu.memory_space<vmem>>
      %dma_start3A_1828 = arith.constant 0 : i32
      %dma_start3A_1829 = arith.constant 0 : i32
      %dma_start3A_1830 = tpu.memref_slice %arg5[%dma_start3A_1828, %dma_start3A_1829] : memref<4097x128xf32, #tpu.memory_space<vmem_shared>> -> memref<4097x128xf32, #tpu.memory_space<vmem_shared>>
      tpu.enqueue_indirect_dma source(%dma_start3A_1830 : memref<4097x128xf32, #tpu.memory_space<vmem_shared>>) target(%dma_start3A_1825 : memref<64x128xf32, #tpu.memory_space<vmem>>) offsets(%dma_start3A_1827 : memref<64xi32, #tpu.memory_space<vmem>>) semaphore(%arg13 : memref<!tpu.dma_semaphore, #tpu.memory_space<semaphore_mem>>)
      %add3A_1831 = arith.constant 10 : i32
      %add3A_1832 = arith.addi %add3A_1773, %add3A_1831 : i32
      %mul3A_1833 = arith.constant 64 : i32
      %mul3A_1834 = arith.muli %add3A_1832, %mul3A_1833 : i32
      %add3A_1835 = arith.addi %mul3A_2, %mul3A_1834 : i32
      %dma_start3A_1836 = arith.constant 576 : i32
      %dma_start3A_1837 = tpu.memref_slice %arg6[%dma_start3A_1836] : memref<640xi32, #tpu.memory_space<vmem>> -> memref<64xi32, #tpu.memory_space<vmem>>
      %dma_start3A_1838 = tpu.memref_slice %arg3[%add3A_1835] : memref<819200xi32, #tpu.memory_space<hbm>> -> memref<64xi32, #tpu.memory_space<hbm>>
      %dma_start3A_1839 = arith.constant 576 : i32
      %dma_start3A_1840 = tpu.memref_slice %arg6[%dma_start3A_1839] : memref<640xi32, #tpu.memory_space<vmem>> -> memref<64xi32, #tpu.memory_space<vmem>>
      %dma_start3A_1841 = tpu.memref_slice %arg3[%add3A_1835] : memref<819200xi32, #tpu.memory_space<hbm>> -> memref<64xi32, #tpu.memory_space<hbm>>
      tpu.enqueue_dma source(%dma_start3A_1841 : memref<64xi32, #tpu.memory_space<hbm>>) target(%dma_start3A_1840 : memref<64xi32, #tpu.memory_space<vmem>>) target_semaphore(%arg8 : memref<!tpu.dma_semaphore, #tpu.memory_space<semaphore_mem>>)
    }
    %scan3A_679 = arith.constant 38 : i32
    %dma_wait3A_680 = arith.constant 0 : i32
    %dma_wait3A_681 = arith.constant 0 : i32
    %dma_wait3A_682 = tpu.memref_slice %arg7[%dma_wait3A_680, %dma_wait3A_681] : memref<640x128xf32, #tpu.memory_space<vmem>> -> memref<64x128xf32, #tpu.memory_space<vmem>>
    %dma_wait3A_683 = arith.constant 0 : i32
    %dma_wait3A_684 = tpu.memref_slice %arg6[%dma_wait3A_683] : memref<640xi32, #tpu.memory_space<vmem>> -> memref<64xi32, #tpu.memory_space<vmem>>
    %dma_wait3A_685 = arith.constant 0 : i32
    %dma_wait3A_686 = arith.constant 0 : i32
    %dma_wait3A_687 = tpu.memref_slice %arg5[%dma_wait3A_685, %dma_wait3A_686] : memref<4097x128xf32, #tpu.memory_space<vmem_shared>> -> memref<4097x128xf32, #tpu.memory_space<vmem_shared>>
    tpu.wait_indirect_dma semaphore(%arg9 : memref<!tpu.dma_semaphore, #tpu.memory_space<semaphore_mem>>) src(%dma_wait3A_687 : memref<4097x128xf32, #tpu.memory_space<vmem_shared>>) dst(%dma_wait3A_682 : memref<64x128xf32, #tpu.memory_space<vmem>>)
    %add3A_688 = arith.constant 24960 : i32
    %add3A_689 = arith.addi %mul3A_2, %add3A_688 : i32
    %dma_start3A_690 = arith.constant 0 : i32
    %dma_start3A_691 = arith.constant 0 : i32
    %dma_start3A_692 = tpu.memref_slice %arg7[%dma_start3A_690, %dma_start3A_691] : memref<640x128xf32, #tpu.memory_space<vmem>> -> memref<64x128xf32, #tpu.memory_space<vmem>>
    %dma_start3A_693 = arith.constant 0 : i32
    %dma_start3A_694 = tpu.memref_slice %arg4[%add3A_689, %dma_start3A_693] : memref<819200x128xf32, #tpu.memory_space<hbm>> -> memref<64x128xf32, #tpu.memory_space<hbm>>
    %dma_start3A_695 = arith.constant 0 : i32
    %dma_start3A_696 = tpu.memref_slice %arg4[%add3A_689, %dma_start3A_695] : memref<819200x128xf32, #tpu.memory_space<hbm>> -> memref<64x128xf32, #tpu.memory_space<hbm>>
    %dma_start3A_697 = arith.constant 0 : i32
    %dma_start3A_698 = arith.constant 0 : i32
    %dma_start3A_699 = tpu.memref_slice %arg7[%dma_start3A_697, %dma_start3A_698] : memref<640x128xf32, #tpu.memory_space<vmem>> -> memref<64x128xf32, #tpu.memory_space<vmem>>
    tpu.enqueue_dma source(%dma_start3A_699 : memref<64x128xf32, #tpu.memory_space<vmem>>) target(%dma_start3A_696 : memref<64x128xf32, #tpu.memory_space<hbm>>) target_semaphore(%arg19 : memref<!tpu.dma_semaphore, #tpu.memory_space<semaphore_mem>>)
    %add3A_700 = arith.constant 24640 : i32
    %add3A_701 = arith.addi %mul3A_2, %add3A_700 : i32
    %dma_wait3A_702 = arith.constant 320 : i32
    %dma_wait3A_703 = arith.constant 0 : i32
    %dma_wait3A_704 = tpu.memref_slice %arg7[%dma_wait3A_702, %dma_wait3A_703] : memref<640x128xf32, #tpu.memory_space<vmem>> -> memref<64x128xf32, #tpu.memory_space<vmem>>
    %dma_wait3A_705 = arith.constant 0 : i32
    %dma_wait3A_706 = tpu.memref_slice %arg4[%add3A_701, %dma_wait3A_705] : memref<819200x128xf32, #tpu.memory_space<hbm>> -> memref<64x128xf32, #tpu.memory_space<hbm>>
    %dma_wait3A_707 = arith.constant 0 : i32
    %dma_wait3A_708 = tpu.memref_slice %arg4[%add3A_701, %dma_wait3A_707] : memref<819200x128xf32, #tpu.memory_space<hbm>> -> memref<64x128xf32, #tpu.memory_space<hbm>>
    %dma_wait3A_709 = arith.constant 320 : i32
    %dma_wait3A_710 = arith.constant 0 : i32
    %dma_wait3A_711 = tpu.memref_slice %arg7[%dma_wait3A_709, %dma_wait3A_710] : memref<640x128xf32, #tpu.memory_space<vmem>> -> memref<64x128xf32, #tpu.memory_space<vmem>>
    tpu.wait_dma2 semaphore(%arg24 : memref<!tpu.dma_semaphore, #tpu.memory_space<semaphore_mem>>) src(%dma_wait3A_711 : memref<64x128xf32, #tpu.memory_space<vmem>>) dst(%dma_wait3A_708 : memref<64x128xf32, #tpu.memory_space<hbm>>)
    %add3A_712 = arith.constant 25280 : i32
    %add3A_713 = arith.addi %mul3A_2, %add3A_712 : i32
    %dma_wait3A_714 = arith.constant 320 : i32
    %dma_wait3A_715 = tpu.memref_slice %arg6[%dma_wait3A_714] : memref<640xi32, #tpu.memory_space<vmem>> -> memref<64xi32, #tpu.memory_space<vmem>>
    %dma_wait3A_716 = tpu.memref_slice %arg3[%add3A_713] : memref<819200xi32, #tpu.memory_space<hbm>> -> memref<64xi32, #tpu.memory_space<hbm>>
    %dma_wait3A_717 = arith.constant 320 : i32
    %dma_wait3A_718 = tpu.memref_slice %arg6[%dma_wait3A_717] : memref<640xi32, #tpu.memory_space<vmem>> -> memref<64xi32, #tpu.memory_space<vmem>>
    %dma_wait3A_719 = tpu.memref_slice %arg3[%add3A_713] : memref<819200xi32, #tpu.memory_space<hbm>> -> memref<64xi32, #tpu.memory_space<hbm>>
    tpu.wait_dma2 semaphore(%arg8 : memref<!tpu.dma_semaphore, #tpu.memory_space<semaphore_mem>>) src(%dma_wait3A_719 : memref<64xi32, #tpu.memory_space<hbm>>) dst(%dma_wait3A_718 : memref<64xi32, #tpu.memory_space<vmem>>)
    %dma_start3A_720 = arith.constant 320 : i32
    %dma_start3A_721 = arith.constant 0 : i32
    %dma_start3A_722 = tpu.memref_slice %arg7[%dma_start3A_720, %dma_start3A_721] : memref<640x128xf32, #tpu.memory_space<vmem>> -> memref<64x128xf32, #tpu.memory_space<vmem>>
    %dma_start3A_723 = arith.constant 320 : i32
    %dma_start3A_724 = tpu.memref_slice %arg6[%dma_start3A_723] : memref<640xi32, #tpu.memory_space<vmem>> -> memref<64xi32, #tpu.memory_space<vmem>>
    %dma_start3A_725 = arith.constant 0 : i32
    %dma_start3A_726 = arith.constant 0 : i32
    %dma_start3A_727 = tpu.memref_slice %arg5[%dma_start3A_725, %dma_start3A_726] : memref<4097x128xf32, #tpu.memory_space<vmem_shared>> -> memref<4097x128xf32, #tpu.memory_space<vmem_shared>>
    tpu.enqueue_indirect_dma source(%dma_start3A_727 : memref<4097x128xf32, #tpu.memory_space<vmem_shared>>) target(%dma_start3A_722 : memref<64x128xf32, #tpu.memory_space<vmem>>) offsets(%dma_start3A_724 : memref<64xi32, #tpu.memory_space<vmem>>) semaphore(%arg14 : memref<!tpu.dma_semaphore, #tpu.memory_space<semaphore_mem>>)
    %dma_wait3A_728 = arith.constant 64 : i32
    %dma_wait3A_729 = arith.constant 0 : i32
    %dma_wait3A_730 = tpu.memref_slice %arg7[%dma_wait3A_728, %dma_wait3A_729] : memref<640x128xf32, #tpu.memory_space<vmem>> -> memref<64x128xf32, #tpu.memory_space<vmem>>
    %dma_wait3A_731 = arith.constant 64 : i32
    %dma_wait3A_732 = tpu.memref_slice %arg6[%dma_wait3A_731] : memref<640xi32, #tpu.memory_space<vmem>> -> memref<64xi32, #tpu.memory_space<vmem>>
    %dma_wait3A_733 = arith.constant 0 : i32
    %dma_wait3A_734 = arith.constant 0 : i32
    %dma_wait3A_735 = tpu.memref_slice %arg5[%dma_wait3A_733, %dma_wait3A_734] : memref<4097x128xf32, #tpu.memory_space<vmem_shared>> -> memref<4097x128xf32, #tpu.memory_space<vmem_shared>>
    tpu.wait_indirect_dma semaphore(%arg10 : memref<!tpu.dma_semaphore, #tpu.memory_space<semaphore_mem>>) src(%dma_wait3A_735 : memref<4097x128xf32, #tpu.memory_space<vmem_shared>>) dst(%dma_wait3A_730 : memref<64x128xf32, #tpu.memory_space<vmem>>)
    %add3A_736 = arith.constant 25024 : i32
    %add3A_737 = arith.addi %mul3A_2, %add3A_736 : i32
    %dma_start3A_738 = arith.constant 64 : i32
    %dma_start3A_739 = arith.constant 0 : i32
    %dma_start3A_740 = tpu.memref_slice %arg7[%dma_start3A_738, %dma_start3A_739] : memref<640x128xf32, #tpu.memory_space<vmem>> -> memref<64x128xf32, #tpu.memory_space<vmem>>
    %dma_start3A_741 = arith.constant 0 : i32
    %dma_start3A_742 = tpu.memref_slice %arg4[%add3A_737, %dma_start3A_741] : memref<819200x128xf32, #tpu.memory_space<hbm>> -> memref<64x128xf32, #tpu.memory_space<hbm>>
    %dma_start3A_743 = arith.constant 0 : i32
    %dma_start3A_744 = tpu.memref_slice %arg4[%add3A_737, %dma_start3A_743] : memref<819200x128xf32, #tpu.memory_space<hbm>> -> memref<64x128xf32, #tpu.memory_space<hbm>>
    %dma_start3A_745 = arith.constant 64 : i32
    %dma_start3A_746 = arith.constant 0 : i32
    %dma_start3A_747 = tpu.memref_slice %arg7[%dma_start3A_745, %dma_start3A_746] : memref<640x128xf32, #tpu.memory_space<vmem>> -> memref<64x128xf32, #tpu.memory_space<vmem>>
    tpu.enqueue_dma source(%dma_start3A_747 : memref<64x128xf32, #tpu.memory_space<vmem>>) target(%dma_start3A_744 : memref<64x128xf32, #tpu.memory_space<hbm>>) target_semaphore(%arg20 : memref<!tpu.dma_semaphore, #tpu.memory_space<semaphore_mem>>)
    %add3A_748 = arith.constant 24704 : i32
    %add3A_749 = arith.addi %mul3A_2, %add3A_748 : i32
    %dma_wait3A_750 = arith.constant 384 : i32
    %dma_wait3A_751 = arith.constant 0 : i32
    %dma_wait3A_752 = tpu.memref_slice %arg7[%dma_wait3A_750, %dma_wait3A_751] : memref<640x128xf32, #tpu.memory_space<vmem>> -> memref<64x128xf32, #tpu.memory_space<vmem>>
    %dma_wait3A_753 = arith.constant 0 : i32
    %dma_wait3A_754 = tpu.memref_slice %arg4[%add3A_749, %dma_wait3A_753] : memref<819200x128xf32, #tpu.memory_space<hbm>> -> memref<64x128xf32, #tpu.memory_space<hbm>>
    %dma_wait3A_755 = arith.constant 0 : i32
    %dma_wait3A_756 = tpu.memref_slice %arg4[%add3A_749, %dma_wait3A_755] : memref<819200x128xf32, #tpu.memory_space<hbm>> -> memref<64x128xf32, #tpu.memory_space<hbm>>
    %dma_wait3A_757 = arith.constant 384 : i32
    %dma_wait3A_758 = arith.constant 0 : i32
    %dma_wait3A_759 = tpu.memref_slice %arg7[%dma_wait3A_757, %dma_wait3A_758] : memref<640x128xf32, #tpu.memory_space<vmem>> -> memref<64x128xf32, #tpu.memory_space<vmem>>
    tpu.wait_dma2 semaphore(%arg25 : memref<!tpu.dma_semaphore, #tpu.memory_space<semaphore_mem>>) src(%dma_wait3A_759 : memref<64x128xf32, #tpu.memory_space<vmem>>) dst(%dma_wait3A_756 : memref<64x128xf32, #tpu.memory_space<hbm>>)
    %add3A_760 = arith.constant 25344 : i32
    %add3A_761 = arith.addi %mul3A_2, %add3A_760 : i32
    %dma_wait3A_762 = arith.constant 384 : i32
    %dma_wait3A_763 = tpu.memref_slice %arg6[%dma_wait3A_762] : memref<640xi32, #tpu.memory_space<vmem>> -> memref<64xi32, #tpu.memory_space<vmem>>
    %dma_wait3A_764 = tpu.memref_slice %arg3[%add3A_761] : memref<819200xi32, #tpu.memory_space<hbm>> -> memref<64xi32, #tpu.memory_space<hbm>>
    %dma_wait3A_765 = arith.constant 384 : i32
    %dma_wait3A_766 = tpu.memref_slice %arg6[%dma_wait3A_765] : memref<640xi32, #tpu.memory_space<vmem>> -> memref<64xi32, #tpu.memory_space<vmem>>
    %dma_wait3A_767 = tpu.memref_slice %arg3[%add3A_761] : memref<819200xi32, #tpu.memory_space<hbm>> -> memref<64xi32, #tpu.memory_space<hbm>>
    tpu.wait_dma2 semaphore(%arg8 : memref<!tpu.dma_semaphore, #tpu.memory_space<semaphore_mem>>) src(%dma_wait3A_767 : memref<64xi32, #tpu.memory_space<hbm>>) dst(%dma_wait3A_766 : memref<64xi32, #tpu.memory_space<vmem>>)
    %dma_start3A_768 = arith.constant 384 : i32
    %dma_start3A_769 = arith.constant 0 : i32
    %dma_start3A_770 = tpu.memref_slice %arg7[%dma_start3A_768, %dma_start3A_769] : memref<640x128xf32, #tpu.memory_space<vmem>> -> memref<64x128xf32, #tpu.memory_space<vmem>>
    %dma_start3A_771 = arith.constant 384 : i32
    %dma_start3A_772 = tpu.memref_slice %arg6[%dma_start3A_771] : memref<640xi32, #tpu.memory_space<vmem>> -> memref<64xi32, #tpu.memory_space<vmem>>
    %dma_start3A_773 = arith.constant 0 : i32
    %dma_start3A_774 = arith.constant 0 : i32
    %dma_start3A_775 = tpu.memref_slice %arg5[%dma_start3A_773, %dma_start3A_774] : memref<4097x128xf32, #tpu.memory_space<vmem_shared>> -> memref<4097x128xf32, #tpu.memory_space<vmem_shared>>
    tpu.enqueue_indirect_dma source(%dma_start3A_775 : memref<4097x128xf32, #tpu.memory_space<vmem_shared>>) target(%dma_start3A_770 : memref<64x128xf32, #tpu.memory_space<vmem>>) offsets(%dma_start3A_772 : memref<64xi32, #tpu.memory_space<vmem>>) semaphore(%arg15 : memref<!tpu.dma_semaphore, #tpu.memory_space<semaphore_mem>>)
    %dma_wait3A_776 = arith.constant 128 : i32
    %dma_wait3A_777 = arith.constant 0 : i32
    %dma_wait3A_778 = tpu.memref_slice %arg7[%dma_wait3A_776, %dma_wait3A_777] : memref<640x128xf32, #tpu.memory_space<vmem>> -> memref<64x128xf32, #tpu.memory_space<vmem>>
    %dma_wait3A_779 = arith.constant 128 : i32
    %dma_wait3A_780 = tpu.memref_slice %arg6[%dma_wait3A_779] : memref<640xi32, #tpu.memory_space<vmem>> -> memref<64xi32, #tpu.memory_space<vmem>>
    %dma_wait3A_781 = arith.constant 0 : i32
    %dma_wait3A_782 = arith.constant 0 : i32
    %dma_wait3A_783 = tpu.memref_slice %arg5[%dma_wait3A_781, %dma_wait3A_782] : memref<4097x128xf32, #tpu.memory_space<vmem_shared>> -> memref<4097x128xf32, #tpu.memory_space<vmem_shared>>
    tpu.wait_indirect_dma semaphore(%arg11 : memref<!tpu.dma_semaphore, #tpu.memory_space<semaphore_mem>>) src(%dma_wait3A_783 : memref<4097x128xf32, #tpu.memory_space<vmem_shared>>) dst(%dma_wait3A_778 : memref<64x128xf32, #tpu.memory_space<vmem>>)
    %add3A_784 = arith.constant 25088 : i32
    %add3A_785 = arith.addi %mul3A_2, %add3A_784 : i32
    %dma_start3A_786 = arith.constant 128 : i32
    %dma_start3A_787 = arith.constant 0 : i32
    %dma_start3A_788 = tpu.memref_slice %arg7[%dma_start3A_786, %dma_start3A_787] : memref<640x128xf32, #tpu.memory_space<vmem>> -> memref<64x128xf32, #tpu.memory_space<vmem>>
    %dma_start3A_789 = arith.constant 0 : i32
    %dma_start3A_790 = tpu.memref_slice %arg4[%add3A_785, %dma_start3A_789] : memref<819200x128xf32, #tpu.memory_space<hbm>> -> memref<64x128xf32, #tpu.memory_space<hbm>>
    %dma_start3A_791 = arith.constant 0 : i32
    %dma_start3A_792 = tpu.memref_slice %arg4[%add3A_785, %dma_start3A_791] : memref<819200x128xf32, #tpu.memory_space<hbm>> -> memref<64x128xf32, #tpu.memory_space<hbm>>
    %dma_start3A_793 = arith.constant 128 : i32
    %dma_start3A_794 = arith.constant 0 : i32
    %dma_start3A_795 = tpu.memref_slice %arg7[%dma_start3A_793, %dma_start3A_794] : memref<640x128xf32, #tpu.memory_space<vmem>> -> memref<64x128xf32, #tpu.memory_space<vmem>>
    tpu.enqueue_dma source(%dma_start3A_795 : memref<64x128xf32, #tpu.memory_space<vmem>>) target(%dma_start3A_792 : memref<64x128xf32, #tpu.memory_space<hbm>>) target_semaphore(%arg21 : memref<!tpu.dma_semaphore, #tpu.memory_space<semaphore_mem>>)
    %add3A_796 = arith.constant 24768 : i32
    %add3A_797 = arith.addi %mul3A_2, %add3A_796 : i32
    %dma_wait3A_798 = arith.constant 448 : i32
    %dma_wait3A_799 = arith.constant 0 : i32
    %dma_wait3A_800 = tpu.memref_slice %arg7[%dma_wait3A_798, %dma_wait3A_799] : memref<640x128xf32, #tpu.memory_space<vmem>> -> memref<64x128xf32, #tpu.memory_space<vmem>>
    %dma_wait3A_801 = arith.constant 0 : i32
    %dma_wait3A_802 = tpu.memref_slice %arg4[%add3A_797, %dma_wait3A_801] : memref<819200x128xf32, #tpu.memory_space<hbm>> -> memref<64x128xf32, #tpu.memory_space<hbm>>
    %dma_wait3A_803 = arith.constant 0 : i32
    %dma_wait3A_804 = tpu.memref_slice %arg4[%add3A_797, %dma_wait3A_803] : memref<819200x128xf32, #tpu.memory_space<hbm>> -> memref<64x128xf32, #tpu.memory_space<hbm>>
    %dma_wait3A_805 = arith.constant 448 : i32
    %dma_wait3A_806 = arith.constant 0 : i32
    %dma_wait3A_807 = tpu.memref_slice %arg7[%dma_wait3A_805, %dma_wait3A_806] : memref<640x128xf32, #tpu.memory_space<vmem>> -> memref<64x128xf32, #tpu.memory_space<vmem>>
    tpu.wait_dma2 semaphore(%arg26 : memref<!tpu.dma_semaphore, #tpu.memory_space<semaphore_mem>>) src(%dma_wait3A_807 : memref<64x128xf32, #tpu.memory_space<vmem>>) dst(%dma_wait3A_804 : memref<64x128xf32, #tpu.memory_space<hbm>>)
    %add3A_808 = arith.constant 25408 : i32
    %add3A_809 = arith.addi %mul3A_2, %add3A_808 : i32
    %dma_wait3A_810 = arith.constant 448 : i32
    %dma_wait3A_811 = tpu.memref_slice %arg6[%dma_wait3A_810] : memref<640xi32, #tpu.memory_space<vmem>> -> memref<64xi32, #tpu.memory_space<vmem>>
    %dma_wait3A_812 = tpu.memref_slice %arg3[%add3A_809] : memref<819200xi32, #tpu.memory_space<hbm>> -> memref<64xi32, #tpu.memory_space<hbm>>
    %dma_wait3A_813 = arith.constant 448 : i32
    %dma_wait3A_814 = tpu.memref_slice %arg6[%dma_wait3A_813] : memref<640xi32, #tpu.memory_space<vmem>> -> memref<64xi32, #tpu.memory_space<vmem>>
    %dma_wait3A_815 = tpu.memref_slice %arg3[%add3A_809] : memref<819200xi32, #tpu.memory_space<hbm>> -> memref<64xi32, #tpu.memory_space<hbm>>
    tpu.wait_dma2 semaphore(%arg8 : memref<!tpu.dma_semaphore, #tpu.memory_space<semaphore_mem>>) src(%dma_wait3A_815 : memref<64xi32, #tpu.memory_space<hbm>>) dst(%dma_wait3A_814 : memref<64xi32, #tpu.memory_space<vmem>>)
    %dma_start3A_816 = arith.constant 448 : i32
    %dma_start3A_817 = arith.constant 0 : i32
    %dma_start3A_818 = tpu.memref_slice %arg7[%dma_start3A_816, %dma_start3A_817] : memref<640x128xf32, #tpu.memory_space<vmem>> -> memref<64x128xf32, #tpu.memory_space<vmem>>
    %dma_start3A_819 = arith.constant 448 : i32
    %dma_start3A_820 = tpu.memref_slice %arg6[%dma_start3A_819] : memref<640xi32, #tpu.memory_space<vmem>> -> memref<64xi32, #tpu.memory_space<vmem>>
    %dma_start3A_821 = arith.constant 0 : i32
    %dma_start3A_822 = arith.constant 0 : i32
    %dma_start3A_823 = tpu.memref_slice %arg5[%dma_start3A_821, %dma_start3A_822] : memref<4097x128xf32, #tpu.memory_space<vmem_shared>> -> memref<4097x128xf32, #tpu.memory_space<vmem_shared>>
    tpu.enqueue_indirect_dma source(%dma_start3A_823 : memref<4097x128xf32, #tpu.memory_space<vmem_shared>>) target(%dma_start3A_818 : memref<64x128xf32, #tpu.memory_space<vmem>>) offsets(%dma_start3A_820 : memref<64xi32, #tpu.memory_space<vmem>>) semaphore(%arg16 : memref<!tpu.dma_semaphore, #tpu.memory_space<semaphore_mem>>)
    %dma_wait3A_824 = arith.constant 192 : i32
    %dma_wait3A_825 = arith.constant 0 : i32
    %dma_wait3A_826 = tpu.memref_slice %arg7[%dma_wait3A_824, %dma_wait3A_825] : memref<640x128xf32, #tpu.memory_space<vmem>> -> memref<64x128xf32, #tpu.memory_space<vmem>>
    %dma_wait3A_827 = arith.constant 192 : i32
    %dma_wait3A_828 = tpu.memref_slice %arg6[%dma_wait3A_827] : memref<640xi32, #tpu.memory_space<vmem>> -> memref<64xi32, #tpu.memory_space<vmem>>
    %dma_wait3A_829 = arith.constant 0 : i32
    %dma_wait3A_830 = arith.constant 0 : i32
    %dma_wait3A_831 = tpu.memref_slice %arg5[%dma_wait3A_829, %dma_wait3A_830] : memref<4097x128xf32, #tpu.memory_space<vmem_shared>> -> memref<4097x128xf32, #tpu.memory_space<vmem_shared>>
    tpu.wait_indirect_dma semaphore(%arg12 : memref<!tpu.dma_semaphore, #tpu.memory_space<semaphore_mem>>) src(%dma_wait3A_831 : memref<4097x128xf32, #tpu.memory_space<vmem_shared>>) dst(%dma_wait3A_826 : memref<64x128xf32, #tpu.memory_space<vmem>>)
    %add3A_832 = arith.constant 25152 : i32
    %add3A_833 = arith.addi %mul3A_2, %add3A_832 : i32
    %dma_start3A_834 = arith.constant 192 : i32
    %dma_start3A_835 = arith.constant 0 : i32
    %dma_start3A_836 = tpu.memref_slice %arg7[%dma_start3A_834, %dma_start3A_835] : memref<640x128xf32, #tpu.memory_space<vmem>> -> memref<64x128xf32, #tpu.memory_space<vmem>>
    %dma_start3A_837 = arith.constant 0 : i32
    %dma_start3A_838 = tpu.memref_slice %arg4[%add3A_833, %dma_start3A_837] : memref<819200x128xf32, #tpu.memory_space<hbm>> -> memref<64x128xf32, #tpu.memory_space<hbm>>
    %dma_start3A_839 = arith.constant 0 : i32
    %dma_start3A_840 = tpu.memref_slice %arg4[%add3A_833, %dma_start3A_839] : memref<819200x128xf32, #tpu.memory_space<hbm>> -> memref<64x128xf32, #tpu.memory_space<hbm>>
    %dma_start3A_841 = arith.constant 192 : i32
    %dma_start3A_842 = arith.constant 0 : i32
    %dma_start3A_843 = tpu.memref_slice %arg7[%dma_start3A_841, %dma_start3A_842] : memref<640x128xf32, #tpu.memory_space<vmem>> -> memref<64x128xf32, #tpu.memory_space<vmem>>
    tpu.enqueue_dma source(%dma_start3A_843 : memref<64x128xf32, #tpu.memory_space<vmem>>) target(%dma_start3A_840 : memref<64x128xf32, #tpu.memory_space<hbm>>) target_semaphore(%arg22 : memref<!tpu.dma_semaphore, #tpu.memory_space<semaphore_mem>>)
    %add3A_844 = arith.constant 24832 : i32
    %add3A_845 = arith.addi %mul3A_2, %add3A_844 : i32
    %dma_wait3A_846 = arith.constant 512 : i32
    %dma_wait3A_847 = arith.constant 0 : i32
    %dma_wait3A_848 = tpu.memref_slice %arg7[%dma_wait3A_846, %dma_wait3A_847] : memref<640x128xf32, #tpu.memory_space<vmem>> -> memref<64x128xf32, #tpu.memory_space<vmem>>
    %dma_wait3A_849 = arith.constant 0 : i32
    %dma_wait3A_850 = tpu.memref_slice %arg4[%add3A_845, %dma_wait3A_849] : memref<819200x128xf32, #tpu.memory_space<hbm>> -> memref<64x128xf32, #tpu.memory_space<hbm>>
    %dma_wait3A_851 = arith.constant 0 : i32
    %dma_wait3A_852 = tpu.memref_slice %arg4[%add3A_845, %dma_wait3A_851] : memref<819200x128xf32, #tpu.memory_space<hbm>> -> memref<64x128xf32, #tpu.memory_space<hbm>>
    %dma_wait3A_853 = arith.constant 512 : i32
    %dma_wait3A_854 = arith.constant 0 : i32
    %dma_wait3A_855 = tpu.memref_slice %arg7[%dma_wait3A_853, %dma_wait3A_854] : memref<640x128xf32, #tpu.memory_space<vmem>> -> memref<64x128xf32, #tpu.memory_space<vmem>>
    tpu.wait_dma2 semaphore(%arg27 : memref<!tpu.dma_semaphore, #tpu.memory_space<semaphore_mem>>) src(%dma_wait3A_855 : memref<64x128xf32, #tpu.memory_space<vmem>>) dst(%dma_wait3A_852 : memref<64x128xf32, #tpu.memory_space<hbm>>)
    %add3A_856 = arith.constant 25472 : i32
    %add3A_857 = arith.addi %mul3A_2, %add3A_856 : i32
    %dma_wait3A_858 = arith.constant 512 : i32
    %dma_wait3A_859 = tpu.memref_slice %arg6[%dma_wait3A_858] : memref<640xi32, #tpu.memory_space<vmem>> -> memref<64xi32, #tpu.memory_space<vmem>>
    %dma_wait3A_860 = tpu.memref_slice %arg3[%add3A_857] : memref<819200xi32, #tpu.memory_space<hbm>> -> memref<64xi32, #tpu.memory_space<hbm>>
    %dma_wait3A_861 = arith.constant 512 : i32
    %dma_wait3A_862 = tpu.memref_slice %arg6[%dma_wait3A_861] : memref<640xi32, #tpu.memory_space<vmem>> -> memref<64xi32, #tpu.memory_space<vmem>>
    %dma_wait3A_863 = tpu.memref_slice %arg3[%add3A_857] : memref<819200xi32, #tpu.memory_space<hbm>> -> memref<64xi32, #tpu.memory_space<hbm>>
    tpu.wait_dma2 semaphore(%arg8 : memref<!tpu.dma_semaphore, #tpu.memory_space<semaphore_mem>>) src(%dma_wait3A_863 : memref<64xi32, #tpu.memory_space<hbm>>) dst(%dma_wait3A_862 : memref<64xi32, #tpu.memory_space<vmem>>)
    %dma_start3A_864 = arith.constant 512 : i32
    %dma_start3A_865 = arith.constant 0 : i32
    %dma_start3A_866 = tpu.memref_slice %arg7[%dma_start3A_864, %dma_start3A_865] : memref<640x128xf32, #tpu.memory_space<vmem>> -> memref<64x128xf32, #tpu.memory_space<vmem>>
    %dma_start3A_867 = arith.constant 512 : i32
    %dma_start3A_868 = tpu.memref_slice %arg6[%dma_start3A_867] : memref<640xi32, #tpu.memory_space<vmem>> -> memref<64xi32, #tpu.memory_space<vmem>>
    %dma_start3A_869 = arith.constant 0 : i32
    %dma_start3A_870 = arith.constant 0 : i32
    %dma_start3A_871 = tpu.memref_slice %arg5[%dma_start3A_869, %dma_start3A_870] : memref<4097x128xf32, #tpu.memory_space<vmem_shared>> -> memref<4097x128xf32, #tpu.memory_space<vmem_shared>>
    tpu.enqueue_indirect_dma source(%dma_start3A_871 : memref<4097x128xf32, #tpu.memory_space<vmem_shared>>) target(%dma_start3A_866 : memref<64x128xf32, #tpu.memory_space<vmem>>) offsets(%dma_start3A_868 : memref<64xi32, #tpu.memory_space<vmem>>) semaphore(%arg17 : memref<!tpu.dma_semaphore, #tpu.memory_space<semaphore_mem>>)
    %dma_wait3A_872 = arith.constant 256 : i32
    %dma_wait3A_873 = arith.constant 0 : i32
    %dma_wait3A_874 = tpu.memref_slice %arg7[%dma_wait3A_872, %dma_wait3A_873] : memref<640x128xf32, #tpu.memory_space<vmem>> -> memref<64x128xf32, #tpu.memory_space<vmem>>
    %dma_wait3A_875 = arith.constant 256 : i32
    %dma_wait3A_876 = tpu.memref_slice %arg6[%dma_wait3A_875] : memref<640xi32, #tpu.memory_space<vmem>> -> memref<64xi32, #tpu.memory_space<vmem>>
    %dma_wait3A_877 = arith.constant 0 : i32
    %dma_wait3A_878 = arith.constant 0 : i32
    %dma_wait3A_879 = tpu.memref_slice %arg5[%dma_wait3A_877, %dma_wait3A_878] : memref<4097x128xf32, #tpu.memory_space<vmem_shared>> -> memref<4097x128xf32, #tpu.memory_space<vmem_shared>>
    tpu.wait_indirect_dma semaphore(%arg13 : memref<!tpu.dma_semaphore, #tpu.memory_space<semaphore_mem>>) src(%dma_wait3A_879 : memref<4097x128xf32, #tpu.memory_space<vmem_shared>>) dst(%dma_wait3A_874 : memref<64x128xf32, #tpu.memory_space<vmem>>)
    %add3A_880 = arith.constant 25216 : i32
    %add3A_881 = arith.addi %mul3A_2, %add3A_880 : i32
    %dma_start3A_882 = arith.constant 256 : i32
    %dma_start3A_883 = arith.constant 0 : i32
    %dma_start3A_884 = tpu.memref_slice %arg7[%dma_start3A_882, %dma_start3A_883] : memref<640x128xf32, #tpu.memory_space<vmem>> -> memref<64x128xf32, #tpu.memory_space<vmem>>
    %dma_start3A_885 = arith.constant 0 : i32
    %dma_start3A_886 = tpu.memref_slice %arg4[%add3A_881, %dma_start3A_885] : memref<819200x128xf32, #tpu.memory_space<hbm>> -> memref<64x128xf32, #tpu.memory_space<hbm>>
    %dma_start3A_887 = arith.constant 0 : i32
    %dma_start3A_888 = tpu.memref_slice %arg4[%add3A_881, %dma_start3A_887] : memref<819200x128xf32, #tpu.memory_space<hbm>> -> memref<64x128xf32, #tpu.memory_space<hbm>>
    %dma_start3A_889 = arith.constant 256 : i32
    %dma_start3A_890 = arith.constant 0 : i32
    %dma_start3A_891 = tpu.memref_slice %arg7[%dma_start3A_889, %dma_start3A_890] : memref<640x128xf32, #tpu.memory_space<vmem>> -> memref<64x128xf32, #tpu.memory_space<vmem>>
    tpu.enqueue_dma source(%dma_start3A_891 : memref<64x128xf32, #tpu.memory_space<vmem>>) target(%dma_start3A_888 : memref<64x128xf32, #tpu.memory_space<hbm>>) target_semaphore(%arg23 : memref<!tpu.dma_semaphore, #tpu.memory_space<semaphore_mem>>)
    %add3A_892 = arith.constant 24896 : i32
    %add3A_893 = arith.addi %mul3A_2, %add3A_892 : i32
    %dma_wait3A_894 = arith.constant 576 : i32
    %dma_wait3A_895 = arith.constant 0 : i32
    %dma_wait3A_896 = tpu.memref_slice %arg7[%dma_wait3A_894, %dma_wait3A_895] : memref<640x128xf32, #tpu.memory_space<vmem>> -> memref<64x128xf32, #tpu.memory_space<vmem>>
    %dma_wait3A_897 = arith.constant 0 : i32
    %dma_wait3A_898 = tpu.memref_slice %arg4[%add3A_893, %dma_wait3A_897] : memref<819200x128xf32, #tpu.memory_space<hbm>> -> memref<64x128xf32, #tpu.memory_space<hbm>>
    %dma_wait3A_899 = arith.constant 0 : i32
    %dma_wait3A_900 = tpu.memref_slice %arg4[%add3A_893, %dma_wait3A_899] : memref<819200x128xf32, #tpu.memory_space<hbm>> -> memref<64x128xf32, #tpu.memory_space<hbm>>
    %dma_wait3A_901 = arith.constant 576 : i32
    %dma_wait3A_902 = arith.constant 0 : i32
    %dma_wait3A_903 = tpu.memref_slice %arg7[%dma_wait3A_901, %dma_wait3A_902] : memref<640x128xf32, #tpu.memory_space<vmem>> -> memref<64x128xf32, #tpu.memory_space<vmem>>
    tpu.wait_dma2 semaphore(%arg28 : memref<!tpu.dma_semaphore, #tpu.memory_space<semaphore_mem>>) src(%dma_wait3A_903 : memref<64x128xf32, #tpu.memory_space<vmem>>) dst(%dma_wait3A_900 : memref<64x128xf32, #tpu.memory_space<hbm>>)
    %add3A_904 = arith.constant 25536 : i32
    %add3A_905 = arith.addi %mul3A_2, %add3A_904 : i32
    %dma_wait3A_906 = arith.constant 576 : i32
    %dma_wait3A_907 = tpu.memref_slice %arg6[%dma_wait3A_906] : memref<640xi32, #tpu.memory_space<vmem>> -> memref<64xi32, #tpu.memory_space<vmem>>
    %dma_wait3A_908 = tpu.memref_slice %arg3[%add3A_905] : memref<819200xi32, #tpu.memory_space<hbm>> -> memref<64xi32, #tpu.memory_space<hbm>>
    %dma_wait3A_909 = arith.constant 576 : i32
    %dma_wait3A_910 = tpu.memref_slice %arg6[%dma_wait3A_909] : memref<640xi32, #tpu.memory_space<vmem>> -> memref<64xi32, #tpu.memory_space<vmem>>
    %dma_wait3A_911 = tpu.memref_slice %arg3[%add3A_905] : memref<819200xi32, #tpu.memory_space<hbm>> -> memref<64xi32, #tpu.memory_space<hbm>>
    tpu.wait_dma2 semaphore(%arg8 : memref<!tpu.dma_semaphore, #tpu.memory_space<semaphore_mem>>) src(%dma_wait3A_911 : memref<64xi32, #tpu.memory_space<hbm>>) dst(%dma_wait3A_910 : memref<64xi32, #tpu.memory_space<vmem>>)
    %dma_start3A_912 = arith.constant 576 : i32
    %dma_start3A_913 = arith.constant 0 : i32
    %dma_start3A_914 = tpu.memref_slice %arg7[%dma_start3A_912, %dma_start3A_913] : memref<640x128xf32, #tpu.memory_space<vmem>> -> memref<64x128xf32, #tpu.memory_space<vmem>>
    %dma_start3A_915 = arith.constant 576 : i32
    %dma_start3A_916 = tpu.memref_slice %arg6[%dma_start3A_915] : memref<640xi32, #tpu.memory_space<vmem>> -> memref<64xi32, #tpu.memory_space<vmem>>
    %dma_start3A_917 = arith.constant 0 : i32
    %dma_start3A_918 = arith.constant 0 : i32
    %dma_start3A_919 = tpu.memref_slice %arg5[%dma_start3A_917, %dma_start3A_918] : memref<4097x128xf32, #tpu.memory_space<vmem_shared>> -> memref<4097x128xf32, #tpu.memory_space<vmem_shared>>
    tpu.enqueue_indirect_dma source(%dma_start3A_919 : memref<4097x128xf32, #tpu.memory_space<vmem_shared>>) target(%dma_start3A_914 : memref<64x128xf32, #tpu.memory_space<vmem>>) offsets(%dma_start3A_916 : memref<64xi32, #tpu.memory_space<vmem>>) semaphore(%arg18 : memref<!tpu.dma_semaphore, #tpu.memory_space<semaphore_mem>>)
    %dma_wait3A_920 = arith.constant 320 : i32
    %dma_wait3A_921 = arith.constant 0 : i32
    %dma_wait3A_922 = tpu.memref_slice %arg7[%dma_wait3A_920, %dma_wait3A_921] : memref<640x128xf32, #tpu.memory_space<vmem>> -> memref<64x128xf32, #tpu.memory_space<vmem>>
    %dma_wait3A_923 = arith.constant 320 : i32
    %dma_wait3A_924 = tpu.memref_slice %arg6[%dma_wait3A_923] : memref<640xi32, #tpu.memory_space<vmem>> -> memref<64xi32, #tpu.memory_space<vmem>>
    %dma_wait3A_925 = arith.constant 0 : i32
    %dma_wait3A_926 = arith.constant 0 : i32
    %dma_wait3A_927 = tpu.memref_slice %arg5[%dma_wait3A_925, %dma_wait3A_926] : memref<4097x128xf32, #tpu.memory_space<vmem_shared>> -> memref<4097x128xf32, #tpu.memory_space<vmem_shared>>
    tpu.wait_indirect_dma semaphore(%arg14 : memref<!tpu.dma_semaphore, #tpu.memory_space<semaphore_mem>>) src(%dma_wait3A_927 : memref<4097x128xf32, #tpu.memory_space<vmem_shared>>) dst(%dma_wait3A_922 : memref<64x128xf32, #tpu.memory_space<vmem>>)
    %add3A_928 = arith.constant 25280 : i32
    %add3A_929 = arith.addi %mul3A_2, %add3A_928 : i32
    %dma_start3A_930 = arith.constant 320 : i32
    %dma_start3A_931 = arith.constant 0 : i32
    %dma_start3A_932 = tpu.memref_slice %arg7[%dma_start3A_930, %dma_start3A_931] : memref<640x128xf32, #tpu.memory_space<vmem>> -> memref<64x128xf32, #tpu.memory_space<vmem>>
    %dma_start3A_933 = arith.constant 0 : i32
    %dma_start3A_934 = tpu.memref_slice %arg4[%add3A_929, %dma_start3A_933] : memref<819200x128xf32, #tpu.memory_space<hbm>> -> memref<64x128xf32, #tpu.memory_space<hbm>>
    %dma_start3A_935 = arith.constant 0 : i32
    %dma_start3A_936 = tpu.memref_slice %arg4[%add3A_929, %dma_start3A_935] : memref<819200x128xf32, #tpu.memory_space<hbm>> -> memref<64x128xf32, #tpu.memory_space<hbm>>
    %dma_start3A_937 = arith.constant 320 : i32
    %dma_start3A_938 = arith.constant 0 : i32
    %dma_start3A_939 = tpu.memref_slice %arg7[%dma_start3A_937, %dma_start3A_938] : memref<640x128xf32, #tpu.memory_space<vmem>> -> memref<64x128xf32, #tpu.memory_space<vmem>>
    tpu.enqueue_dma source(%dma_start3A_939 : memref<64x128xf32, #tpu.memory_space<vmem>>) target(%dma_start3A_936 : memref<64x128xf32, #tpu.memory_space<hbm>>) target_semaphore(%arg24 : memref<!tpu.dma_semaphore, #tpu.memory_space<semaphore_mem>>)
    %add3A_940 = arith.constant 24960 : i32
    %add3A_941 = arith.addi %mul3A_2, %add3A_940 : i32
    %dma_wait3A_942 = arith.constant 0 : i32
    %dma_wait3A_943 = arith.constant 0 : i32
    %dma_wait3A_944 = tpu.memref_slice %arg7[%dma_wait3A_942, %dma_wait3A_943] : memref<640x128xf32, #tpu.memory_space<vmem>> -> memref<64x128xf32, #tpu.memory_space<vmem>>
    %dma_wait3A_945 = arith.constant 0 : i32
    %dma_wait3A_946 = tpu.memref_slice %arg4[%add3A_941, %dma_wait3A_945] : memref<819200x128xf32, #tpu.memory_space<hbm>> -> memref<64x128xf32, #tpu.memory_space<hbm>>
    %dma_wait3A_947 = arith.constant 0 : i32
    %dma_wait3A_948 = tpu.memref_slice %arg4[%add3A_941, %dma_wait3A_947] : memref<819200x128xf32, #tpu.memory_space<hbm>> -> memref<64x128xf32, #tpu.memory_space<hbm>>
    %dma_wait3A_949 = arith.constant 0 : i32
    %dma_wait3A_950 = arith.constant 0 : i32
    %dma_wait3A_951 = tpu.memref_slice %arg7[%dma_wait3A_949, %dma_wait3A_950] : memref<640x128xf32, #tpu.memory_space<vmem>> -> memref<64x128xf32, #tpu.memory_space<vmem>>
    tpu.wait_dma2 semaphore(%arg19 : memref<!tpu.dma_semaphore, #tpu.memory_space<semaphore_mem>>) src(%dma_wait3A_951 : memref<64x128xf32, #tpu.memory_space<vmem>>) dst(%dma_wait3A_948 : memref<64x128xf32, #tpu.memory_space<hbm>>)
    %dma_wait3A_952 = arith.constant 384 : i32
    %dma_wait3A_953 = arith.constant 0 : i32
    %dma_wait3A_954 = tpu.memref_slice %arg7[%dma_wait3A_952, %dma_wait3A_953] : memref<640x128xf32, #tpu.memory_space<vmem>> -> memref<64x128xf32, #tpu.memory_space<vmem>>
    %dma_wait3A_955 = arith.constant 384 : i32
    %dma_wait3A_956 = tpu.memref_slice %arg6[%dma_wait3A_955] : memref<640xi32, #tpu.memory_space<vmem>> -> memref<64xi32, #tpu.memory_space<vmem>>
    %dma_wait3A_957 = arith.constant 0 : i32
    %dma_wait3A_958 = arith.constant 0 : i32
    %dma_wait3A_959 = tpu.memref_slice %arg5[%dma_wait3A_957, %dma_wait3A_958] : memref<4097x128xf32, #tpu.memory_space<vmem_shared>> -> memref<4097x128xf32, #tpu.memory_space<vmem_shared>>
    tpu.wait_indirect_dma semaphore(%arg15 : memref<!tpu.dma_semaphore, #tpu.memory_space<semaphore_mem>>) src(%dma_wait3A_959 : memref<4097x128xf32, #tpu.memory_space<vmem_shared>>) dst(%dma_wait3A_954 : memref<64x128xf32, #tpu.memory_space<vmem>>)
    %add3A_960 = arith.constant 25344 : i32
    %add3A_961 = arith.addi %mul3A_2, %add3A_960 : i32
    %dma_start3A_962 = arith.constant 384 : i32
    %dma_start3A_963 = arith.constant 0 : i32
    %dma_start3A_964 = tpu.memref_slice %arg7[%dma_start3A_962, %dma_start3A_963] : memref<640x128xf32, #tpu.memory_space<vmem>> -> memref<64x128xf32, #tpu.memory_space<vmem>>
    %dma_start3A_965 = arith.constant 0 : i32
    %dma_start3A_966 = tpu.memref_slice %arg4[%add3A_961, %dma_start3A_965] : memref<819200x128xf32, #tpu.memory_space<hbm>> -> memref<64x128xf32, #tpu.memory_space<hbm>>
    %dma_start3A_967 = arith.constant 0 : i32
    %dma_start3A_968 = tpu.memref_slice %arg4[%add3A_961, %dma_start3A_967] : memref<819200x128xf32, #tpu.memory_space<hbm>> -> memref<64x128xf32, #tpu.memory_space<hbm>>
    %dma_start3A_969 = arith.constant 384 : i32
    %dma_start3A_970 = arith.constant 0 : i32
    %dma_start3A_971 = tpu.memref_slice %arg7[%dma_start3A_969, %dma_start3A_970] : memref<640x128xf32, #tpu.memory_space<vmem>> -> memref<64x128xf32, #tpu.memory_space<vmem>>
    tpu.enqueue_dma source(%dma_start3A_971 : memref<64x128xf32, #tpu.memory_space<vmem>>) target(%dma_start3A_968 : memref<64x128xf32, #tpu.memory_space<hbm>>) target_semaphore(%arg25 : memref<!tpu.dma_semaphore, #tpu.memory_space<semaphore_mem>>)
    %add3A_972 = arith.constant 25024 : i32
    %add3A_973 = arith.addi %mul3A_2, %add3A_972 : i32
    %dma_wait3A_974 = arith.constant 64 : i32
    %dma_wait3A_975 = arith.constant 0 : i32
    %dma_wait3A_976 = tpu.memref_slice %arg7[%dma_wait3A_974, %dma_wait3A_975] : memref<640x128xf32, #tpu.memory_space<vmem>> -> memref<64x128xf32, #tpu.memory_space<vmem>>
    %dma_wait3A_977 = arith.constant 0 : i32
    %dma_wait3A_978 = tpu.memref_slice %arg4[%add3A_973, %dma_wait3A_977] : memref<819200x128xf32, #tpu.memory_space<hbm>> -> memref<64x128xf32, #tpu.memory_space<hbm>>
    %dma_wait3A_979 = arith.constant 0 : i32
    %dma_wait3A_980 = tpu.memref_slice %arg4[%add3A_973, %dma_wait3A_979] : memref<819200x128xf32, #tpu.memory_space<hbm>> -> memref<64x128xf32, #tpu.memory_space<hbm>>
    %dma_wait3A_981 = arith.constant 64 : i32
    %dma_wait3A_982 = arith.constant 0 : i32
    %dma_wait3A_983 = tpu.memref_slice %arg7[%dma_wait3A_981, %dma_wait3A_982] : memref<640x128xf32, #tpu.memory_space<vmem>> -> memref<64x128xf32, #tpu.memory_space<vmem>>
    tpu.wait_dma2 semaphore(%arg20 : memref<!tpu.dma_semaphore, #tpu.memory_space<semaphore_mem>>) src(%dma_wait3A_983 : memref<64x128xf32, #tpu.memory_space<vmem>>) dst(%dma_wait3A_980 : memref<64x128xf32, #tpu.memory_space<hbm>>)
    %dma_wait3A_984 = arith.constant 448 : i32
    %dma_wait3A_985 = arith.constant 0 : i32
    %dma_wait3A_986 = tpu.memref_slice %arg7[%dma_wait3A_984, %dma_wait3A_985] : memref<640x128xf32, #tpu.memory_space<vmem>> -> memref<64x128xf32, #tpu.memory_space<vmem>>
    %dma_wait3A_987 = arith.constant 448 : i32
    %dma_wait3A_988 = tpu.memref_slice %arg6[%dma_wait3A_987] : memref<640xi32, #tpu.memory_space<vmem>> -> memref<64xi32, #tpu.memory_space<vmem>>
    %dma_wait3A_989 = arith.constant 0 : i32
    %dma_wait3A_990 = arith.constant 0 : i32
    %dma_wait3A_991 = tpu.memref_slice %arg5[%dma_wait3A_989, %dma_wait3A_990] : memref<4097x128xf32, #tpu.memory_space<vmem_shared>> -> memref<4097x128xf32, #tpu.memory_space<vmem_shared>>
    tpu.wait_indirect_dma semaphore(%arg16 : memref<!tpu.dma_semaphore, #tpu.memory_space<semaphore_mem>>) src(%dma_wait3A_991 : memref<4097x128xf32, #tpu.memory_space<vmem_shared>>) dst(%dma_wait3A_986 : memref<64x128xf32, #tpu.memory_space<vmem>>)
    %add3A_992 = arith.constant 25408 : i32
    %add3A_993 = arith.addi %mul3A_2, %add3A_992 : i32
    %dma_start3A_994 = arith.constant 448 : i32
    %dma_start3A_995 = arith.constant 0 : i32
    %dma_start3A_996 = tpu.memref_slice %arg7[%dma_start3A_994, %dma_start3A_995] : memref<640x128xf32, #tpu.memory_space<vmem>> -> memref<64x128xf32, #tpu.memory_space<vmem>>
    %dma_start3A_997 = arith.constant 0 : i32
    %dma_start3A_998 = tpu.memref_slice %arg4[%add3A_993, %dma_start3A_997] : memref<819200x128xf32, #tpu.memory_space<hbm>> -> memref<64x128xf32, #tpu.memory_space<hbm>>
    %dma_start3A_999 = arith.constant 0 : i32
    %dma_start3A_1000 = tpu.memref_slice %arg4[%add3A_993, %dma_start3A_999] : memref<819200x128xf32, #tpu.memory_space<hbm>> -> memref<64x128xf32, #tpu.memory_space<hbm>>
    %dma_start3A_1001 = arith.constant 448 : i32
    %dma_start3A_1002 = arith.constant 0 : i32
    %dma_start3A_1003 = tpu.memref_slice %arg7[%dma_start3A_1001, %dma_start3A_1002] : memref<640x128xf32, #tpu.memory_space<vmem>> -> memref<64x128xf32, #tpu.memory_space<vmem>>
    tpu.enqueue_dma source(%dma_start3A_1003 : memref<64x128xf32, #tpu.memory_space<vmem>>) target(%dma_start3A_1000 : memref<64x128xf32, #tpu.memory_space<hbm>>) target_semaphore(%arg26 : memref<!tpu.dma_semaphore, #tpu.memory_space<semaphore_mem>>)
    %add3A_1004 = arith.constant 25088 : i32
    %add3A_1005 = arith.addi %mul3A_2, %add3A_1004 : i32
    %dma_wait3A_1006 = arith.constant 128 : i32
    %dma_wait3A_1007 = arith.constant 0 : i32
    %dma_wait3A_1008 = tpu.memref_slice %arg7[%dma_wait3A_1006, %dma_wait3A_1007] : memref<640x128xf32, #tpu.memory_space<vmem>> -> memref<64x128xf32, #tpu.memory_space<vmem>>
    %dma_wait3A_1009 = arith.constant 0 : i32
    %dma_wait3A_1010 = tpu.memref_slice %arg4[%add3A_1005, %dma_wait3A_1009] : memref<819200x128xf32, #tpu.memory_space<hbm>> -> memref<64x128xf32, #tpu.memory_space<hbm>>
    %dma_wait3A_1011 = arith.constant 0 : i32
    %dma_wait3A_1012 = tpu.memref_slice %arg4[%add3A_1005, %dma_wait3A_1011] : memref<819200x128xf32, #tpu.memory_space<hbm>> -> memref<64x128xf32, #tpu.memory_space<hbm>>
    %dma_wait3A_1013 = arith.constant 128 : i32
    %dma_wait3A_1014 = arith.constant 0 : i32
    %dma_wait3A_1015 = tpu.memref_slice %arg7[%dma_wait3A_1013, %dma_wait3A_1014] : memref<640x128xf32, #tpu.memory_space<vmem>> -> memref<64x128xf32, #tpu.memory_space<vmem>>
    tpu.wait_dma2 semaphore(%arg21 : memref<!tpu.dma_semaphore, #tpu.memory_space<semaphore_mem>>) src(%dma_wait3A_1015 : memref<64x128xf32, #tpu.memory_space<vmem>>) dst(%dma_wait3A_1012 : memref<64x128xf32, #tpu.memory_space<hbm>>)
    %dma_wait3A_1016 = arith.constant 512 : i32
    %dma_wait3A_1017 = arith.constant 0 : i32
    %dma_wait3A_1018 = tpu.memref_slice %arg7[%dma_wait3A_1016, %dma_wait3A_1017] : memref<640x128xf32, #tpu.memory_space<vmem>> -> memref<64x128xf32, #tpu.memory_space<vmem>>
    %dma_wait3A_1019 = arith.constant 512 : i32
    %dma_wait3A_1020 = tpu.memref_slice %arg6[%dma_wait3A_1019] : memref<640xi32, #tpu.memory_space<vmem>> -> memref<64xi32, #tpu.memory_space<vmem>>
    %dma_wait3A_1021 = arith.constant 0 : i32
    %dma_wait3A_1022 = arith.constant 0 : i32
    %dma_wait3A_1023 = tpu.memref_slice %arg5[%dma_wait3A_1021, %dma_wait3A_1022] : memref<4097x128xf32, #tpu.memory_space<vmem_shared>> -> memref<4097x128xf32, #tpu.memory_space<vmem_shared>>
    tpu.wait_indirect_dma semaphore(%arg17 : memref<!tpu.dma_semaphore, #tpu.memory_space<semaphore_mem>>) src(%dma_wait3A_1023 : memref<4097x128xf32, #tpu.memory_space<vmem_shared>>) dst(%dma_wait3A_1018 : memref<64x128xf32, #tpu.memory_space<vmem>>)
    %add3A_1024 = arith.constant 25472 : i32
    %add3A_1025 = arith.addi %mul3A_2, %add3A_1024 : i32
    %dma_start3A_1026 = arith.constant 512 : i32
    %dma_start3A_1027 = arith.constant 0 : i32
    %dma_start3A_1028 = tpu.memref_slice %arg7[%dma_start3A_1026, %dma_start3A_1027] : memref<640x128xf32, #tpu.memory_space<vmem>> -> memref<64x128xf32, #tpu.memory_space<vmem>>
    %dma_start3A_1029 = arith.constant 0 : i32
    %dma_start3A_1030 = tpu.memref_slice %arg4[%add3A_1025, %dma_start3A_1029] : memref<819200x128xf32, #tpu.memory_space<hbm>> -> memref<64x128xf32, #tpu.memory_space<hbm>>
    %dma_start3A_1031 = arith.constant 0 : i32
    %dma_start3A_1032 = tpu.memref_slice %arg4[%add3A_1025, %dma_start3A_1031] : memref<819200x128xf32, #tpu.memory_space<hbm>> -> memref<64x128xf32, #tpu.memory_space<hbm>>
    %dma_start3A_1033 = arith.constant 512 : i32
    %dma_start3A_1034 = arith.constant 0 : i32
    %dma_start3A_1035 = tpu.memref_slice %arg7[%dma_start3A_1033, %dma_start3A_1034] : memref<640x128xf32, #tpu.memory_space<vmem>> -> memref<64x128xf32, #tpu.memory_space<vmem>>
    tpu.enqueue_dma source(%dma_start3A_1035 : memref<64x128xf32, #tpu.memory_space<vmem>>) target(%dma_start3A_1032 : memref<64x128xf32, #tpu.memory_space<hbm>>) target_semaphore(%arg27 : memref<!tpu.dma_semaphore, #tpu.memory_space<semaphore_mem>>)
    %add3A_1036 = arith.constant 25152 : i32
    %add3A_1037 = arith.addi %mul3A_2, %add3A_1036 : i32
    %dma_wait3A_1038 = arith.constant 192 : i32
    %dma_wait3A_1039 = arith.constant 0 : i32
    %dma_wait3A_1040 = tpu.memref_slice %arg7[%dma_wait3A_1038, %dma_wait3A_1039] : memref<640x128xf32, #tpu.memory_space<vmem>> -> memref<64x128xf32, #tpu.memory_space<vmem>>
    %dma_wait3A_1041 = arith.constant 0 : i32
    %dma_wait3A_1042 = tpu.memref_slice %arg4[%add3A_1037, %dma_wait3A_1041] : memref<819200x128xf32, #tpu.memory_space<hbm>> -> memref<64x128xf32, #tpu.memory_space<hbm>>
    %dma_wait3A_1043 = arith.constant 0 : i32
    %dma_wait3A_1044 = tpu.memref_slice %arg4[%add3A_1037, %dma_wait3A_1043] : memref<819200x128xf32, #tpu.memory_space<hbm>> -> memref<64x128xf32, #tpu.memory_space<hbm>>
    %dma_wait3A_1045 = arith.constant 192 : i32
    %dma_wait3A_1046 = arith.constant 0 : i32
    %dma_wait3A_1047 = tpu.memref_slice %arg7[%dma_wait3A_1045, %dma_wait3A_1046] : memref<640x128xf32, #tpu.memory_space<vmem>> -> memref<64x128xf32, #tpu.memory_space<vmem>>
    tpu.wait_dma2 semaphore(%arg22 : memref<!tpu.dma_semaphore, #tpu.memory_space<semaphore_mem>>) src(%dma_wait3A_1047 : memref<64x128xf32, #tpu.memory_space<vmem>>) dst(%dma_wait3A_1044 : memref<64x128xf32, #tpu.memory_space<hbm>>)
    %dma_wait3A_1048 = arith.constant 576 : i32
    %dma_wait3A_1049 = arith.constant 0 : i32
    %dma_wait3A_1050 = tpu.memref_slice %arg7[%dma_wait3A_1048, %dma_wait3A_1049] : memref<640x128xf32, #tpu.memory_space<vmem>> -> memref<64x128xf32, #tpu.memory_space<vmem>>
    %dma_wait3A_1051 = arith.constant 576 : i32
    %dma_wait3A_1052 = tpu.memref_slice %arg6[%dma_wait3A_1051] : memref<640xi32, #tpu.memory_space<vmem>> -> memref<64xi32, #tpu.memory_space<vmem>>
    %dma_wait3A_1053 = arith.constant 0 : i32
    %dma_wait3A_1054 = arith.constant 0 : i32
    %dma_wait3A_1055 = tpu.memref_slice %arg5[%dma_wait3A_1053, %dma_wait3A_1054] : memref<4097x128xf32, #tpu.memory_space<vmem_shared>> -> memref<4097x128xf32, #tpu.memory_space<vmem_shared>>
    tpu.wait_indirect_dma semaphore(%arg18 : memref<!tpu.dma_semaphore, #tpu.memory_space<semaphore_mem>>) src(%dma_wait3A_1055 : memref<4097x128xf32, #tpu.memory_space<vmem_shared>>) dst(%dma_wait3A_1050 : memref<64x128xf32, #tpu.memory_space<vmem>>)
    %add3A_1056 = arith.constant 25536 : i32
    %add3A_1057 = arith.addi %mul3A_2, %add3A_1056 : i32
    %dma_start3A_1058 = arith.constant 576 : i32
    %dma_start3A_1059 = arith.constant 0 : i32
    %dma_start3A_1060 = tpu.memref_slice %arg7[%dma_start3A_1058, %dma_start3A_1059] : memref<640x128xf32, #tpu.memory_space<vmem>> -> memref<64x128xf32, #tpu.memory_space<vmem>>
    %dma_start3A_1061 = arith.constant 0 : i32
    %dma_start3A_1062 = tpu.memref_slice %arg4[%add3A_1057, %dma_start3A_1061] : memref<819200x128xf32, #tpu.memory_space<hbm>> -> memref<64x128xf32, #tpu.memory_space<hbm>>
    %dma_start3A_1063 = arith.constant 0 : i32
    %dma_start3A_1064 = tpu.memref_slice %arg4[%add3A_1057, %dma_start3A_1063] : memref<819200x128xf32, #tpu.memory_space<hbm>> -> memref<64x128xf32, #tpu.memory_space<hbm>>
    %dma_start3A_1065 = arith.constant 576 : i32
    %dma_start3A_1066 = arith.constant 0 : i32
    %dma_start3A_1067 = tpu.memref_slice %arg7[%dma_start3A_1065, %dma_start3A_1066] : memref<640x128xf32, #tpu.memory_space<vmem>> -> memref<64x128xf32, #tpu.memory_space<vmem>>
    tpu.enqueue_dma source(%dma_start3A_1067 : memref<64x128xf32, #tpu.memory_space<vmem>>) target(%dma_start3A_1064 : memref<64x128xf32, #tpu.memory_space<hbm>>) target_semaphore(%arg28 : memref<!tpu.dma_semaphore, #tpu.memory_space<semaphore_mem>>)
    %add3A_1068 = arith.constant 25216 : i32
    %add3A_1069 = arith.addi %mul3A_2, %add3A_1068 : i32
    %dma_wait3A_1070 = arith.constant 256 : i32
    %dma_wait3A_1071 = arith.constant 0 : i32
    %dma_wait3A_1072 = tpu.memref_slice %arg7[%dma_wait3A_1070, %dma_wait3A_1071] : memref<640x128xf32, #tpu.memory_space<vmem>> -> memref<64x128xf32, #tpu.memory_space<vmem>>
    %dma_wait3A_1073 = arith.constant 0 : i32
    %dma_wait3A_1074 = tpu.memref_slice %arg4[%add3A_1069, %dma_wait3A_1073] : memref<819200x128xf32, #tpu.memory_space<hbm>> -> memref<64x128xf32, #tpu.memory_space<hbm>>
    %dma_wait3A_1075 = arith.constant 0 : i32
    %dma_wait3A_1076 = tpu.memref_slice %arg4[%add3A_1069, %dma_wait3A_1075] : memref<819200x128xf32, #tpu.memory_space<hbm>> -> memref<64x128xf32, #tpu.memory_space<hbm>>
    %dma_wait3A_1077 = arith.constant 256 : i32
    %dma_wait3A_1078 = arith.constant 0 : i32
    %dma_wait3A_1079 = tpu.memref_slice %arg7[%dma_wait3A_1077, %dma_wait3A_1078] : memref<640x128xf32, #tpu.memory_space<vmem>> -> memref<64x128xf32, #tpu.memory_space<vmem>>
    tpu.wait_dma2 semaphore(%arg23 : memref<!tpu.dma_semaphore, #tpu.memory_space<semaphore_mem>>) src(%dma_wait3A_1079 : memref<64x128xf32, #tpu.memory_space<vmem>>) dst(%dma_wait3A_1076 : memref<64x128xf32, #tpu.memory_space<hbm>>)
    %add3A_1080 = arith.constant 25280 : i32
    %add3A_1081 = arith.addi %mul3A_2, %add3A_1080 : i32
    %dma_wait3A_1082 = arith.constant 320 : i32
    %dma_wait3A_1083 = arith.constant 0 : i32
    %dma_wait3A_1084 = tpu.memref_slice %arg7[%dma_wait3A_1082, %dma_wait3A_1083] : memref<640x128xf32, #tpu.memory_space<vmem>> -> memref<64x128xf32, #tpu.memory_space<vmem>>
    %dma_wait3A_1085 = arith.constant 0 : i32
    %dma_wait3A_1086 = tpu.memref_slice %arg4[%add3A_1081, %dma_wait3A_1085] : memref<819200x128xf32, #tpu.memory_space<hbm>> -> memref<64x128xf32, #tpu.memory_space<hbm>>
    %dma_wait3A_1087 = arith.constant 0 : i32
    %dma_wait3A_1088 = tpu.memref_slice %arg4[%add3A_1081, %dma_wait3A_1087] : memref<819200x128xf32, #tpu.memory_space<hbm>> -> memref<64x128xf32, #tpu.memory_space<hbm>>
    %dma_wait3A_1089 = arith.constant 320 : i32
    %dma_wait3A_1090 = arith.constant 0 : i32
    %dma_wait3A_1091 = tpu.memref_slice %arg7[%dma_wait3A_1089, %dma_wait3A_1090] : memref<640x128xf32, #tpu.memory_space<vmem>> -> memref<64x128xf32, #tpu.memory_space<vmem>>
    tpu.wait_dma2 semaphore(%arg24 : memref<!tpu.dma_semaphore, #tpu.memory_space<semaphore_mem>>) src(%dma_wait3A_1091 : memref<64x128xf32, #tpu.memory_space<vmem>>) dst(%dma_wait3A_1088 : memref<64x128xf32, #tpu.memory_space<hbm>>)
    %add3A_1092 = arith.constant 25344 : i32
    %add3A_1093 = arith.addi %mul3A_2, %add3A_1092 : i32
    %dma_wait3A_1094 = arith.constant 384 : i32
    %dma_wait3A_1095 = arith.constant 0 : i32
    %dma_wait3A_1096 = tpu.memref_slice %arg7[%dma_wait3A_1094, %dma_wait3A_1095] : memref<640x128xf32, #tpu.memory_space<vmem>> -> memref<64x128xf32, #tpu.memory_space<vmem>>
    %dma_wait3A_1097 = arith.constant 0 : i32
    %dma_wait3A_1098 = tpu.memref_slice %arg4[%add3A_1093, %dma_wait3A_1097] : memref<819200x128xf32, #tpu.memory_space<hbm>> -> memref<64x128xf32, #tpu.memory_space<hbm>>
    %dma_wait3A_1099 = arith.constant 0 : i32
    %dma_wait3A_1100 = tpu.memref_slice %arg4[%add3A_1093, %dma_wait3A_1099] : memref<819200x128xf32, #tpu.memory_space<hbm>> -> memref<64x128xf32, #tpu.memory_space<hbm>>
    %dma_wait3A_1101 = arith.constant 384 : i32
    %dma_wait3A_1102 = arith.constant 0 : i32
    %dma_wait3A_1103 = tpu.memref_slice %arg7[%dma_wait3A_1101, %dma_wait3A_1102] : memref<640x128xf32, #tpu.memory_space<vmem>> -> memref<64x128xf32, #tpu.memory_space<vmem>>
    tpu.wait_dma2 semaphore(%arg25 : memref<!tpu.dma_semaphore, #tpu.memory_space<semaphore_mem>>) src(%dma_wait3A_1103 : memref<64x128xf32, #tpu.memory_space<vmem>>) dst(%dma_wait3A_1100 : memref<64x128xf32, #tpu.memory_space<hbm>>)
    %add3A_1104 = arith.constant 25408 : i32
    %add3A_1105 = arith.addi %mul3A_2, %add3A_1104 : i32
    %dma_wait3A_1106 = arith.constant 448 : i32
    %dma_wait3A_1107 = arith.constant 0 : i32
    %dma_wait3A_1108 = tpu.memref_slice %arg7[%dma_wait3A_1106, %dma_wait3A_1107] : memref<640x128xf32, #tpu.memory_space<vmem>> -> memref<64x128xf32, #tpu.memory_space<vmem>>
    %dma_wait3A_1109 = arith.constant 0 : i32
    %dma_wait3A_1110 = tpu.memref_slice %arg4[%add3A_1105, %dma_wait3A_1109] : memref<819200x128xf32, #tpu.memory_space<hbm>> -> memref<64x128xf32, #tpu.memory_space<hbm>>
    %dma_wait3A_1111 = arith.constant 0 : i32
    %dma_wait3A_1112 = tpu.memref_slice %arg4[%add3A_1105, %dma_wait3A_1111] : memref<819200x128xf32, #tpu.memory_space<hbm>> -> memref<64x128xf32, #tpu.memory_space<hbm>>
    %dma_wait3A_1113 = arith.constant 448 : i32
    %dma_wait3A_1114 = arith.constant 0 : i32
    %dma_wait3A_1115 = tpu.memref_slice %arg7[%dma_wait3A_1113, %dma_wait3A_1114] : memref<640x128xf32, #tpu.memory_space<vmem>> -> memref<64x128xf32, #tpu.memory_space<vmem>>
    tpu.wait_dma2 semaphore(%arg26 : memref<!tpu.dma_semaphore, #tpu.memory_space<semaphore_mem>>) src(%dma_wait3A_1115 : memref<64x128xf32, #tpu.memory_space<vmem>>) dst(%dma_wait3A_1112 : memref<64x128xf32, #tpu.memory_space<hbm>>)
    %add3A_1116 = arith.constant 25472 : i32
    %add3A_1117 = arith.addi %mul3A_2, %add3A_1116 : i32
    %dma_wait3A_1118 = arith.constant 512 : i32
    %dma_wait3A_1119 = arith.constant 0 : i32
    %dma_wait3A_1120 = tpu.memref_slice %arg7[%dma_wait3A_1118, %dma_wait3A_1119] : memref<640x128xf32, #tpu.memory_space<vmem>> -> memref<64x128xf32, #tpu.memory_space<vmem>>
    %dma_wait3A_1121 = arith.constant 0 : i32
    %dma_wait3A_1122 = tpu.memref_slice %arg4[%add3A_1117, %dma_wait3A_1121] : memref<819200x128xf32, #tpu.memory_space<hbm>> -> memref<64x128xf32, #tpu.memory_space<hbm>>
    %dma_wait3A_1123 = arith.constant 0 : i32
    %dma_wait3A_1124 = tpu.memref_slice %arg4[%add3A_1117, %dma_wait3A_1123] : memref<819200x128xf32, #tpu.memory_space<hbm>> -> memref<64x128xf32, #tpu.memory_space<hbm>>
    %dma_wait3A_1125 = arith.constant 512 : i32
    %dma_wait3A_1126 = arith.constant 0 : i32
    %dma_wait3A_1127 = tpu.memref_slice %arg7[%dma_wait3A_1125, %dma_wait3A_1126] : memref<640x128xf32, #tpu.memory_space<vmem>> -> memref<64x128xf32, #tpu.memory_space<vmem>>
    tpu.wait_dma2 semaphore(%arg27 : memref<!tpu.dma_semaphore, #tpu.memory_space<semaphore_mem>>) src(%dma_wait3A_1127 : memref<64x128xf32, #tpu.memory_space<vmem>>) dst(%dma_wait3A_1124 : memref<64x128xf32, #tpu.memory_space<hbm>>)
    %add3A_1128 = arith.constant 25536 : i32
    %add3A_1129 = arith.addi %mul3A_2, %add3A_1128 : i32
    %dma_wait3A_1130 = arith.constant 576 : i32
    %dma_wait3A_1131 = arith.constant 0 : i32
    %dma_wait3A_1132 = tpu.memref_slice %arg7[%dma_wait3A_1130, %dma_wait3A_1131] : memref<640x128xf32, #tpu.memory_space<vmem>> -> memref<64x128xf32, #tpu.memory_space<vmem>>
    %dma_wait3A_1133 = arith.constant 0 : i32
    %dma_wait3A_1134 = tpu.memref_slice %arg4[%add3A_1129, %dma_wait3A_1133] : memref<819200x128xf32, #tpu.memory_space<hbm>> -> memref<64x128xf32, #tpu.memory_space<hbm>>
    %dma_wait3A_1135 = arith.constant 0 : i32
    %dma_wait3A_1136 = tpu.memref_slice %arg4[%add3A_1129, %dma_wait3A_1135] : memref<819200x128xf32, #tpu.memory_space<hbm>> -> memref<64x128xf32, #tpu.memory_space<hbm>>
    %dma_wait3A_1137 = arith.constant 576 : i32
    %dma_wait3A_1138 = arith.constant 0 : i32
    %dma_wait3A_1139 = tpu.memref_slice %arg7[%dma_wait3A_1137, %dma_wait3A_1138] : memref<640x128xf32, #tpu.memory_space<vmem>> -> memref<64x128xf32, #tpu.memory_space<vmem>>
    tpu.wait_dma2 semaphore(%arg28 : memref<!tpu.dma_semaphore, #tpu.memory_space<semaphore_mem>>) src(%dma_wait3A_1139 : memref<64x128xf32, #tpu.memory_space<vmem>>) dst(%dma_wait3A_1136 : memref<64x128xf32, #tpu.memory_space<hbm>>)
    return
  }
}

</mosaic_0001>

<sc_bundles>
// kernel: _embed.3.cloned.1.call-start
scs
__scs_entry_jumppad:
0x0: {  	(pc) =	sbr.rel $0x88, $3  }
0x1: {  	(tag) =	ssettag $0x0;
	lr =	simm.s32 $0x1  }
0x2: {  	[smem:$0x3F9F] =	sst lr;
	_ =	strace $0xD0000000  }
0x3: {  	_ = 	snop  }
0x4: {  	_ = 	snop  }
0x5: {  	_ = 	snop  }
0x6: {  	_ = 	snop  }
0x7: {  	_ = 	snop  }
__scs_overlays_trampoline_lowered:
0x8: {  	[smem:$0x3FAE] =	sst s0  }
0x9: {  	[smem:$0x3FAF] =	sst s1  }
0xa: {  	[smem:$0x3FB0] =	sst s2  }
0xb: {  	[smem:$0x3FB1] =	sst s3  }
0xc: {  	[smem:$0x3FB2] =	sst s4  }
0xd: {  	[smem:$0x3FB3] =	sst s5  }
0xe: {  	[smem:$0x3FB4] =	sst s6  }
0xf: {  	[smem:$0x3FB5] =	sst s7  }
0x10: {  	[smem:$0x3FB6] =	sst s8  }
0x11: {  	[smem:$0x3FB7] =	sst s9;
	s0 =	simm.s32 @!p0 $0x0  }
0x12: {  	s1 =	sld [smem:$0x3F9D];
	s0 =	simm.s32 @p0 $0x1  }
0x13: {  	[smem:$0x3FB8] =	sst s0;
	s0 =	simm.s32 @!p1 $0x0  }
0x14: {  	s2 =	sld [smem:$0x3F9C];
	s0 =	simm.s32 @p1 $0x1  }
0x15: {  	[smem:$0x3FB9] =	sst s0;
	s0 =	simm.s32 @!p2 $0x0  }
0x16: {  	s3 =	sld [smem:$0x3FDB];
	s0 =	simm.s32 @p2 $0x1  }
0x17: {  	s4 =	simm.s32 $0x1BF5;
	[smem:$0x3FBB] =	sst s0  }
0x18: {  	s0 =	sld [smem:$0x3F9E];
	_ =	swait.ge [sflag:s4], $0x0  }
0x19: {  	s7 =	sld [smem:$0x3F9F]  }
0x1a: {  	s8 =	sadd.s32 $0xFFFFE003, lr  }
0x1b: {  	s9 =	sadd.s32 $0xFFFFFEF7, lr;
	s5 =	simm.s32 $0xFFFFFFFF;
	p2 =	slt.u32 s8, $0xFFFFF086  }
0x1c: {  	p1 =	slt.u32 s9, $0xF7A;
	s5 =	simm.s32 @!p2 $0x0  }
0x1d: {  	s5 =	simm.s32 @p1 $0x1;
	p0 =	seq.s32 s7, s2  }
0x1e: {  	s7 =	smul.u32 @!p0 $0xF7A, s2;
	p2 =	seq.s32 @!p0 s5, $0x0  }
0x1f: {  	s9 =	smul.u32 $0xF7A, s1;
	s8 =	simm.s32 @!p0 $0x1BF5;
	p2 =	por !p2, p0  }
0x20: {  	[sflag:s8] =	ssyncset.s32 @!p0 $0xFFFFF086;
	s6 =	sadd.s32 @!p0 s3, s7;
	s7 =	simm.s32 @!p0 $0x108  }
0x21: {  	s3 =	sadd.s32 s3, s9;
	s6 =	sadd.s32 @!p0 $0x88, s6;
	s7 =	simm.s32 @p2 $0x1082  }
0x22: {  	[simem:s7], [sflag:s8] =	dma.local @!p0 [hbm:s6], $0xF7A  }
0x23: {  	s9 =	sor.u32 $0xD0000000, s2;
	s6 =	simm.s32 $0x108;
	_ =	swait.ge @!p0 [sflag:s8], $0x0  }
0x24: {  	s3 =	sadd.s32 $0x88, s3;
	s6 =	simm.s32 @!p1 $0x1082;
	[sflag:s4] =	ssyncset.s32 $0xFFFFF086  }
0x25: {  	[simem:s6], [sflag:s4] =	dma.local [hbm:s3], $0xF7A  }
0x26: {  	[smem:$0x3F9F] =	sst s1;
	(tag) =	ssettag s2;
	_ =	strace s9  }
0x27: {  	s1 =	sld [smem:$0x3FAF]  }
0x28: {  	s2 =	sld [smem:$0x3FB0]  }
0x29: {  	s4 =	sld [smem:$0x3FB2]  }
0x2a: {  	p0 =	seq.s32 s5, $0x0;
	s5 =	sld [smem:$0x3FB3]  }
0x2b: {  	s6 =	sld [smem:$0x3FB4]  }
0x2c: {  	s7 =	sld [smem:$0x3FB5]  }
0x2d: {  	s3 =	simm.s32 $0x108;
	s8 =	sld [smem:$0x3FB6]  }
0x2e: {  	s3 =	simm.s32 @!p0 $0x1082;
	s9 =	sld [smem:$0x3FB7]  }
0x2f: {  	lr =	sadd.s32 s0, s3;
	s0 =	sld [smem:$0x3FAE]  }
0x30: {  	s3 =	sld [smem:$0x3FB1]  }
0x31: {  	[smem:$0x3FBA] =	sst s10  }
0x32: {  	s10 =	sld [smem:$0x3FB8];
	_ =	sdelay $0x3  }
0x33: {  	p0 =	seq.s32 s10, $0x1;
	s10 =	sld [smem:$0x3FBA];
	_ =	sdelay $0x3  }
0x34: {  	[smem:$0x3FBA] =	sst s10  }
0x35: {  	s10 =	sld [smem:$0x3FB9];
	_ =	sdelay $0x3  }
0x36: {  	p1 =	seq.s32 s10, $0x1;
	s10 =	sld [smem:$0x3FBA];
	_ =	sdelay $0x3  }
0x37: {  	[smem:$0x3FBA] =	sst s10  }
0x38: {  	s10 =	sld [smem:$0x3FBB]  }
0x39: {  	_ = 	snop;
	(pc) =	sbr.ind lr, $3  }
0x3a: {  	_ = 	snop  }
0x3b: {  	_ = 	snop  }
0x3c: {  	p2 =	seq.s32 s10, $0x1;
	s10 =	sld [smem:$0x3FBA]  }
0x3d: {  	_ =	shalt  }
0x3e: {  	_ =	shalt  }
0x3f: {  	_ =	shalt  }
0x40: {  	_ =	shalt  }
0x41: {  	_ =	shalt  }
0x42: {  	_ =	shalt  }
0x43: {  	_ =	shalt  }
0x44: {  	_ =	shalt  }
0x45: {  	_ =	shalt  }
0x46: {  	_ =	shalt  }
0x47: {  	_ =	shalt  }
0x48: {  	_ =	shalt  }
0x49: {  	_ =	shalt  }
0x4a: {  	_ =	shalt  }
0x4b: {  	_ =	shalt  }
0x4c: {  	_ =	shalt  }
0x4d: {  	_ =	shalt  }
0x4e: {  	_ =	shalt  }
0x4f: {  	_ =	shalt  }
0x50: {  	_ =	shalt  }
0x51: {  	_ =	shalt  }
0x52: {  	_ =	shalt  }
0x53: {  	_ =	shalt  }
0x54: {  	_ =	shalt  }
0x55: {  	_ =	shalt  }
0x56: {  	_ =	shalt  }
0x57: {  	_ =	shalt  }
0x58: {  	_ =	shalt  }
0x59: {  	_ =	shalt  }
0x5a: {  	_ =	shalt  }
0x5b: {  	_ =	shalt  }
0x5c: {  	_ =	shalt  }
0x5d: {  	_ =	shalt  }
0x5e: {  	_ =	shalt  }
0x5f: {  	_ =	shalt  }
0x60: {  	_ =	shalt  }
0x61: {  	_ =	shalt  }
0x62: {  	_ =	shalt  }
0x63: {  	_ =	shalt  }
0x64: {  	_ =	shalt  }
0x65: {  	_ =	shalt  }
0x66: {  	_ =	shalt  }
0x67: {  	_ =	shalt  }
0x68: {  	_ =	shalt  }
0x69: {  	_ =	shalt  }
0x6a: {  	_ =	shalt  }
0x6b: {  	_ =	shalt  }
0x6c: {  	_ =	shalt  }
0x6d: {  	_ =	shalt  }
0x6e: {  	_ =	shalt  }
0x6f: {  	_ =	shalt  }
0x70: {  	_ =	shalt  }
0x71: {  	_ =	shalt  }
0x72: {  	_ =	shalt  }
0x73: {  	_ =	shalt  }
0x74: {  	_ =	shalt  }
0x75: {  	_ =	shalt  }
0x76: {  	_ =	shalt  }
0x77: {  	_ =	shalt  }
0x78: {  	_ =	shalt  }
0x79: {  	_ =	shalt  }
0x7a: {  	_ =	shalt  }
0x7b: {  	_ =	shalt  }
0x7c: {  	_ =	shalt  }
0x7d: {  	_ =	shalt  }
0x7e: {  	_ =	shalt  }
0x7f: {  	_ =	shalt  }
0x80: {  	_ =	shalt  }
0x81: {  	_ =	shalt  }
0x82: {  	_ =	shalt  }
0x83: {  	_ =	shalt  }
0x84: {  	_ =	shalt  }
0x85: {  	_ =	shalt  }
0x86: {  	_ =	shalt  }
0x87: {  	_ =	shalt  }
.Lfunc_end0:
.L_simem_size_0:
called_computation_lowered:
.L_overlay_start_0:
0x88: {  	s2 =	sld [smem:$0x3FD9]  }
0x89: {  	s3 =	sld [smem:$0x3FFE];
	_ =	sdelay $0x1  }
0x8a: {  	s1 =	srdreg.scid  }
0x8b: {  	s0 =	sand.u32 $0x1, s1  }
0x8c: {  	s18 =	sshll.u32 s0, $0xA;
	s2 =	sadd.s32 s3, s2  }
0x8d: {  	s2 =	sadd.s32 s2, s18  }
0x8e: {  	[smem:$0x3FC6] =	sst s2  }
0x8f: {  	_ = 	snop  }
0x90: {  	s2 =	sld [smem:$0x3FC9]  }
0x91: {  	s19 =	sld [smem:$0x3FC8]  }
0x92: {  	s4 =	sld [smem:$0x3FD0];
	(tm) =	ssettm $0x1  }
0x93: {  	s5 =	sld [smem:$0x3FFB];
	_ =	sdelay $0x3  }
0x94: {  	_ =	strace s5  }
0x95: {  	s5 =	sld [smem:$0x3FFC];
	_ =	sdelay $0x3  }
0x96: {  	_ =	strace s5  }
0x97: {  	s5 =	sld [smem:$0x3FFD];
	_ =	sdelay $0x3  }
0x98: {  	_ =	strace s5  }
0x99: {  	_ =	strace $0x8FFFFFFF  }
0x9a: {  	s20 =	sld [smem:$0x3FDB];
	_ =	sdelay $0x1  }
0x9b: {  	s6 =	simm.s32 $_scs_section_size  }
0x9c: {  	s7 =	simm.s32 $_size__tile_overlayer_lowered;
	s8 =	simm.s32 $_tile_overlayer_lowered  }
0x9d: {  	s23 =	simm.s32 $0x1BFF;
	s22 =	sshll.u32 s8, $0x1;
	s5 =	sadd.s32 s6, s20  }
0x9e: {  	s9 =	simm.s32 $0x0;
	s21 =	sshll.u32 s7, $0x1;
	s7 =	sadd.s32 s22, s5  }
0x9f: {  	[timem:s9], [sflag:s23] =	dma.local [hbm:s7], s21  }
0xa0: {  	_ =	swait.ge [sflag:s23], s21  }
0xa1: {  	s6 =	ssub.s32 $0x0, s21;
	[sflag:s23] =	ssyncset.done $0x0  }
0xa2: {  	[sflag:s23] =	ssyncadd.s32 s6;
	_ =	sdelay $0x1  }
0xa3: {  	s24 =	simm.s32 $0x1B8B  }
0xa4: {  	_ =	swait.ge [sflag:s24], $0x1  }
0xa5: {  	[sflag:s24] =	ssyncset.done $0x0  }
0xa6: {  	s25 =	simm.s32 $0x1B8E;
	[sflag:s24] =	ssyncadd.s32 $0xFFFFFFFF  }
0xa7: {  	s26 =	simm.s32 $execute0_lowered;
	[smem:$0x3FD2] =	sst s25  }
0xa8: {  	s6 =	sshll.u32 s26, $0x1;
	_ =	strace $0x80000046;
	[dreg:$0x1] =	wrdreg $0xFFFFFFFF  }
0xa9: {  	s28 =	simm.s32 $_size_execute0_lowered;
	s5 =	sadd.s32 s5, s6;
	[dreg:$0x0] =	wrdreg $0x0  }
0xaa: {  	s6 =	sshll.u32 s28, $0x1;
	[dreg:$0x2] =	wrdreg s5  }
0xab: {  	[dreg:$0x3] =	wrdreg s6  }
0xac: {  	[dreg:$0x4] =	wrdreg $0xC0  }
0xad: {  	_ =	task [dreg:s9], $0x5FFFF  }
0xae: {  	[dreg:$0x1] =	wrdreg $0xFFFFFFFF  }
0xaf: {  	[dreg:$0x0] =	wrdreg $0x60  }
0xb0: {  	[dreg:$0x2] =	wrdreg s19  }
0xb1: {  	[dreg:$0x3] =	wrdreg s2  }
0xb2: {  	[dreg:$0x4] =	wrdreg s4  }
0xb3: {  	[dreg:$0x5] =	wrdreg $0x0  }
0xb4: {  	[dreg:$0x6] =	wrdreg $0x9  }
0xb5: {  	_ =	task.clear_ibuf [dreg:s9], $0x7FFFF;
	_ =	strace $0x90000046  }
0xb6: {  	s29 =	simm.s32 $0x9;
	_ =	strace $0x80000048  }
0xb7: {  	_ =	swait.ge [sflag:s29], $0x1  }
0xb8: {  	[sflag:s29] =	ssyncadd.s32 $0xFFFFFFFF  }
0xb9: {  	_ =	strace $0x90000048  }
0xba: {  	_ =	sfence  }
0xbb: {  	s30 =	sld [smem:$0x0];
	_ =	sdelay $0x2  }
0xbc: {  	s31 =	sshll.u32 s1, $0xD;
	s1 =	sshrl.u32 s1, $0x2  }
0xbd: {  	s3 =	sand.u32 $0x4000, s31;
	s1 =	sadd.s32 s1, s30  }
0xbe: {  	s0 =	sor.u32 s3, s0;
	s1 =	sshll.u32 s1, $0x11  }
0xbf: {  	s0 =	sor.u32 s1, s0  }
0xc0: {  	s0 =	sadd.s32 $0x8F2B, s0  }
0xc1: {  	[sflag:s0] =	ssyncadd.remote.s32 $0x1  }
0xc2: {  	_ =	sfence.sel $0xFFFF  }
0xc3: {  	[dreg:$0x0] =	wrdreg $0xFFFFFFFF;
	(pc) =	sbr.abs _section_cstart, $3  }
0xc4: {  	[dreg:$0x1] =	wrdreg $0xFFFFFFFF  }
0xc5: {  	_ =	task.clear_ibuf [dreg:s9], $0x2FFFF;
	_ =	strace $0x9FFFFFFF  }
0xc6: {  	(tm) =	ssettm $0x7FFFFFFF  }
0xc7: {  	_ =	shalt  }
tec
execute0_lowered:
.L_overlay_start_1:
0x0: {  	(tag) =	ssettag $0x1  }
0x1: {  	s22 =	rddreg [dreg:$0x0]  }
0x2: {  	s0 =	srdreg.scid;
	s21 =	stileid.u32  }
0x3: {  	s1 =	rddreg [dreg:$0x1];
	s14 =	sand.u32 $0x1, s0;
	s16 =	sshll.u32 s21, $0x1  }
0x4: {  	s13 =	rddreg [dreg:$0x2];
	s15 =	sor.u32 s14, s16;
	s16 =	smul.u32 $0xC800, s21  }
0x5: {  	s3 =	rddreg [dreg:$0x3];
	s4 =	simm.s32 $0x0;
	s2 =	smul.u32 $0x6400, s15  }
0x6: {  	[smem:$0x7FF] =	sst s4;
	s17 =	ssub.s32 $0x2, s14;
	s9 =	smul.u32 $0x64000, s15  }
0x7: {  	p0 =	sne.s32 s21, $0xF;
	s5 =	sshrl.u32 s17, $0x1;
	s15 =	smul.u32 $0x320000, s15  }
0x8: {  	_ =	strace $0x80000047;
	s0 =	ssub.s32 s17, s5;
	s17 =	smul.u32 $0x6400, s14  }
0x9: {  	s14 =	smul.u32 $0x64000, s14;
	s12 =	sor.u32 $0x40, s2;
	s10 =	sor.u32 $0x80, s2  }
0xa: {  	s8 =	sor.u32 $0xC0, s2;
	s11 =	sor.u32 $0x100, s2;
	s5 =	sor.u32 $0x140, s2  }
0xb: {  	s6 =	sor.u32 $0x180, s2;
	s7 =	sor.u32 $0x1C0, s2;
	s9 =	sadd.s32 s13, s9  }
0xc: {  	s15 =	sshrl.u32 s15, $0x3;
	s0 =	smax.u32 s0, $0x1;
	[dreg:$0xf] =	wrdreg s9  }
0xd: {  	s18 =	sshll.u32 s12, $0x4;
	s19 =	sshll.u32 s10, $0x4;
	s9 =	sadd.s32 s17, s16  }
0xe: {  	s23 =	sshll.u32 s8, $0x4;
	s31 =	sshll.u32 s11, $0x4;
	s15 =	sadd.s32 s13, s15  }
0xf: {  	s12 =	sshrl.u32 s12, $0x3;
	[smem:$0x7EF] =	sst s0;
	s0 =	sadd.s32 $0x80000, s3  }
0x10: {  	s18 =	sadd.s32 s13, s18;
	s19 =	sadd.s32 s13, s19;
	s20 =	sadd.s32 $0x740, s9  }
0x11: {  	s24 =	sadd.s32 $0x700, s9;
	s17 =	sadd.s32 s13, s23;
	s28 =	sadd.s32 $0x6C0, s9  }
0x12: {  	s30 =	sadd.s32 $0x680, s9;
	s23 =	sadd.s32 $0x600, s9;
	[dreg:$0x10] =	wrdreg s18  }
0x13: {  	s0 =	sshrl.u32 @!p0 s0, $0x3;
	[dreg:$0x11] =	wrdreg s19;
	s16 =	sshrl.u32 s20, $0x3  }
0x14: {  	[dreg:$0x12] =	wrdreg s17;
	s25 =	sshrl.u32 s24, $0x3;
	s29 =	sshrl.u32 s28, $0x3  }
0x15: {  	s17 =	sshrl.u32 s30, $0x3;
	s18 =	sadd.s32 s13, s31;
	[smem:$0x7F2] =	sst s0  }
0x16: {  	s19 =	sadd.s32 $0x640, s9;
	s16 =	sadd.s32 s16, s1;
	[dreg:$0x13] =	wrdreg s18  }
0x17: {  	s24 =	sshll.u32 s5, $0x4;
	s26 =	sadd.s32 s25, s1;
	[dreg:$0x5] =	wrdreg s16  }
0x18: {  	s17 =	sadd.s32 s17, s1;
	s20 =	sshrl.u32 s19, $0x3;
	[dreg:$0x6] =	wrdreg s26  }
0x19: {  	s25 =	sshll.u32 s6, $0x4;
	s16 =	sadd.s32 s29, s1;
	[dreg:$0x8] =	wrdreg s17  }
0x1a: {  	s17 =	sshrl.u32 s23, $0x3;
	s26 =	sshll.u32 s7, $0x4;
	s28 =	sadd.s32 s13, s25  }
0x1b: {  	s23 =	sadd.s32 $0x5C0, s9;
	s25 =	sadd.s32 $0x540, s9;
	[dreg:$0x7] =	wrdreg s16  }
0x1c: {  	s16 =	sadd.s32 s20, s1;
	s17 =	sadd.s32 s17, s1;
	[dreg:$0x15] =	wrdreg s28  }
0x1d: {  	s29 =	sadd.s32 s13, s26;
	s20 =	smul.u32 $0xC8000, s21;
	[dreg:$0x9] =	wrdreg s16  }
0x1e: {  	s28 =	sshrl.u32 s25, $0x3;
	s25 =	sadd.s32 $0x500, s9;
	[dreg:$0xa] =	wrdreg s17  }
0x1f: {  	s16 =	sadd.s32 s13, s24;
	[dreg:$0x16] =	wrdreg s29;
	s17 =	sor.u32 $0x240, s2  }
0x20: {  	s24 =	sadd.s32 $0x580, s9;
	s29 =	sadd.s32 s28, s1;
	s9 =	sadd.s32 $0x62400, s15  }
0x21: {  	[dreg:$0x14] =	wrdreg s16;
	s16 =	sor.u32 $0x200, s2;
	s31 =	sshll.u32 s17, $0x4  }
0x22: {  	[dreg:$0xd] =	wrdreg s29;
	s2 =	sshrl.u32 s2, $0x3;
	s28 =	sshrl.u32 s17, $0x3  }
0x23: {  	[smem:$0x7E8] =	sst s9;
	s17 =	sadd.s32 $0x63800, s15;
	s30 =	sshll.u32 s16, $0x4  }
0x24: {  	s19 =	sadd.s32 s13, s31;
	s31 =	sshrl.u32 s10, $0x3;
	[smem:$0x7ED] =	sst s17  }
0x25: {  	s10 =	sshrl.u32 s8, $0x3;
	s29 =	sadd.s32 s1, s28;
	[dreg:$0x18] =	wrdreg s19  }
0x26: {  	s8 =	sadd.s32 $0x62000, s15;
	s18 =	sadd.s32 s13, s30;
	[smem:$0x7E2] =	sst s29  }
0x27: {  	s13 =	sadd.s32 s20, s13;
	s19 =	sshrl.u32 s24, $0x3;
	[smem:$0x7E7] =	sst s8  }
0x28: {  	s30 =	sadd.s32 s1, s12;
	s12 =	sshrl.u32 s11, $0x3;
	[dreg:$0x17] =	wrdreg s18  }
0x29: {  	s20 =	sshrl.u32 s6, $0x3;
	s6 =	sadd.s32 $0x61800, s15;
	[dreg:$0x1a] =	wrdreg s30  }
0x2a: {  	s11 =	sadd.s32 $0x62C00, s15;
	s18 =	sshrl.u32 s23, $0x3;
	[smem:$0x7E5] =	sst s6  }
0x2b: {  	s26 =	sadd.s32 s19, s1;
	s13 =	sadd.s32 s14, s13;
	[smem:$0x7EA] =	sst s11  }
0x2c: {  	s14 =	sadd.s32 s1, s2;
	s2 =	sadd.s32 s1, s31;
	[dreg:$0xc] =	wrdreg s26  }
0x2d: {  	s23 =	sshrl.u32 s7, $0x3;
	s7 =	sadd.s32 $0x61C00, s15;
	[dreg:$0x1b] =	wrdreg s2  }
0x2e: {  	[smem:$0x7E6] =	sst s7  }
0x2f: {  	s18 =	sadd.s32 s18, s1;
	[dreg:$0x19] =	wrdreg s14  }
0x30: {  	s2 =	sadd.s32 s1, s10;
	[dreg:$0xb] =	wrdreg s18  }
0x31: {  	s24 =	sadd.s32 s1, s23;
	[dreg:$0x1c] =	wrdreg s2  }
0x32: {  	s10 =	sadd.s32 $0x62800, s15;
	[smem:$0x7E0] =	sst s24  }
0x33: {  	s26 =	sshrl.u32 s16, $0x3;
	s16 =	sadd.s32 $0x63400, s15;
	[smem:$0x7E9] =	sst s10  }
0x34: {  	s23 =	sadd.s32 $0x60, s14;
	[smem:$0x7EC] =	sst s16  }
0x35: {  	s28 =	sadd.s32 $0x80, s14;
	[smem:$0x7F6] =	sst s23  }
0x36: {  	s29 =	sadd.s32 $0x88, s14;
	[smem:$0x7FA] =	sst s28  }
0x37: {  	s19 =	sshrl.u32 s5, $0x3;
	s18 =	sadd.s32 s1, s12;
	[smem:$0x7FB] =	sst s29  }
0x38: {  	s2 =	sadd.s32 s1, s19;
	[dreg:$0x1d] =	wrdreg s18  }
0x39: {  	s5 =	sadd.s32 s1, s26;
	[dreg:$0x1e] =	wrdreg s2  }
0x3a: {  	s12 =	sadd.s32 $0x63000, s15;
	[smem:$0x7E1] =	sst s5  }
0x3b: {  	s19 =	sadd.s32 $0x4C00, s13;
	[smem:$0x7EB] =	sst s12  }
0x3c: {  	s0 =	simm.s32 $0x0;
	s24 =	sadd.s32 $0x68, s14;
	[smem:$0x7F0] =	sst s19  }
0x3d: {  	s9 =	simm.s32 $0x13;
	s26 =	sadd.s32 $0x78, s14;
	[smem:$0x7F7] =	sst s24  }
0x3e: {  	s8 =	simm.s32 $0x40;
	s2 =	sadd.s32 s1, s20;
	[smem:$0x7F9] =	sst s26  }
0x3f: {  	s30 =	sshll.u32 s21, $0xF;
	s18 =	sadd.s32 $0x63C00, s15;
	[dreg:$0x1f] =	wrdreg s2  }
0x40: {  	s31 =	sshll.u32 s21, $0xC;
	s20 =	sadd.s32 $0x10000, s22;
	[smem:$0x7EE] =	sst s18  }
0x41: {  	s5 =	sshll.u32 s21, $0x6;
	s21 =	sadd.s32 $0x50, s14;
	[smem:$0x7F3] =	sst s20  }
0x42: {  	s2 =	sshrl.u32 s25, $0x3;
	[smem:$0x7F4] =	sst s21;
	s25 =	sadd.s32 $0x70, s14  }
0x43: {  	s11 =	simm.s32 $0x14;
	s1 =	sadd.s32 s2, s1;
	[smem:$0x7F8] =	sst s25  }
0x44: {  	s7 =	simm.s32 $0x1;
	s2 =	sadd.s32 s22, s31;
	[dreg:$0xe] =	wrdreg s1  }
0x45: {  	s16 =	simm.s32 $0x8088;
	s22 =	sadd.s32 $0x58, s14;
	[smem:$0x7E3] =	sst s2  }
0x46: {  	s12 =	simm.s32 $0x15;
	s31 =	sadd.s32 $0x98, s14;
	[smem:$0x7F5] =	sst s22  }
0x47: {  	s18 =	simm.s32 $0x8048;
	s2 =	sor.u32 $0x1C16, s5;
	[smem:$0x7FD] =	sst s31  }
0x48: {  	s1 =	sadd.s32 s30, s3;
	s30 =	sadd.s32 $0x90, s14;
	[smem:$0x7E4] =	sst s2  }
0x49: {  	s20 =	simm.s32 $0x80C8;
	s1 =	sshrl.u32 s1, $0x3;
	[smem:$0x7FC] =	sst s30  }
0x4a: {  	s14 =	simm.s32 $0x8008;
	s22 =	simm.s32 $0x8108;
	[smem:$0x7F1] =	sst s1  }
.LBB2_1:
0x4b: {  	[smem:$0x7DF] =	sst s0  }
0x4c: {  	s13 =	rddreg [dreg:$0x19]  }
0x4d: {  	s0 =	rddreg [dreg:$0x1a]  }
0x4e: {  	s1 =	rddreg [dreg:$0x1b]  }
0x4f: {  	s2 =	rddreg [dreg:$0x1c]  }
0x50: {  	s5 =	rddreg [dreg:$0x1d]  }
0x51: {  	[tilespmem:s14], [sflag:$0x1] =	stream.linear.gather [hbm4b:s13+s4], $0x40, $0x38;
	[tilespmem:$0x1C288] =	vst v63  }
0x52: {  	s6 =	rddreg [dreg:$0x1e]  }
0x53: {  	[tilespmem:s18], [sflag:$0x1] =	stream.linear.gather [hbm4b:s0+s4], $0x40, $0x38;
	[tilespmem:$0x1C288] =	vst v63  }
0x54: {  	s17 =	sld [smem:$0x7E0]  }
0x55: {  	[tilespmem:s16], [sflag:$0x1] =	stream.linear.gather [hbm4b:s1+s4], $0x40, $0x38;
	[tilespmem:$0x1C288] =	vst v63  }
0x56: {  	s19 =	sld [smem:$0x7E1]  }
0x57: {  	[tilespmem:s20], [sflag:$0x1] =	stream.linear.gather [hbm4b:s2+s4], $0x40, $0x38;
	[tilespmem:$0x1C288] =	vst v63  }
0x58: {  	s23 =	sld [smem:$0x7E2]  }
0x59: {  	[tilespmem:s22], [sflag:$0x1] =	stream.linear.gather [hbm4b:s5+s4], $0x40, $0x38;
	[tilespmem:$0x1C288] =	vst v63  }
0x5a: {  	s10 =	simm.s32 $0x8148;
	s25 =	sld [smem:$0x7E3]  }
0x5b: {  	[tilespmem:s10], [sflag:$0x1] =	stream.linear.gather [hbm4b:s6+s4], $0x40, $0x38;
	[tilespmem:$0x1C288] =	vst v63  }
0x5c: {  	s15 =	simm.s32 $0x8188;
	s14 =	rddreg [dreg:$0x1f]  }
0x5d: {  	[tilespmem:s15], [sflag:$0x1] =	stream.linear.gather [hbm4b:s14+s4], $0x40, $0x38;
	[tilespmem:$0x1C288] =	vst v63  }
0x5e: {  	s26 =	sld [smem:$0x7E4];
	s18 =	simm.s32 $0x81C8  }
0x5f: {  	[tilespmem:s18], [sflag:$0x1] =	stream.linear.gather [hbm4b:s17+s4], $0x40, $0x38;
	[tilespmem:$0x1C288] =	vst v63  }
0x60: {  	s21 =	simm.s32 $0x8208;
	s29 =	sld [smem:$0x7F1]  }
0x61: {  	[tilespmem:s21], [sflag:$0x1] =	stream.linear.gather [hbm4b:s19+s4], $0x40, $0x38;
	[tilespmem:$0x1C288] =	vst v63  }
0x62: {  	s24 =	simm.s32 $0x8248  }
0x63: {  	[tilespmem:s24], [sflag:$0x1] =	stream.linear.gather [hbm4b:s23+s4], $0x40, $0x38;
	[tilespmem:$0x1C288] =	vst v63  }
0x64: {  	[spmem:s29], [sflag:s26] =	dma.local [hbm:s25], $0x1000  }
0x65: {  	s14 =	sld [smem:$0x7F2]  }
0x66: {  	s18 =	sld [smem:$0x7F3];
	_ =	sdelay $0x1  }
0x67: {  	s13 =	simm.s32 @!p0 $0x1FD7  }
0x68: {  	[spmem:s14], [sflag:s13] =	dma.local @!p0 [hbm:s18], $0x10  }
0x69: {  	s13 =	simm.s32 @!p0 $0x17  }
0x6a: {  	_ =	swait.ge @!p0 [sflag:s13], $0x10  }
0x6b: {  	[sflag:s13] =	ssyncset.done @!p0 $0x0  }
0x6c: {  	[sflag:s13] =	ssyncadd.s32 @!p0 $0xFFFFFFF0  }
0x6d: {  	_ =	swait.ge [sflag:s7], $0x40  }
0x6e: {  	[sflag:s7] =	ssyncset.done $0x0  }
0x6f: {  	[sflag:s7] =	ssyncadd.s32 $0xFFFFFFC0  }
0x70: {  	s30 =	simm.s32 $0x8008;
	s25 =	simm.s32 $0x8288;
	s31 =	rddreg [dreg:$0x0]  }
0x71: {  	[tilespmem:s25], [sflag:$0x2] =	stream.indirect.gather [hbm4b:s31+s8], $0x80, s30, s8, $0xb8;
	[tilespmem:$0x1C288] =	vst v63  }
0x72: {  	_ =	swait.ge [sflag:s7], $0x40  }
0x73: {  	[sflag:s7] =	ssyncset.done $0x0  }
0x74: {  	s28 =	simm.s32 $0x8048;
	s1 =	simm.s32 $0xA288;
	[sflag:s7] =	ssyncadd.s32 $0xFFFFFFC0  }
0x75: {  	[tilespmem:s1], [sflag:$0x3] =	stream.indirect.gather [hbm4b:s31+s8], $0x80, s28, s8, $0xb8;
	[tilespmem:$0x1C288] =	vst v63  }
0x76: {  	_ =	swait.ge [sflag:s7], $0x40  }
0x77: {  	[sflag:s7] =	ssyncset.done $0x0  }
0x78: {  	s2 =	simm.s32 $0xC288;
	[sflag:s7] =	ssyncadd.s32 $0xFFFFFFC0  }
0x79: {  	[tilespmem:s2], [sflag:$0x4] =	stream.indirect.gather [hbm4b:s31+s8], $0x80, s16, s8, $0xb8;
	[tilespmem:$0x1C288] =	vst v63  }
0x7a: {  	_ =	swait.ge [sflag:s7], $0x40  }
0x7b: {  	[sflag:s7] =	ssyncset.done $0x0  }
0x7c: {  	s14 =	simm.s32 $0xE288;
	[sflag:s7] =	ssyncadd.s32 $0xFFFFFFC0  }
0x7d: {  	[tilespmem:s14], [sflag:$0x5] =	stream.indirect.gather [hbm4b:s31+s8], $0x80, s20, s8, $0xb8;
	[tilespmem:$0x1C288] =	vst v63  }
0x7e: {  	_ =	swait.ge [sflag:s7], $0x40  }
0x7f: {  	[sflag:s7] =	ssyncset.done $0x0  }
0x80: {  	s15 =	simm.s32 $0x10288;
	s17 =	simm.s32 $0x16;
	[sflag:s7] =	ssyncadd.s32 $0xFFFFFFC0  }
0x81: {  	[tilespmem:s15], [sflag:$0x6] =	stream.indirect.gather [hbm4b:s31+s8], $0x80, s22, s8, $0xb8;
	[tilespmem:$0x1C288] =	vst v63  }
0x82: {  	_ =	swait.ge [sflag:s17], $0x1000  }
0x83: {  	[sflag:s17] =	ssyncset.done $0x0  }
0x84: {  	[sflag:s17] =	ssyncadd.s32 $0xFFFFF000  }
0x85: {  	s24 =	simm.s32 $0x2;
	[bflag:$0x0] =	sbarrier.arrive $0xFFFF  }
0x86: {  	_ =	swait.ge [sflag:s24], $0x2000  }
0x87: {  	[sflag:s24] =	ssyncset.done $0x0  }
0x88: {  	s18 =	rddreg [dreg:$0xf];
	[sflag:s24] =	ssyncadd.s32 $0xFFFFE000  }
0x89: {  	[hbm4b:s18+s4] =	stream.linear.scatter [tilespmem:s25], [sflag:$0xC], $0x2000, $0x38;
	[tilespmem:$0x1C288] =	vst v63  }
0x8a: {  	_ =	swait.ge [sflag:s7], $0x40  }
0x8b: {  	s28 =	simm.s32 $0x12288;
	[sflag:s7] =	ssyncset.done $0x0  }
0x8c: {  	s14 =	simm.s32 $0x8148;
	s19 =	sld [smem:$0x7F4];
	[sflag:s7] =	ssyncadd.s32 $0xFFFFFFC0  }
0x8d: {  	[tilespmem:s28], [sflag:$0x7] =	stream.indirect.gather [spmem:s3], $0x80, s14, s8, $0xb8;
	[tilespmem:$0x1C288] =	vst v63  }
0x8e: {  	s26 =	simm.s32 $0x3  }
0x8f: {  	[tilespmem:s30], [sflag:$0x1] =	stream.linear.gather [hbm4b:s19+s4], $0x40, $0x38;
	[tilespmem:$0x1C288] =	vst v63  }
0x90: {  	_ =	swait.ge [sflag:s26], $0x2000  }
0x91: {  	[sflag:s26] =	ssyncset.done $0x0  }
0x92: {  	s6 =	simm.s32 $0xA288;
	s21 =	rddreg [dreg:$0x10];
	[sflag:s26] =	ssyncadd.s32 $0xFFFFE000  }
0x93: {  	[hbm4b:s21+s4] =	stream.linear.scatter [tilespmem:s6], [sflag:$0xD], $0x2000, $0x38;
	[tilespmem:$0x1C288] =	vst v63  }
0x94: {  	_ =	swait.ge [sflag:s7], $0x40  }
0x95: {  	s29 =	simm.s32 $0x14288;
	[sflag:s7] =	ssyncset.done $0x0  }
0x96: {  	s15 =	simm.s32 $0x8188;
	s31 =	sld [smem:$0x7F5];
	[sflag:s7] =	ssyncadd.s32 $0xFFFFFFC0  }
0x97: {  	[tilespmem:s29], [sflag:$0x8] =	stream.indirect.gather [spmem:s3], $0x80, s15, s8, $0xb8;
	[tilespmem:$0x1C288] =	vst v63  }
0x98: {  	s5 =	simm.s32 $0x8048;
	s29 =	simm.s32 $0x4  }
0x99: {  	[tilespmem:s5], [sflag:$0x1] =	stream.linear.gather [hbm4b:s31+s4], $0x40, $0x38;
	[tilespmem:$0x1C288] =	vst v63  }
0x9a: {  	_ =	swait.ge [sflag:s29], $0x2000  }
0x9b: {  	[sflag:s29] =	ssyncset.done $0x0  }
0x9c: {  	s2 =	simm.s32 $0xC288;
	s17 =	rddreg [dreg:$0x11];
	[sflag:s29] =	ssyncadd.s32 $0xFFFFE000  }
0x9d: {  	[hbm4b:s17+s4] =	stream.linear.scatter [tilespmem:s2], [sflag:$0xE], $0x2000, $0x38;
	[tilespmem:$0x1C288] =	vst v63  }
0x9e: {  	_ =	swait.ge [sflag:s7], $0x40  }
0x9f: {  	s19 =	simm.s32 $0x16288;
	[sflag:s7] =	ssyncset.done $0x0  }
0xa0: {  	s5 =	simm.s32 $0x81C8;
	s31 =	sld [smem:$0x7F6];
	[sflag:s7] =	ssyncadd.s32 $0xFFFFFFC0  }
0xa1: {  	[tilespmem:s19], [sflag:$0x9] =	stream.indirect.gather [spmem:s3], $0x80, s5, s8, $0xb8;
	[tilespmem:$0x1C288] =	vst v63  }
0xa2: {  	_ = 	snop  }
0xa3: {  	[tilespmem:s16], [sflag:$0x1] =	stream.linear.gather [hbm4b:s31+s4], $0x40, $0x38;
	[tilespmem:$0x1C288] =	vst v63  }
0xa4: {  	s31 =	simm.s32 $0x5  }
0xa5: {  	_ =	swait.ge [sflag:s31], $0x2000  }
0xa6: {  	[sflag:s31] =	ssyncset.done $0x0  }
0xa7: {  	s1 =	simm.s32 $0xE288;
	s2 =	rddreg [dreg:$0x12];
	[sflag:s31] =	ssyncadd.s32 $0xFFFFE000  }
0xa8: {  	[hbm4b:s2+s4] =	stream.linear.scatter [tilespmem:s1], [sflag:$0xF], $0x2000, $0x38;
	[tilespmem:$0x1C288] =	vst v63  }
0xa9: {  	_ =	swait.ge [sflag:s7], $0x40  }
0xaa: {  	s10 =	simm.s32 $0x8208;
	[sflag:s7] =	ssyncset.done $0x0  }
0xab: {  	s19 =	simm.s32 $0x18288;
	s2 =	sld [smem:$0x7F7];
	[sflag:s7] =	ssyncadd.s32 $0xFFFFFFC0  }
0xac: {  	[tilespmem:s19], [sflag:$0xA] =	stream.indirect.gather [spmem:s3], $0x80, s10, s8, $0xb8;
	[tilespmem:$0x1C288] =	vst v63  }
0xad: {  	_ = 	snop  }
0xae: {  	[tilespmem:s20], [sflag:$0x1] =	stream.linear.gather [hbm4b:s2+s4], $0x40, $0x38;
	[tilespmem:$0x1C288] =	vst v63  }
0xaf: {  	s2 =	simm.s32 $0x6  }
0xb0: {  	_ =	swait.ge [sflag:s2], $0x2000  }
0xb1: {  	[sflag:s2] =	ssyncset.done $0x0  }
0xb2: {  	s0 =	simm.s32 $0x10288;
	s10 =	rddreg [dreg:$0x13];
	[sflag:s2] =	ssyncadd.s32 $0xFFFFE000  }
0xb3: {  	[hbm4b:s10+s4] =	stream.linear.scatter [tilespmem:s0], [sflag:$0x10], $0x2000, $0x38;
	[tilespmem:$0x1C288] =	vst v63  }
0xb4: {  	_ =	swait.ge [sflag:s7], $0x40  }
0xb5: {  	s23 =	simm.s32 $0x8248;
	[sflag:s7] =	ssyncset.done $0x0  }
0xb6: {  	s13 =	simm.s32 $0x1A288;
	s0 =	sld [smem:$0x7F8];
	[sflag:s7] =	ssyncadd.s32 $0xFFFFFFC0  }
0xb7: {  	[tilespmem:s13], [sflag:$0xB] =	stream.indirect.gather [spmem:s3], $0x80, s23, s8, $0xb8;
	[tilespmem:$0x1C288] =	vst v63  }
0xb8: {  	_ = 	snop  }
0xb9: {  	[tilespmem:s22], [sflag:$0x1] =	stream.linear.gather [hbm4b:s0+s4], $0x40, $0x38;
	[tilespmem:$0x1C288] =	vst v63  }
0xba: {  	s0 =	simm.s32 $0x7  }
0xbb: {  	_ =	swait.ge [sflag:s0], $0x2000  }
0xbc: {  	[sflag:s0] =	ssyncset.done $0x0  }
0xbd: {  	s1 =	rddreg [dreg:$0x14];
	[sflag:s0] =	ssyncadd.s32 $0xFFFFE000  }
0xbe: {  	[hbm4b:s1+s4] =	stream.linear.scatter [tilespmem:s28], [sflag:$0x11], $0x2000, $0x38;
	[tilespmem:$0x1C288] =	vst v63  }
0xbf: {  	s1 =	simm.s32 $0xC  }
0xc0: {  	_ =	swait.ge [sflag:s1], $0x2000  }
0xc1: {  	[sflag:s1] =	ssyncset.done $0x0  }
0xc2: {  	[sflag:s1] =	ssyncadd.s32 $0xFFFFE000  }
0xc3: {  	_ =	swait.ge [sflag:s7], $0x40  }
0xc4: {  	[sflag:s7] =	ssyncset.done $0x0  }
0xc5: {  	s10 =	sld [smem:$0x7F9];
	[sflag:s7] =	ssyncadd.s32 $0xFFFFFFC0  }
0xc6: {  	[tilespmem:s25], [sflag:$0x2] =	stream.indirect.gather [spmem:s3], $0x80, s30, s8, $0xb8;
	[tilespmem:$0x1C288] =	vst v63  }
0xc7: {  	_ = 	snop  }
0xc8: {  	[tilespmem:s14], [sflag:$0x1] =	stream.linear.gather [hbm4b:s10+s4], $0x40, $0x38;
	[tilespmem:$0x1C288] =	vst v63  }
0xc9: {  	s10 =	simm.s32 $0x8  }
0xca: {  	_ =	swait.ge [sflag:s10], $0x2000  }
0xcb: {  	[sflag:s10] =	ssyncset.done $0x0  }
0xcc: {  	s6 =	simm.s32 $0x14288;
	s14 =	rddreg [dreg:$0x15];
	[sflag:s10] =	ssyncadd.s32 $0xFFFFE000  }
0xcd: {  	[hbm4b:s14+s4] =	stream.linear.scatter [tilespmem:s6], [sflag:$0x12], $0x2000, $0x38;
	[tilespmem:$0x1C288] =	vst v63  }
0xce: {  	s14 =	simm.s32 $0xD  }
0xcf: {  	_ =	swait.ge [sflag:s14], $0x2000  }
0xd0: {  	[sflag:s14] =	ssyncset.done $0x0  }
0xd1: {  	[sflag:s14] =	ssyncadd.s32 $0xFFFFE000  }
0xd2: {  	_ =	swait.ge [sflag:s7], $0x40  }
0xd3: {  	[sflag:s7] =	ssyncset.done $0x0  }
0xd4: {  	s18 =	simm.s32 $0x8048;
	s21 =	simm.s32 $0xA288;
	[sflag:s7] =	ssyncadd.s32 $0xFFFFFFC0  }
0xd5: {  	[tilespmem:s21], [sflag:$0x3] =	stream.indirect.gather [spmem:s3], $0x80, s18, s8, $0xb8;
	[tilespmem:$0x1C288] =	vst v63  }
0xd6: {  	s18 =	sld [smem:$0x7FA];
	_ =	sdelay $0x2  }
0xd7: {  	[tilespmem:s15], [sflag:$0x1] =	stream.linear.gather [hbm4b:s18+s4], $0x40, $0x38;
	[tilespmem:$0x1C288] =	vst v63  }
0xd8: {  	s15 =	simm.s32 $0x9  }
0xd9: {  	_ =	swait.ge [sflag:s15], $0x2000  }
0xda: {  	[sflag:s15] =	ssyncset.done $0x0  }
0xdb: {  	s17 =	simm.s32 $0x16288;
	s21 =	rddreg [dreg:$0x16];
	[sflag:s15] =	ssyncadd.s32 $0xFFFFE000  }
0xdc: {  	[hbm4b:s21+s4] =	stream.linear.scatter [tilespmem:s17], [sflag:$0x13], $0x2000, $0x38;
	[tilespmem:$0x1C288] =	vst v63  }
0xdd: {  	s17 =	simm.s32 $0xE  }
0xde: {  	_ =	swait.ge [sflag:s17], $0x2000  }
0xdf: {  	[sflag:s17] =	ssyncset.done $0x0  }
0xe0: {  	[sflag:s17] =	ssyncadd.s32 $0xFFFFE000  }
0xe1: {  	_ =	swait.ge [sflag:s7], $0x40  }
0xe2: {  	[sflag:s7] =	ssyncset.done $0x0  }
0xe3: {  	s18 =	simm.s32 $0xC288;
	s21 =	sld [smem:$0x7FB];
	[sflag:s7] =	ssyncadd.s32 $0xFFFFFFC0  }
0xe4: {  	[tilespmem:s18], [sflag:$0x4] =	stream.indirect.gather [spmem:s3], $0x80, s16, s8, $0xb8;
	[tilespmem:$0x1C288] =	vst v63  }
0xe5: {  	s18 =	simm.s32 $0xA  }
0xe6: {  	[tilespmem:s5], [sflag:$0x1] =	stream.linear.gather [hbm4b:s21+s4], $0x40, $0x38;
	[tilespmem:$0x1C288] =	vst v63  }
0xe7: {  	_ =	swait.ge [sflag:s18], $0x2000  }
0xe8: {  	[sflag:s18] =	ssyncset.done $0x0  }
0xe9: {  	s19 =	simm.s32 $0x18288;
	s5 =	rddreg [dreg:$0x17];
	[sflag:s18] =	ssyncadd.s32 $0xFFFFE000  }
0xea: {  	[hbm4b:s5+s4] =	stream.linear.scatter [tilespmem:s19], [sflag:$0x14], $0x2000, $0x38;
	[tilespmem:$0x1C288] =	vst v63  }
0xeb: {  	s19 =	simm.s32 $0xF  }
0xec: {  	_ =	swait.ge [sflag:s19], $0x2000  }
0xed: {  	[sflag:s19] =	ssyncset.done $0x0  }
0xee: {  	[sflag:s19] =	ssyncadd.s32 $0xFFFFE000  }
0xef: {  	_ =	swait.ge [sflag:s7], $0x40  }
0xf0: {  	[sflag:s7] =	ssyncset.done $0x0  }
0xf1: {  	s16 =	simm.s32 $0xE288;
	[sflag:s7] =	ssyncadd.s32 $0xFFFFFFC0  }
0xf2: {  	[tilespmem:s16], [sflag:$0x5] =	stream.indirect.gather [spmem:s3], $0x80, s20, s8, $0xb8;
	[tilespmem:$0x1C288] =	vst v63  }
0xf3: {  	s20 =	sld [smem:$0x7FC];
	_ =	sdelay $0x1  }
0xf4: {  	s21 =	simm.s32 $0x8208  }
0xf5: {  	[tilespmem:s21], [sflag:$0x1] =	stream.linear.gather [hbm4b:s20+s4], $0x40, $0x38;
	[tilespmem:$0x1C288] =	vst v63  }
0xf6: {  	s21 =	simm.s32 $0xB  }
0xf7: {  	_ =	swait.ge [sflag:s21], $0x2000  }
0xf8: {  	[sflag:s21] =	ssyncset.done $0x0  }
0xf9: {  	s23 =	simm.s32 $0x1A288;
	s5 =	rddreg [dreg:$0x18];
	[sflag:s21] =	ssyncadd.s32 $0xFFFFE000  }
0xfa: {  	[hbm4b:s5+s4] =	stream.linear.scatter [tilespmem:s23], [sflag:$0x15], $0x2000, $0x38;
	[tilespmem:$0x1C288] =	vst v63  }
0xfb: {  	s23 =	simm.s32 $0x10  }
0xfc: {  	_ =	swait.ge [sflag:s23], $0x2000  }
0xfd: {  	[sflag:s23] =	ssyncset.done $0x0  }
0xfe: {  	[sflag:s23] =	ssyncadd.s32 $0xFFFFE000  }
0xff: {  	_ =	swait.ge [sflag:s7], $0x40  }
0x100: {  	[sflag:s7] =	ssyncset.done $0x0  }
0x101: {  	s16 =	simm.s32 $0x10288;
	s20 =	sld [smem:$0x7FD];
	[sflag:s7] =	ssyncadd.s32 $0xFFFFFFC0  }
0x102: {  	[tilespmem:s16], [sflag:$0x6] =	stream.indirect.gather [spmem:s3], $0x80, s22, s8, $0xb8;
	[tilespmem:$0x1C288] =	vst v63  }
0x103: {  	s22 =	simm.s32 $0x8248  }
0x104: {  	[tilespmem:s22], [sflag:$0x1] =	stream.linear.gather [hbm4b:s20+s4], $0x40, $0x38;
	[tilespmem:$0x1C288] =	vst v63  }
0x105: {  	_ =	swait.ge [sflag:s24], $0x2000  }
0x106: {  	s20 =	sld [smem:$0x7F0];
	_ =	sdelay $0x1  }
0x107: {  	[sflag:s24] =	ssyncset.done $0x0  }
0x108: {  	s13 =	simm.s32 $0x11;
	[sflag:s24] =	ssyncadd.s32 $0xFFFFE000;
	s5 =	sadd.s32 $0xFFFFDC00, s20  }
0x109: {  	[hbm4b:s5+s4] =	stream.linear.scatter [tilespmem:s25], [sflag:$0xC], $0x2000, $0x38;
	[tilespmem:$0x1C288] =	vst v63  }
0x10a: {  	_ =	swait.ge [sflag:s13], $0x2000  }
0x10b: {  	[sflag:s13] =	ssyncset.done $0x0  }
0x10c: {  	[sflag:s13] =	ssyncadd.s32 $0xFFFFE000  }
0x10d: {  	_ =	swait.ge [sflag:s7], $0x40  }
0x10e: {  	[sflag:s7] =	ssyncset.done $0x0  }
0x10f: {  	s5 =	simm.s32 $0x8148;
	s13 =	rddreg [dreg:$0xe];
	[sflag:s7] =	ssyncadd.s32 $0xFFFFFFC0  }
0x110: {  	[tilespmem:s28], [sflag:$0x7] =	stream.indirect.gather [spmem:s3], $0x80, s5, s8, $0xb8;
	[tilespmem:$0x1C288] =	vst v63  }
0x111: {  	s13 =	sadd.s32 $0x0, s13  }
0x112: {  	[tilespmem:s30], [sflag:$0x1] =	stream.linear.gather [hbm4b:s13+s4], $0x40, $0x38;
	[tilespmem:$0x1C288] =	vst v63  }
0x113: {  	_ =	swait.ge [sflag:s26], $0x2000  }
0x114: {  	s6 =	simm.s32 $0xA288;
	[sflag:s26] =	ssyncset.done $0x0  }
0x115: {  	s5 =	sadd.s32 $0xFFFFE000, s20;
	[sflag:s26] =	ssyncadd.s32 $0xFFFFE000;
	s26 =	simm.s32 $0x12  }
0x116: {  	[hbm4b:s5+s4] =	stream.linear.scatter [tilespmem:s6], [sflag:$0xD], $0x2000, $0x38;
	[tilespmem:$0x1C288] =	vst v63  }
0x117: {  	_ =	swait.ge [sflag:s26], $0x2000  }
0x118: {  	[sflag:s26] =	ssyncset.done $0x0  }
0x119: {  	[sflag:s26] =	ssyncadd.s32 $0xFFFFE000  }
0x11a: {  	_ =	swait.ge [sflag:s7], $0x40  }
0x11b: {  	s6 =	simm.s32 $0x8188;
	[sflag:s7] =	ssyncset.done $0x0  }
0x11c: {  	s26 =	simm.s32 $0x14288;
	s13 =	rddreg [dreg:$0xd];
	[sflag:s7] =	ssyncadd.s32 $0xFFFFFFC0  }
0x11d: {  	[tilespmem:s26], [sflag:$0x8] =	stream.indirect.gather [spmem:s3], $0x80, s6, s8, $0xb8;
	[tilespmem:$0x1C288] =	vst v63  }
0x11e: {  	s13 =	sadd.s32 $0x0, s13;
	s26 =	simm.s32 $0x8048  }
0x11f: {  	[tilespmem:s26], [sflag:$0x1] =	stream.linear.gather [hbm4b:s13+s4], $0x40, $0x38;
	[tilespmem:$0x1C288] =	vst v63  }
0x120: {  	_ =	swait.ge [sflag:s29], $0x2000  }
0x121: {  	[sflag:s29] =	ssyncset.done $0x0  }
0x122: {  	s5 =	sadd.s32 $0xFFFFE400, s20;
	s6 =	simm.s32 $0xC288;
	[sflag:s29] =	ssyncadd.s32 $0xFFFFE000  }
0x123: {  	[hbm4b:s5+s4] =	stream.linear.scatter [tilespmem:s6], [sflag:$0xE], $0x2000, $0x38;
	[tilespmem:$0x1C288] =	vst v63  }
0x124: {  	_ =	swait.ge [sflag:s9], $0x2000  }
0x125: {  	[sflag:s9] =	ssyncset.done $0x0  }
0x126: {  	[sflag:s9] =	ssyncadd.s32 $0xFFFFE000  }
0x127: {  	_ =	swait.ge [sflag:s7], $0x40  }
0x128: {  	s26 =	simm.s32 $0x81C8;
	[sflag:s7] =	ssyncset.done $0x0  }
0x129: {  	s29 =	simm.s32 $0x16288;
	s13 =	rddreg [dreg:$0xc];
	[sflag:s7] =	ssyncadd.s32 $0xFFFFFFC0  }
0x12a: {  	[tilespmem:s29], [sflag:$0x9] =	stream.indirect.gather [spmem:s3], $0x80, s26, s8, $0xb8;
	[tilespmem:$0x1C288] =	vst v63  }
0x12b: {  	s16 =	simm.s32 $0x8088;
	s13 =	sadd.s32 $0x0, s13  }
0x12c: {  	[tilespmem:s16], [sflag:$0x1] =	stream.linear.gather [hbm4b:s13+s4], $0x40, $0x38;
	[tilespmem:$0x1C288] =	vst v63  }
0x12d: {  	_ =	swait.ge [sflag:s31], $0x2000  }
0x12e: {  	[sflag:s31] =	ssyncset.done $0x0  }
0x12f: {  	s6 =	sadd.s32 $0xFFFFE800, s20;
	s29 =	simm.s32 $0xE288;
	[sflag:s31] =	ssyncadd.s32 $0xFFFFE000  }
0x130: {  	[hbm4b:s6+s4] =	stream.linear.scatter [tilespmem:s29], [sflag:$0xF], $0x2000, $0x38;
	[tilespmem:$0x1C288] =	vst v63  }
0x131: {  	_ =	swait.ge [sflag:s11], $0x2000  }
0x132: {  	[sflag:s11] =	ssyncset.done $0x0  }
0x133: {  	[sflag:s11] =	ssyncadd.s32 $0xFFFFE000  }
0x134: {  	_ =	swait.ge [sflag:s7], $0x40  }
0x135: {  	s6 =	simm.s32 $0x8208;
	[sflag:s7] =	ssyncset.done $0x0  }
0x136: {  	s29 =	simm.s32 $0x18288;
	s31 =	rddreg [dreg:$0xb];
	[sflag:s7] =	ssyncadd.s32 $0xFFFFFFC0  }
0x137: {  	[tilespmem:s29], [sflag:$0xA] =	stream.indirect.gather [spmem:s3], $0x80, s6, s8, $0xb8;
	[tilespmem:$0x1C288] =	vst v63  }
0x138: {  	s22 =	simm.s32 $0x80C8;
	s13 =	sadd.s32 $0x0, s31  }
0x139: {  	[tilespmem:s22], [sflag:$0x1] =	stream.linear.gather [hbm4b:s13+s4], $0x40, $0x38;
	[tilespmem:$0x1C288] =	vst v63  }
0x13a: {  	_ =	swait.ge [sflag:s2], $0x2000  }
0x13b: {  	[sflag:s2] =	ssyncset.done $0x0  }
0x13c: {  	s31 =	sadd.s32 $0xFFFFEC00, s20;
	[sflag:s2] =	ssyncadd.s32 $0xFFFFE000;
	s2 =	simm.s32 $0x10288  }
0x13d: {  	[hbm4b:s31+s4] =	stream.linear.scatter [tilespmem:s2], [sflag:$0x10], $0x2000, $0x38;
	[tilespmem:$0x1C288] =	vst v63  }
0x13e: {  	_ =	swait.ge [sflag:s12], $0x2000  }
0x13f: {  	[sflag:s12] =	ssyncset.done $0x0  }
0x140: {  	[sflag:s12] =	ssyncadd.s32 $0xFFFFE000  }
0x141: {  	_ =	swait.ge [sflag:s7], $0x40  }
0x142: {  	s5 =	simm.s32 $0x1A288;
	[sflag:s7] =	ssyncset.done $0x0  }
0x143: {  	s31 =	simm.s32 $0x8248;
	s13 =	rddreg [dreg:$0xa];
	[sflag:s7] =	ssyncadd.s32 $0xFFFFFFC0  }
0x144: {  	[tilespmem:s5], [sflag:$0xB] =	stream.indirect.gather [spmem:s3], $0x80, s31, s8, $0xb8;
	[tilespmem:$0x1C288] =	vst v63  }
0x145: {  	s24 =	simm.s32 $0x8108;
	s13 =	sadd.s32 $0x0, s13  }
0x146: {  	[tilespmem:s24], [sflag:$0x1] =	stream.linear.gather [hbm4b:s13+s4], $0x40, $0x38;
	[tilespmem:$0x1C288] =	vst v63  }
0x147: {  	_ =	swait.ge [sflag:s0], $0x2000  }
0x148: {  	[sflag:s0] =	ssyncset.done $0x0  }
0x149: {  	[sflag:s0] =	ssyncadd.s32 $0xFFFFE000;
	s0 =	sadd.s32 $0xFFFFF000, s20  }
0x14a: {  	[hbm4b:s0+s4] =	stream.linear.scatter [tilespmem:s28], [sflag:$0x11], $0x2000, $0x38;
	[tilespmem:$0x1C288] =	vst v63  }
0x14b: {  	_ =	swait.ge [sflag:s1], $0x2000  }
0x14c: {  	[sflag:s1] =	ssyncset.done $0x0  }
0x14d: {  	[sflag:s1] =	ssyncadd.s32 $0xFFFFE000  }
0x14e: {  	_ =	swait.ge [sflag:s7], $0x40  }
0x14f: {  	[sflag:s7] =	ssyncset.done $0x0  }
0x150: {  	s1 =	rddreg [dreg:$0x9];
	[sflag:s7] =	ssyncadd.s32 $0xFFFFFFC0  }
0x151: {  	[tilespmem:s25], [sflag:$0x2] =	stream.indirect.gather [spmem:s3], $0x80, s30, s8, $0xb8;
	[tilespmem:$0x1C288] =	vst v63  }
0x152: {  	s13 =	sadd.s32 $0x0, s1;
	s25 =	simm.s32 $0x8148  }
0x153: {  	[tilespmem:s25], [sflag:$0x1] =	stream.linear.gather [hbm4b:s13+s4], $0x40, $0x38;
	[tilespmem:$0x1C288] =	vst v63  }
0x154: {  	_ =	swait.ge [sflag:s10], $0x2000  }
0x155: {  	[sflag:s10] =	ssyncset.done $0x0  }
0x156: {  	s28 =	sadd.s32 $0xFFFFF400, s20;
	s30 =	simm.s32 $0x14288;
	[sflag:s10] =	ssyncadd.s32 $0xFFFFE000  }
0x157: {  	[hbm4b:s28+s4] =	stream.linear.scatter [tilespmem:s30], [sflag:$0x12], $0x2000, $0x38;
	[tilespmem:$0x1C288] =	vst v63  }
0x158: {  	_ =	swait.ge [sflag:s14], $0x2000  }
0x159: {  	[sflag:s14] =	ssyncset.done $0x0  }
0x15a: {  	[sflag:s14] =	ssyncadd.s32 $0xFFFFE000  }
0x15b: {  	_ =	swait.ge [sflag:s7], $0x40  }
0x15c: {  	s1 =	simm.s32 $0xA288;
	[sflag:s7] =	ssyncset.done $0x0  }
0x15d: {  	s10 =	simm.s32 $0x8048;
	s31 =	rddreg [dreg:$0x8];
	[sflag:s7] =	ssyncadd.s32 $0xFFFFFFC0  }
0x15e: {  	[tilespmem:s1], [sflag:$0x3] =	stream.indirect.gather [spmem:s3], $0x80, s10, s8, $0xb8;
	[tilespmem:$0x1C288] =	vst v63  }
0x15f: {  	s14 =	simm.s32 $0x8188;
	s13 =	sadd.s32 $0x0, s31  }
0x160: {  	[tilespmem:s14], [sflag:$0x1] =	stream.linear.gather [hbm4b:s13+s4], $0x40, $0x38;
	[tilespmem:$0x1C288] =	vst v63  }
0x161: {  	_ =	swait.ge [sflag:s15], $0x2000  }
0x162: {  	[sflag:s15] =	ssyncset.done $0x0  }
0x163: {  	s26 =	simm.s32 $0x16288;
	[sflag:s15] =	ssyncadd.s32 $0xFFFFE000;
	s15 =	sadd.s32 $0xFFFFF800, s20  }
0x164: {  	[hbm4b:s15+s4] =	stream.linear.scatter [tilespmem:s26], [sflag:$0x13], $0x2000, $0x38;
	[tilespmem:$0x1C288] =	vst v63  }
0x165: {  	_ =	swait.ge [sflag:s17], $0x2000  }
0x166: {  	[sflag:s17] =	ssyncset.done $0x0  }
0x167: {  	[sflag:s17] =	ssyncadd.s32 $0xFFFFE000  }
0x168: {  	_ =	swait.ge [sflag:s7], $0x40  }
0x169: {  	[sflag:s7] =	ssyncset.done $0x0  }
0x16a: {  	s25 =	simm.s32 $0xC288;
	s17 =	rddreg [dreg:$0x7];
	[sflag:s7] =	ssyncadd.s32 $0xFFFFFFC0  }
0x16b: {  	[tilespmem:s25], [sflag:$0x4] =	stream.indirect.gather [spmem:s3], $0x80, s16, s8, $0xb8;
	[tilespmem:$0x1C288] =	vst v63  }
0x16c: {  	s26 =	simm.s32 $0x81C8;
	s13 =	sadd.s32 $0x0, s17  }
0x16d: {  	[tilespmem:s26], [sflag:$0x1] =	stream.linear.gather [hbm4b:s13+s4], $0x40, $0x38;
	[tilespmem:$0x1C288] =	vst v63  }
0x16e: {  	_ =	swait.ge [sflag:s18], $0x2000  }
0x16f: {  	[sflag:s18] =	ssyncset.done $0x0  }
0x170: {  	s29 =	simm.s32 $0x18288;
	s28 =	sadd.s32 $0xFFFFFC00, s20;
	[sflag:s18] =	ssyncadd.s32 $0xFFFFE000  }
0x171: {  	[hbm4b:s28+s4] =	stream.linear.scatter [tilespmem:s29], [sflag:$0x14], $0x2000, $0x38;
	[tilespmem:$0x1C288] =	vst v63  }
0x172: {  	_ =	swait.ge [sflag:s19], $0x2000  }
0x173: {  	[sflag:s19] =	ssyncset.done $0x0  }
0x174: {  	[sflag:s19] =	ssyncadd.s32 $0xFFFFE000  }
0x175: {  	_ =	swait.ge [sflag:s7], $0x40  }
0x176: {  	[sflag:s7] =	ssyncset.done $0x0  }
0x177: {  	s30 =	simm.s32 $0xE288;
	s29 =	rddreg [dreg:$0x6];
	[sflag:s7] =	ssyncadd.s32 $0xFFFFFFC0  }
0x178: {  	[tilespmem:s30], [sflag:$0x5] =	stream.indirect.gather [spmem:s3], $0x80, s22, s8, $0xb8;
	[tilespmem:$0x1C288] =	vst v63  }
0x179: {  	s6 =	simm.s32 $0x8208;
	s13 =	sadd.s32 $0x0, s29  }
0x17a: {  	[tilespmem:s6], [sflag:$0x1] =	stream.linear.gather [hbm4b:s13+s4], $0x40, $0x38;
	[tilespmem:$0x1C288] =	vst v63  }
0x17b: {  	_ =	swait.ge [sflag:s21], $0x2000  }
0x17c: {  	[sflag:s21] =	ssyncset.done $0x0  }
0x17d: {  	[sflag:s21] =	ssyncadd.s32 $0xFFFFE000  }
0x17e: {  	[hbm4b:s20+s4] =	stream.linear.scatter [tilespmem:s5], [sflag:$0x15], $0x2000, $0x38;
	[tilespmem:$0x1C288] =	vst v63  }
0x17f: {  	_ =	swait.ge [sflag:s23], $0x2000  }
0x180: {  	[sflag:s23] =	ssyncset.done $0x0  }
0x181: {  	[sflag:s23] =	ssyncadd.s32 $0xFFFFE000  }
0x182: {  	_ =	swait.ge [sflag:s7], $0x40  }
0x183: {  	s14 =	sadd.s32 $0x2800, s20;
	[sflag:s7] =	ssyncset.done $0x0;
	s31 =	rddreg [dreg:$0x5]  }
0x184: {  	s13 =	simm.s32 $0x50;
	[sflag:s7] =	ssyncadd.s32 $0xFFFFFFC0;
	s18 =	sadd.s32 $0x0, s31  }
0x185: {  	[tilespmem:s2], [sflag:$0x6] =	stream.indirect.gather [spmem:s3], $0x80, s24, s8, $0xb8;
	[tilespmem:$0x1C288] =	vst v63  }
.LBB2_2:
0x186: {  	s19 =	simm.s32 $0x8248;
	s1 =	simm.s32 $0x2  }
0x187: {  	[tilespmem:s19], [sflag:$0x1] =	stream.linear.gather [hbm4b:s18+s4], $0x40, $0x38;
	[tilespmem:$0x1C288] =	vst v63  }
0x188: {  	_ =	swait.ge [sflag:s1], $0x2000  }
0x189: {  	s20 =	sadd.s32 $0xFFFFDC00, s14;
	[sflag:s1] =	ssyncset.done $0x0  }
0x18a: {  	s0 =	simm.s32 $0x11;
	[sflag:s1] =	ssyncadd.s32 $0xFFFFE000;
	s1 =	simm.s32 $0x8288  }
0x18b: {  	[hbm4b:s20+s4] =	stream.linear.scatter [tilespmem:s1], [sflag:$0xC], $0x2000, $0x38;
	[tilespmem:$0x1C288] =	vst v63  }
0x18c: {  	_ =	swait.ge [sflag:s0], $0x2000  }
0x18d: {  	[sflag:s0] =	ssyncset.done $0x0  }
0x18e: {  	[sflag:s0] =	ssyncadd.s32 $0xFFFFE000  }
0x18f: {  	_ =	swait.ge [sflag:s7], $0x40  }
0x190: {  	s17 =	simm.s32 $0x8148;
	s10 =	simm.s32 $0x12288;
	[sflag:s7] =	ssyncset.done $0x0  }
0x191: {  	s18 =	smov.u32 s13;
	s28 =	rddreg [dreg:$0xe];
	[sflag:s7] =	ssyncadd.s32 $0xFFFFFFC0  }
0x192: {  	[tilespmem:s10], [sflag:$0x7] =	stream.indirect.gather [spmem:s3], $0x80, s17, s8, $0xb8;
	[tilespmem:$0x1C288] =	vst v63  }
0x193: {  	s5 =	simm.s32 $0x8008;
	s15 =	simm.s32 $0x3;
	s20 =	sadd.s32 s18, s28  }
0x194: {  	[tilespmem:s5], [sflag:$0x1] =	stream.linear.gather [hbm4b:s20+s4], $0x40, $0x38;
	[tilespmem:$0x1C288] =	vst v63  }
0x195: {  	_ =	swait.ge [sflag:s15], $0x2000  }
0x196: {  	s29 =	sadd.s32 $0xFFFFE000, s14;
	[sflag:s15] =	ssyncset.done $0x0  }
0x197: {  	s25 =	simm.s32 $0xA288;
	s30 =	simm.s32 $0x12;
	[sflag:s15] =	ssyncadd.s32 $0xFFFFE000  }
0x198: {  	[hbm4b:s29+s4] =	stream.linear.scatter [tilespmem:s25], [sflag:$0xD], $0x2000, $0x38;
	[tilespmem:$0x1C288] =	vst v63  }
0x199: {  	_ =	swait.ge [sflag:s30], $0x2000  }
0x19a: {  	[sflag:s30] =	ssyncset.done $0x0  }
0x19b: {  	[sflag:s30] =	ssyncadd.s32 $0xFFFFE000  }
0x19c: {  	_ =	swait.ge [sflag:s7], $0x40  }
0x19d: {  	s21 =	simm.s32 $0x8188;
	[sflag:s7] =	ssyncset.done $0x0  }
0x19e: {  	s30 =	simm.s32 $0x14288;
	s31 =	rddreg [dreg:$0xd];
	[sflag:s7] =	ssyncadd.s32 $0xFFFFFFC0  }
0x19f: {  	[tilespmem:s30], [sflag:$0x8] =	stream.indirect.gather [spmem:s3], $0x80, s21, s8, $0xb8;
	[tilespmem:$0x1C288] =	vst v63  }
0x1a0: {  	s6 =	simm.s32 $0x8048;
	s0 =	simm.s32 $0x4;
	s20 =	sadd.s32 s18, s31  }
0x1a1: {  	[tilespmem:s6], [sflag:$0x1] =	stream.linear.gather [hbm4b:s20+s4], $0x40, $0x38;
	[tilespmem:$0x1C288] =	vst v63  }
0x1a2: {  	_ =	swait.ge [sflag:s0], $0x2000  }
0x1a3: {  	[sflag:s0] =	ssyncset.done $0x0  }
0x1a4: {  	s2 =	sadd.s32 $0xFFFFE400, s14;
	s26 =	simm.s32 $0xC288;
	[sflag:s0] =	ssyncadd.s32 $0xFFFFE000  }
0x1a5: {  	[hbm4b:s2+s4] =	stream.linear.scatter [tilespmem:s26], [sflag:$0xE], $0x2000, $0x38;
	[tilespmem:$0x1C288] =	vst v63  }
0x1a6: {  	_ =	swait.ge [sflag:s9], $0x2000  }
0x1a7: {  	[sflag:s9] =	ssyncset.done $0x0  }
0x1a8: {  	[sflag:s9] =	ssyncadd.s32 $0xFFFFE000  }
0x1a9: {  	_ =	swait.ge [sflag:s7], $0x40  }
0x1aa: {  	s23 =	simm.s32 $0x81C8;
	[sflag:s7] =	ssyncset.done $0x0  }
0x1ab: {  	s31 =	simm.s32 $0x16288;
	s15 =	rddreg [dreg:$0xc];
	[sflag:s7] =	ssyncadd.s32 $0xFFFFFFC0  }
0x1ac: {  	[tilespmem:s31], [sflag:$0x9] =	stream.indirect.gather [spmem:s3], $0x80, s23, s8, $0xb8;
	[tilespmem:$0x1C288] =	vst v63  }
0x1ad: {  	s28 =	simm.s32 $0x5;
	s20 =	sadd.s32 s18, s15  }
0x1ae: {  	[tilespmem:s16], [sflag:$0x1] =	stream.linear.gather [hbm4b:s20+s4], $0x40, $0x38;
	[tilespmem:$0x1C288] =	vst v63  }
0x1af: {  	_ =	swait.ge [sflag:s28], $0x2000  }
0x1b0: {  	[sflag:s28] =	ssyncset.done $0x0  }
0x1b1: {  	s29 =	sadd.s32 $0xFFFFE800, s14;
	[sflag:s28] =	ssyncadd.s32 $0xFFFFE000;
	s28 =	simm.s32 $0xE288  }
0x1b2: {  	[hbm4b:s29+s4] =	stream.linear.scatter [tilespmem:s28], [sflag:$0xF], $0x2000, $0x38;
	[tilespmem:$0x1C288] =	vst v63  }
0x1b3: {  	_ =	swait.ge [sflag:s11], $0x2000  }
0x1b4: {  	[sflag:s11] =	ssyncset.done $0x0  }
0x1b5: {  	[sflag:s11] =	ssyncadd.s32 $0xFFFFE000  }
0x1b6: {  	_ =	swait.ge [sflag:s7], $0x40  }
0x1b7: {  	s2 =	simm.s32 $0x18288;
	[sflag:s7] =	ssyncset.done $0x0  }
0x1b8: {  	s15 =	simm.s32 $0x8208;
	s0 =	rddreg [dreg:$0xb];
	[sflag:s7] =	ssyncadd.s32 $0xFFFFFFC0  }
0x1b9: {  	[tilespmem:s2], [sflag:$0xA] =	stream.indirect.gather [spmem:s3], $0x80, s15, s8, $0xb8;
	[tilespmem:$0x1C288] =	vst v63  }
0x1ba: {  	s29 =	simm.s32 $0x6;
	s20 =	sadd.s32 s18, s0  }
0x1bb: {  	[tilespmem:s22], [sflag:$0x1] =	stream.linear.gather [hbm4b:s20+s4], $0x40, $0x38;
	[tilespmem:$0x1C288] =	vst v63  }
0x1bc: {  	_ =	swait.ge [sflag:s29], $0x2000  }
0x1bd: {  	[sflag:s29] =	ssyncset.done $0x0  }
0x1be: {  	s0 =	sadd.s32 $0xFFFFEC00, s14;
	[sflag:s29] =	ssyncadd.s32 $0xFFFFE000;
	s29 =	simm.s32 $0x10288  }
0x1bf: {  	[hbm4b:s0+s4] =	stream.linear.scatter [tilespmem:s29], [sflag:$0x10], $0x2000, $0x38;
	[tilespmem:$0x1C288] =	vst v63  }
0x1c0: {  	_ =	swait.ge [sflag:s12], $0x2000  }
0x1c1: {  	[sflag:s12] =	ssyncset.done $0x0  }
0x1c2: {  	[sflag:s12] =	ssyncadd.s32 $0xFFFFE000  }
0x1c3: {  	_ =	swait.ge [sflag:s7], $0x40  }
0x1c4: {  	[sflag:s7] =	ssyncset.done $0x0  }
0x1c5: {  	s0 =	simm.s32 $0x1A288;
	s20 =	rddreg [dreg:$0xa];
	[sflag:s7] =	ssyncadd.s32 $0xFFFFFFC0  }
0x1c6: {  	[tilespmem:s0], [sflag:$0xB] =	stream.indirect.gather [spmem:s3], $0x80, s19, s8, $0xb8;
	[tilespmem:$0x1C288] =	vst v63  }
0x1c7: {  	s20 =	sadd.s32 s18, s20  }
0x1c8: {  	[tilespmem:s24], [sflag:$0x1] =	stream.linear.gather [hbm4b:s20+s4], $0x40, $0x38;
	[tilespmem:$0x1C288] =	vst v63  }
0x1c9: {  	s20 =	simm.s32 $0x7  }
0x1ca: {  	_ =	swait.ge [sflag:s20], $0x2000  }
0x1cb: {  	[sflag:s20] =	ssyncset.done $0x0  }
0x1cc: {  	s19 =	sadd.s32 $0xFFFFF000, s14;
	[sflag:s20] =	ssyncadd.s32 $0xFFFFE000;
	s20 =	simm.s32 $0xC  }
0x1cd: {  	[hbm4b:s19+s4] =	stream.linear.scatter [tilespmem:s10], [sflag:$0x11], $0x2000, $0x38;
	[tilespmem:$0x1C288] =	vst v63  }
0x1ce: {  	_ =	swait.ge [sflag:s20], $0x2000  }
0x1cf: {  	[sflag:s20] =	ssyncset.done $0x0  }
0x1d0: {  	[sflag:s20] =	ssyncadd.s32 $0xFFFFE000  }
0x1d1: {  	_ =	swait.ge [sflag:s7], $0x40  }
0x1d2: {  	[sflag:s7] =	ssyncset.done $0x0  }
0x1d3: {  	s19 =	rddreg [dreg:$0x9];
	[sflag:s7] =	ssyncadd.s32 $0xFFFFFFC0  }
0x1d4: {  	[tilespmem:s1], [sflag:$0x2] =	stream.indirect.gather [spmem:s3], $0x80, s5, s8, $0xb8;
	[tilespmem:$0x1C288] =	vst v63  }
0x1d5: {  	s20 =	sadd.s32 s18, s19  }
0x1d6: {  	[tilespmem:s17], [sflag:$0x1] =	stream.linear.gather [hbm4b:s20+s4], $0x40, $0x38;
	[tilespmem:$0x1C288] =	vst v63  }
0x1d7: {  	s20 =	simm.s32 $0x8  }
0x1d8: {  	_ =	swait.ge [sflag:s20], $0x2000  }
0x1d9: {  	[sflag:s20] =	ssyncset.done $0x0  }
0x1da: {  	s1 =	sadd.s32 $0xFFFFF400, s14;
	s5 =	simm.s32 $0xD;
	[sflag:s20] =	ssyncadd.s32 $0xFFFFE000  }
0x1db: {  	[hbm4b:s1+s4] =	stream.linear.scatter [tilespmem:s30], [sflag:$0x12], $0x2000, $0x38;
	[tilespmem:$0x1C288] =	vst v63  }
0x1dc: {  	_ =	swait.ge [sflag:s5], $0x2000  }
0x1dd: {  	[sflag:s5] =	ssyncset.done $0x0  }
0x1de: {  	[sflag:s5] =	ssyncadd.s32 $0xFFFFE000  }
0x1df: {  	_ =	swait.ge [sflag:s7], $0x40  }
0x1e0: {  	[sflag:s7] =	ssyncset.done $0x0  }
0x1e1: {  	s17 =	rddreg [dreg:$0x8];
	[sflag:s7] =	ssyncadd.s32 $0xFFFFFFC0  }
0x1e2: {  	[tilespmem:s25], [sflag:$0x3] =	stream.indirect.gather [spmem:s3], $0x80, s6, s8, $0xb8;
	[tilespmem:$0x1C288] =	vst v63  }
0x1e3: {  	s20 =	sadd.s32 s18, s17  }
0x1e4: {  	[tilespmem:s21], [sflag:$0x1] =	stream.linear.gather [hbm4b:s20+s4], $0x40, $0x38;
	[tilespmem:$0x1C288] =	vst v63  }
0x1e5: {  	s21 =	simm.s32 $0x9  }
0x1e6: {  	_ =	swait.ge [sflag:s21], $0x2000  }
0x1e7: {  	[sflag:s21] =	ssyncset.done $0x0  }
0x1e8: {  	s30 =	simm.s32 $0xE;
	s25 =	sadd.s32 $0xFFFFF800, s14;
	[sflag:s21] =	ssyncadd.s32 $0xFFFFE000  }
0x1e9: {  	[hbm4b:s25+s4] =	stream.linear.scatter [tilespmem:s31], [sflag:$0x13], $0x2000, $0x38;
	[tilespmem:$0x1C288] =	vst v63  }
0x1ea: {  	_ =	swait.ge [sflag:s30], $0x2000  }
0x1eb: {  	[sflag:s30] =	ssyncset.done $0x0  }
0x1ec: {  	[sflag:s30] =	ssyncadd.s32 $0xFFFFE000  }
0x1ed: {  	_ =	swait.ge [sflag:s7], $0x40  }
0x1ee: {  	[sflag:s7] =	ssyncset.done $0x0  }
0x1ef: {  	s31 =	rddreg [dreg:$0x7];
	[sflag:s7] =	ssyncadd.s32 $0xFFFFFFC0  }
0x1f0: {  	[tilespmem:s26], [sflag:$0x4] =	stream.indirect.gather [spmem:s3], $0x80, s16, s8, $0xb8;
	[tilespmem:$0x1C288] =	vst v63  }
0x1f1: {  	s5 =	simm.s32 $0xA;
	s20 =	sadd.s32 s18, s31  }
0x1f2: {  	[tilespmem:s23], [sflag:$0x1] =	stream.linear.gather [hbm4b:s20+s4], $0x40, $0x38;
	[tilespmem:$0x1C288] =	vst v63  }
0x1f3: {  	_ =	swait.ge [sflag:s5], $0x2000  }
0x1f4: {  	[sflag:s5] =	ssyncset.done $0x0  }
0x1f5: {  	s6 =	sadd.s32 $0xFFFFFC00, s14;
	s20 =	simm.s32 $0xF;
	[sflag:s5] =	ssyncadd.s32 $0xFFFFE000  }
0x1f6: {  	[hbm4b:s6+s4] =	stream.linear.scatter [tilespmem:s2], [sflag:$0x14], $0x2000, $0x38;
	[tilespmem:$0x1C288] =	vst v63  }
0x1f7: {  	_ =	swait.ge [sflag:s20], $0x2000  }
0x1f8: {  	[sflag:s20] =	ssyncset.done $0x0  }
0x1f9: {  	[sflag:s20] =	ssyncadd.s32 $0xFFFFE000  }
0x1fa: {  	_ =	swait.ge [sflag:s7], $0x40  }
0x1fb: {  	[sflag:s7] =	ssyncset.done $0x0  }
0x1fc: {  	s23 =	rddreg [dreg:$0x6];
	[sflag:s7] =	ssyncadd.s32 $0xFFFFFFC0  }
0x1fd: {  	[tilespmem:s28], [sflag:$0x5] =	stream.indirect.gather [spmem:s3], $0x80, s22, s8, $0xb8;
	[tilespmem:$0x1C288] =	vst v63  }
0x1fe: {  	s20 =	sadd.s32 s18, s23;
	s28 =	simm.s32 $0xB  }
0x1ff: {  	[tilespmem:s15], [sflag:$0x1] =	stream.linear.gather [hbm4b:s20+s4], $0x40, $0x38;
	[tilespmem:$0x1C288] =	vst v63  }
0x200: {  	_ =	swait.ge [sflag:s28], $0x2000  }
0x201: {  	p1 =	sne.s32 s13, $0xB90;
	s13 =	sadd.s32 $0x50, s13;
	[sflag:s28] =	ssyncset.done $0x0  }
0x202: {  	s10 =	simm.s32 $0x8288;
	s30 =	simm.s32 $0x10;
	[sflag:s28] =	ssyncadd.s32 $0xFFFFE000  }
0x203: {  	[hbm4b:s14+s4] =	stream.linear.scatter [tilespmem:s0], [sflag:$0x15], $0x2000, $0x38;
	[tilespmem:$0x1C288] =	vst v63  }
0x204: {  	s19 =	simm.s32 $0x8148;
	s1 =	simm.s32 $0xA288;
	_ =	swait.ge [sflag:s30], $0x2000  }
0x205: {  	s17 =	simm.s32 $0x8188;
	s21 =	simm.s32 $0x81C8;
	[sflag:s30] =	ssyncset.done $0x0  }
.Ltmp0:
0x206: {  	s25 =	simm.s32 $0xC288;
	[sflag:s30] =	ssyncadd.s32 $0xFFFFE000;
	(pc) =	sbr.rel @p1 .LBB2_2-.Ltmp0, $4  }
0x207: {  	s26 =	simm.s32 $0xE288;
	s23 =	simm.s32 $0x8208;
	_ =	swait.ge [sflag:s7], $0x40  }
0x208: {  	s15 =	simm.s32 $0x10288;
	[sflag:s7] =	ssyncset.done $0x0;
	s31 =	rddreg [dreg:$0x5]  }
0x209: {  	s14 =	sadd.s32 $0x2800, s14;
	[sflag:s7] =	ssyncadd.s32 $0xFFFFFFC0;
	s18 =	sadd.s32 s18, s31  }
0x20a: {  	[tilespmem:s29], [sflag:$0x6] =	stream.indirect.gather [spmem:s3], $0x80, s24, s8, $0xb8;
	[tilespmem:$0x1C288] =	vst v63  }
0x20b: {  	s14 =	simm.s32 $0x8248;
	s13 =	simm.s32 $0x2  }
0x20c: {  	[tilespmem:s14], [sflag:$0x1] =	stream.linear.gather [hbm4b:s18+s4], $0x40, $0x38;
	[tilespmem:$0x1C288] =	vst v63  }
0x20d: {  	_ =	swait.ge [sflag:s13], $0x2000  }
0x20e: {  	s16 =	sld [smem:$0x7E5]  }
0x20f: {  	[sflag:s13] =	ssyncset.done $0x0  }
0x210: {  	s5 =	simm.s32 $0x11;
	[sflag:s13] =	ssyncadd.s32 $0xFFFFE000  }
0x211: {  	[hbm4b:s16+s4] =	stream.linear.scatter [tilespmem:s10], [sflag:$0xC], $0x2000, $0x38;
	[tilespmem:$0x1C288] =	vst v63  }
0x212: {  	_ =	swait.ge [sflag:s5], $0x2000  }
0x213: {  	[sflag:s5] =	ssyncset.done $0x0  }
0x214: {  	[sflag:s5] =	ssyncadd.s32 $0xFFFFE000  }
0x215: {  	_ =	swait.ge [sflag:s7], $0x40  }
0x216: {  	[sflag:s7] =	ssyncset.done $0x0  }
0x217: {  	s18 =	simm.s32 $0x3;
	s10 =	simm.s32 $0x12288;
	[sflag:s7] =	ssyncadd.s32 $0xFFFFFFC0  }
0x218: {  	[tilespmem:s10], [sflag:$0x7] =	stream.indirect.gather [spmem:s3], $0x80, s19, s8, $0xb8;
	[tilespmem:$0x1C288] =	vst v63  }
0x219: {  	_ =	swait.ge [sflag:s18], $0x2000  }
0x21a: {  	s19 =	sld [smem:$0x7E6]  }
0x21b: {  	[sflag:s18] =	ssyncset.done $0x0  }
0x21c: {  	s6 =	simm.s32 $0x12;
	[sflag:s18] =	ssyncadd.s32 $0xFFFFE000  }
0x21d: {  	[hbm4b:s19+s4] =	stream.linear.scatter [tilespmem:s1], [sflag:$0xD], $0x2000, $0x38;
	[tilespmem:$0x1C288] =	vst v63  }
0x21e: {  	_ =	swait.ge [sflag:s6], $0x2000  }
0x21f: {  	[sflag:s6] =	ssyncset.done $0x0  }
0x220: {  	[sflag:s6] =	ssyncadd.s32 $0xFFFFE000  }
0x221: {  	_ =	swait.ge [sflag:s7], $0x40  }
0x222: {  	[sflag:s7] =	ssyncset.done $0x0  }
0x223: {  	s20 =	simm.s32 $0x14288;
	s22 =	simm.s32 $0x4;
	[sflag:s7] =	ssyncadd.s32 $0xFFFFFFC0  }
0x224: {  	[tilespmem:s20], [sflag:$0x8] =	stream.indirect.gather [spmem:s3], $0x80, s17, s8, $0xb8;
	[tilespmem:$0x1C288] =	vst v63  }
0x225: {  	_ =	swait.ge [sflag:s22], $0x2000  }
0x226: {  	s24 =	sld [smem:$0x7E7]  }
0x227: {  	[sflag:s22] =	ssyncset.done $0x0  }
0x228: {  	[sflag:s22] =	ssyncadd.s32 $0xFFFFE000  }
0x229: {  	[hbm4b:s24+s4] =	stream.linear.scatter [tilespmem:s25], [sflag:$0xE], $0x2000, $0x38;
	[tilespmem:$0x1C288] =	vst v63  }
0x22a: {  	_ =	swait.ge [sflag:s9], $0x2000  }
0x22b: {  	[sflag:s9] =	ssyncset.done $0x0  }
0x22c: {  	[sflag:s9] =	ssyncadd.s32 $0xFFFFE000  }
0x22d: {  	_ =	swait.ge [sflag:s7], $0x40  }
0x22e: {  	[sflag:s7] =	ssyncset.done $0x0  }
0x22f: {  	s16 =	simm.s32 $0x16288;
	s25 =	simm.s32 $0x5;
	[sflag:s7] =	ssyncadd.s32 $0xFFFFFFC0  }
0x230: {  	[tilespmem:s16], [sflag:$0x9] =	stream.indirect.gather [spmem:s3], $0x80, s21, s8, $0xb8;
	[tilespmem:$0x1C288] =	vst v63  }
0x231: {  	_ =	swait.ge [sflag:s25], $0x2000  }
0x232: {  	s28 =	sld [smem:$0x7E8]  }
0x233: {  	[sflag:s25] =	ssyncset.done $0x0  }
0x234: {  	[sflag:s25] =	ssyncadd.s32 $0xFFFFE000  }
0x235: {  	[hbm4b:s28+s4] =	stream.linear.scatter [tilespmem:s26], [sflag:$0xF], $0x2000, $0x38;
	[tilespmem:$0x1C288] =	vst v63  }
0x236: {  	_ =	swait.ge [sflag:s11], $0x2000  }
0x237: {  	[sflag:s11] =	ssyncset.done $0x0  }
0x238: {  	[sflag:s11] =	ssyncadd.s32 $0xFFFFE000  }
0x239: {  	_ =	swait.ge [sflag:s7], $0x40  }
0x23a: {  	[sflag:s7] =	ssyncset.done $0x0  }
0x23b: {  	s2 =	simm.s32 $0x18288;
	s29 =	simm.s32 $0x6;
	[sflag:s7] =	ssyncadd.s32 $0xFFFFFFC0  }
0x23c: {  	[tilespmem:s2], [sflag:$0xA] =	stream.indirect.gather [spmem:s3], $0x80, s23, s8, $0xb8;
	[tilespmem:$0x1C288] =	vst v63  }
0x23d: {  	_ =	swait.ge [sflag:s29], $0x2000  }
0x23e: {  	s30 =	sld [smem:$0x7E9]  }
0x23f: {  	[sflag:s29] =	ssyncset.done $0x0  }
0x240: {  	[sflag:s29] =	ssyncadd.s32 $0xFFFFE000  }
0x241: {  	[hbm4b:s30+s4] =	stream.linear.scatter [tilespmem:s15], [sflag:$0x10], $0x2000, $0x38;
	[tilespmem:$0x1C288] =	vst v63  }
0x242: {  	_ =	swait.ge [sflag:s12], $0x2000  }
0x243: {  	[sflag:s12] =	ssyncset.done $0x0  }
0x244: {  	[sflag:s12] =	ssyncadd.s32 $0xFFFFE000  }
0x245: {  	_ =	swait.ge [sflag:s7], $0x40  }
0x246: {  	[sflag:s7] =	ssyncset.done $0x0  }
0x247: {  	s0 =	simm.s32 $0x1A288;
	s31 =	simm.s32 $0x7;
	[sflag:s7] =	ssyncadd.s32 $0xFFFFFFC0  }
0x248: {  	[tilespmem:s0], [sflag:$0xB] =	stream.indirect.gather [spmem:s3], $0x80, s14, s8, $0xb8;
	[tilespmem:$0x1C288] =	vst v63  }
0x249: {  	_ =	swait.ge [sflag:s31], $0x2000  }
0x24a: {  	s14 =	sld [smem:$0x7EA]  }
0x24b: {  	[sflag:s31] =	ssyncset.done $0x0  }
0x24c: {  	s15 =	simm.s32 $0xC;
	[sflag:s31] =	ssyncadd.s32 $0xFFFFE000  }
0x24d: {  	[hbm4b:s14+s4] =	stream.linear.scatter [tilespmem:s10], [sflag:$0x11], $0x2000, $0x38;
	[tilespmem:$0x1C288] =	vst v63  }
0x24e: {  	_ =	swait.ge [sflag:s15], $0x2000  }
0x24f: {  	[sflag:s15] =	ssyncset.done $0x0  }
0x250: {  	s17 =	simm.s32 $0x8;
	[sflag:s15] =	ssyncadd.s32 $0xFFFFE000  }
0x251: {  	_ =	swait.ge [sflag:s17], $0x2000  }
0x252: {  	s18 =	sld [smem:$0x7EB]  }
0x253: {  	[sflag:s17] =	ssyncset.done $0x0  }
0x254: {  	s19 =	simm.s32 $0xD;
	[sflag:s17] =	ssyncadd.s32 $0xFFFFE000  }
0x255: {  	[hbm4b:s18+s4] =	stream.linear.scatter [tilespmem:s20], [sflag:$0x12], $0x2000, $0x38;
	[tilespmem:$0x1C288] =	vst v63  }
0x256: {  	_ =	swait.ge [sflag:s19], $0x2000  }
0x257: {  	[sflag:s19] =	ssyncset.done $0x0  }
0x258: {  	s20 =	simm.s32 $0x9;
	[sflag:s19] =	ssyncadd.s32 $0xFFFFE000  }
0x259: {  	_ =	swait.ge [sflag:s20], $0x2000  }
0x25a: {  	s21 =	sld [smem:$0x7EC]  }
0x25b: {  	[sflag:s20] =	ssyncset.done $0x0  }
0x25c: {  	s22 =	simm.s32 $0xE;
	[sflag:s20] =	ssyncadd.s32 $0xFFFFE000  }
0x25d: {  	[hbm4b:s21+s4] =	stream.linear.scatter [tilespmem:s16], [sflag:$0x13], $0x2000, $0x38;
	[tilespmem:$0x1C288] =	vst v63  }
0x25e: {  	_ =	swait.ge [sflag:s22], $0x2000  }
0x25f: {  	[sflag:s22] =	ssyncset.done $0x0  }
0x260: {  	s23 =	simm.s32 $0xA;
	[sflag:s22] =	ssyncadd.s32 $0xFFFFE000  }
0x261: {  	_ =	swait.ge [sflag:s23], $0x2000  }
0x262: {  	s24 =	sld [smem:$0x7ED]  }
0x263: {  	[sflag:s23] =	ssyncset.done $0x0  }
0x264: {  	s25 =	simm.s32 $0xF;
	[sflag:s23] =	ssyncadd.s32 $0xFFFFE000  }
0x265: {  	[hbm4b:s24+s4] =	stream.linear.scatter [tilespmem:s2], [sflag:$0x14], $0x2000, $0x38;
	[tilespmem:$0x1C288] =	vst v63  }
0x266: {  	_ =	swait.ge [sflag:s25], $0x2000  }
0x267: {  	[sflag:s25] =	ssyncset.done $0x0  }
0x268: {  	s26 =	simm.s32 $0xB;
	[sflag:s25] =	ssyncadd.s32 $0xFFFFE000  }
0x269: {  	_ =	swait.ge [sflag:s26], $0x2000  }
0x26a: {  	s28 =	sld [smem:$0x7EE]  }
0x26b: {  	[sflag:s26] =	ssyncset.done $0x0  }
0x26c: {  	s29 =	simm.s32 $0x10;
	[sflag:s26] =	ssyncadd.s32 $0xFFFFE000  }
0x26d: {  	[hbm4b:s28+s4] =	stream.linear.scatter [tilespmem:s0], [sflag:$0x15], $0x2000, $0x38;
	[tilespmem:$0x1C288] =	vst v63  }
0x26e: {  	_ =	swait.ge [sflag:s29], $0x2000  }
0x26f: {  	[sflag:s29] =	ssyncset.done $0x0  }
0x270: {  	[sflag:s29] =	ssyncadd.s32 $0xFFFFE000  }
0x271: {  	_ =	swait.ge [sflag:s5], $0x2000  }
0x272: {  	[sflag:s5] =	ssyncset.done $0x0  }
0x273: {  	[sflag:s5] =	ssyncadd.s32 $0xFFFFE000  }
0x274: {  	_ =	swait.ge [sflag:s6], $0x2000  }
0x275: {  	[sflag:s6] =	ssyncset.done $0x0  }
0x276: {  	[sflag:s6] =	ssyncadd.s32 $0xFFFFE000  }
0x277: {  	_ =	swait.ge [sflag:s9], $0x2000  }
0x278: {  	[sflag:s9] =	ssyncset.done $0x0  }
0x279: {  	[sflag:s9] =	ssyncadd.s32 $0xFFFFE000  }
0x27a: {  	_ =	swait.ge [sflag:s11], $0x2000  }
0x27b: {  	[sflag:s11] =	ssyncset.done $0x0  }
0x27c: {  	[sflag:s11] =	ssyncadd.s32 $0xFFFFE000  }
0x27d: {  	_ =	swait.ge [sflag:s12], $0x2000  }
0x27e: {  	s30 =	sld [smem:$0x7DF]  }
0x27f: {  	s31 =	sld [smem:$0x7EF];
	_ =	sdelay $0x1  }
0x280: {  	s0 =	sadd.s32 $0x1, s30  }
0x281: {  	p1 =	sne.s32 s0, s31  }
.Ltmp1:
0x282: {  	_ = 	snop;
	(pc) =	sbr.rel @p1 .LBB2_1-.Ltmp1, $4  }
0x283: {  	_ = 	snop  }
0x284: {  	s14 =	simm.s32 $0x8008  }
0x285: {  	s18 =	simm.s32 $0x8048;
	s20 =	simm.s32 $0x80C8;
	[sflag:s12] =	ssyncset.done $0x0  }
0x286: {  	s16 =	simm.s32 $0x8088;
	s22 =	simm.s32 $0x8108;
	[sflag:s12] =	ssyncadd.s32 $0xFFFFE000  }
0x287: {  	_ =	sfence.sel $0x180000  }
0x288: {  	[bflag:$0x0] =	sbarrier.arrive $0xFFFF  }
0x289: {  	_ =	strace $0x90000047  }
0x28a: {  	s0 =	stileid.u32;
	[bflag:$0x2] =	sbarrier.arrive $0xFFFF  }
0x28b: {  	p0 =	sne.s32 s0, $0x0;
	s0 =	rddreg [dreg:$0x4]  }
0x28c: {  	s0 =	sadd.s32 @!p0 $0x100000, s0  }
0x28d: {  	[sflag:s0] =	ssyncadd.tile.s32 @!p0 $0x1;
	_ =	shalt  }
.Lfunc_end2:
_tile_overlayer_lowered:
.L_overlay_start_2:
0x28e: {  	(tag) =	ssettag $0x2  }
0x28f: {  	s0 =	rddreg [dreg:$0x0];
	s2 =	stileid.u32  }
0x290: {  	s1 =	rddreg [dreg:$0x1];
	p0 =	sne.s32 s2, $0x0  }
0x291: {  	s3 =	rddreg [dreg:$0x2];
	[bflag:$0x3] =	sbarrier.arrive $0xFFFF;
	s2 =	simm.s32 @!p0 $0x1C17  }
0x292: {  	[timem:s3], [sflag:s2] =	dma.local @!p0 [hbm:s0], s1  }
0x293: {  	s0 =	simm.s32 @!p0 $0x17  }
0x294: {  	_ =	swait.ge @!p0 [sflag:s0], s1  }
0x295: {  	s1 =	ssub.s32 @!p0 $0x0, s1;
	[sflag:s0] =	ssyncset.done @!p0 $0x0  }
0x296: {  	[sflag:s0] =	ssyncadd.s32 @!p0 s1  }
0x297: {  	[bflag:$0x3] =	sbarrier.arrive $0xFFFF  }
0x298: {  	_ =	shalt  }

</sc_bundles>
